<compile_context>
chip_gen: v7x
topology: tpu7x:2x2x1
jax: 0.10.2.dev20260603
libtpu: 0.0.44.dev20260713+nightly
codegen_flags: <defaults>
</compile_context>

<pallas_src>
import functools

import jax
import jax.numpy as jnp
from jax import lax
from jax.experimental import pallas as pl
from jax.experimental.pallas import tpu as pltpu
from jax.experimental.pallas import tpu_sc as plsc

B = 4096
T = 200
D = 32
FLAT = B * T
HALVES = ((0, 104), (104, 96))
PAIR = 200
NBUF = 4
ROW_UNROLL = 8


@functools.lru_cache(maxsize=None)
def _sc_kernel():
    info = plsc.get_sparse_core_info()
    NC, NS = info.num_cores, info.num_subcores
    NW = NC * NS
    rows_per_w = FLAT // NW
    pairs = rows_per_w // PAIR
    steps = pairs // NBUF

    mesh = plsc.VectorSubcoreMesh(core_axis_name="c", subcore_axis_name="s")

    @functools.partial(
        pl.kernel,
        mesh=mesh,
        compiler_params=pltpu.CompilerParams(use_tc_tiling_on_sc=False),
        out_type=jax.ShapeDtypeStruct((B, T, 128), jnp.float32),
        scratch_types=[
            pltpu.VMEM((pairs, T), jnp.int32),
            pltpu.VMEM((T, D), jnp.float32),
            pltpu.VMEM((NBUF, PAIR, D), jnp.float32),
            pltpu.VMEM((NBUF, PAIR, D), jnp.float32),
            *([pltpu.SemaphoreType.DMA] * (2 * NBUF)),
        ],
    )
    def k(x_hbm, tok_hbm, pos_hbm, out_hbm, idx_v, pos_v, gbuf, obuf, *sems):
        gsem = sems[:NBUF]
        osem = sems[NBUF:]
        cid = lax.axis_index("c")
        sid = lax.axis_index("s")
        wid = sid * NC + cid
        bq0 = wid * pairs

        pltpu.sync_copy(x_hbm.at[pl.ds(bq0, pairs), :], idx_v)
        pltpu.sync_copy(pos_hbm, pos_v)

        def issue_gather(p, b):
            for start, n in HALVES:
                pltpu.async_copy(
                    tok_hbm.at[idx_v.at[p, pl.ds(start, n)]],
                    gbuf.at[b, pl.ds(start, n), :], gsem[b])

        def wait_gather(b):
            for start, n in HALVES:
                pltpu.make_async_copy(
                    tok_hbm.at[idx_v.at[0, pl.ds(0, n)]],
                    gbuf.at[b, pl.ds(start, n), :], gsem[b]).wait()

        def issue_out(p, b):
            pltpu.async_copy(
                obuf.at[b], out_hbm.at[bq0 + p, :, pl.ds(0, D)], osem[b])

        def wait_out(b):
            pltpu.make_async_copy(
                obuf.at[b], out_hbm.at[bq0, :, pl.ds(0, D)], osem[b]).wait()

        def add_pos(b):
            def add_body(i, _):
                r0 = i * ROW_UNROLL
                for dr in range(ROW_UNROLL):
                    r = r0 + dr
                    for h in (0, 16):
                        obuf[b, r, pl.ds(h, 16)] = (
                            gbuf[b, r, pl.ds(h, 16)] + pos_v[r, pl.ds(h, 16)])
                return 0
            lax.fori_loop(0, T // ROW_UNROLL, add_body, 0)

        for b in range(NBUF):
            issue_gather(b, b)

        def step_body(s, _):
            for b in range(NBUF):
                p = s * NBUF + b
                wait_gather(b)

                @pl.when(s > 0)
                def _():
                    wait_out(b)

                add_pos(b)
                issue_out(p, b)

                @pl.when(p + NBUF < pairs)
                def _():
                    issue_gather(p + NBUF, b)
            return 0

        lax.fori_loop(0, steps, step_body, 0)
        for b in range(NBUF):
            wait_out(b)

    return k


def kernel(x, token_table, pos_table):
    out = _sc_kernel()(x.astype(jnp.int32), token_table, pos_table)
    return out[:, :, :D]

# --- scband reference (transcript-rebuilt; emitter-appended) ---
"""Pipeline reference for scband-token-and-position-embedding-90529320665668 (READ-ONLY COPY).

The authoritative reference and input builder live on the scoring server;
editing this copy changes nothing except your own understanding.
"""

import jax, jax.numpy as jnp
import numpy as np

VOCAB_SIZE = 1000000
EMBED_DIM = 32
MAXLEN = 200
BATCH = 4096

def setup_inputs(seed: int = 0) -> dict:
    key = jax.random.key(seed)
    k1, k2, k3 = jax.random.split(key, 3)
    x = jax.random.randint(k1, (BATCH, MAXLEN), 0, VOCAB_SIZE, dtype=jnp.int64 if jax.config.jax_enable_x64 else jnp.int32)
    token_table = jax.random.normal(k2, (VOCAB_SIZE, EMBED_DIM), dtype=jnp.float32) * 0.05
    pos_table = jax.random.normal(k3, (MAXLEN, EMBED_DIM), dtype=jnp.float32) * 0.05
    return {"x": x, "token_table": token_table, "pos_table": pos_table}

def reference(x, token_table, pos_table):
    # maxlen = x.shape[-1]; positions = range(maxlen)
    maxlen = x.shape[-1]
    positions = jnp.arange(maxlen)
    pos_emb = jnp.take(pos_table, positions, axis=0)        # [maxlen, D]
    tok_emb = jnp.take(token_table, x, axis=0)              # [B, maxlen, D]
    return tok_emb + pos_emb[None, :, :]

if __name__ == "__main__":
    import jax
    _d = setup_inputs()
    print(jax.jit(kernel)(*tuple(_d.values())))

</pallas_src>

<mosaic_0001>
#map = affine_map<(d0, d1) -> (0, 0)>
#map1 = affine_map<(d0, d1) -> (0, 0, 0)>
module attributes {stable_mosaic.version = 14 : i64} {
  func.func @k(%arg0: i32, %arg1: i32, %arg2: memref<4096x200xi32, #tpu.memory_space<hbm>>, %arg3: memref<1000000x32xf32, #tpu.memory_space<hbm>>, %arg4: memref<200x32xf32, #tpu.memory_space<hbm>>, %arg5: memref<4096x200x128xf32, #tpu.memory_space<hbm>>, %arg6: memref<128x200xi32, #tpu.memory_space<vmem>>, %arg7: memref<200x32xf32, #tpu.memory_space<vmem>>, %arg8: memref<4x200x32xf32, #tpu.memory_space<vmem>>, %arg9: memref<4x200x32xf32, #tpu.memory_space<vmem>>, %arg10: memref<!tpu.dma_semaphore, #tpu.memory_space<semaphore_mem>>, %arg11: memref<!tpu.dma_semaphore, #tpu.memory_space<semaphore_mem>>, %arg12: memref<!tpu.dma_semaphore, #tpu.memory_space<semaphore_mem>>, %arg13: memref<!tpu.dma_semaphore, #tpu.memory_space<semaphore_mem>>, %arg14: memref<!tpu.dma_semaphore, #tpu.memory_space<semaphore_mem>>, %arg15: memref<!tpu.dma_semaphore, #tpu.memory_space<semaphore_mem>>, %arg16: memref<!tpu.dma_semaphore, #tpu.memory_space<semaphore_mem>>, %arg17: memref<!tpu.dma_semaphore, #tpu.memory_space<semaphore_mem>>) attributes {dimension_semantics = [#tpu.dimension_semantics<core_parallel>, #tpu.dimension_semantics<subcore_parallel>], iteration_bounds = array<i64: 2, 16>, scalar_prefetch = 0 : i64, scratch_operands = 12 : i64, tpu.core_type = #tpu.core_type<sc_vector_subcore>, window_params = [{transform_indices = #map}, {transform_indices = #map}, {transform_indices = #map}, {transform_indices = #map1}]} {
    %mul3A = arith.constant 2 : i32
    %mul3A_0 = arith.muli %arg1, %mul3A : i32
    %add3A = arith.addi %mul3A_0, %arg0 : i32
    %mul3A_1 = arith.constant 128 : i32
    %mul3A_2 = arith.muli %add3A, %mul3A_1 : i32
    "tpu.region"() ({
      %run_scoped3A = tpu.sem_alloc : memref<!tpu.dma_semaphore, #tpu.memory_space<semaphore_mem>>
      %dma_start3A_171 = arith.constant 0 : i32
      %dma_start3A_172 = tpu.memref_slice %arg2[%mul3A_2, %dma_start3A_171] : memref<4096x200xi32, #tpu.memory_space<hbm>> -> memref<128x200xi32, #tpu.memory_space<hbm>>
      %dma_start3A_173 = arith.constant 0 : i32
      %dma_start3A_174 = tpu.memref_slice %arg2[%mul3A_2, %dma_start3A_173] : memref<4096x200xi32, #tpu.memory_space<hbm>> -> memref<128x200xi32, #tpu.memory_space<hbm>>
      tpu.enqueue_dma source(%dma_start3A_174 : memref<128x200xi32, #tpu.memory_space<hbm>>) target(%arg6 : memref<128x200xi32, #tpu.memory_space<vmem>>) target_semaphore(%run_scoped3A : memref<!tpu.dma_semaphore, #tpu.memory_space<semaphore_mem>>)
      %dma_wait3A_175 = arith.constant 0 : i32
      %dma_wait3A_176 = tpu.memref_slice %arg2[%mul3A_2, %dma_wait3A_175] : memref<4096x200xi32, #tpu.memory_space<hbm>> -> memref<128x200xi32, #tpu.memory_space<hbm>>
      %dma_wait3A_177 = arith.constant 0 : i32
      %dma_wait3A_178 = tpu.memref_slice %arg2[%mul3A_2, %dma_wait3A_177] : memref<4096x200xi32, #tpu.memory_space<hbm>> -> memref<128x200xi32, #tpu.memory_space<hbm>>
      tpu.wait_dma2 semaphore(%run_scoped3A : memref<!tpu.dma_semaphore, #tpu.memory_space<semaphore_mem>>) src(%dma_wait3A_178 : memref<128x200xi32, #tpu.memory_space<hbm>>) dst(%arg6 : memref<128x200xi32, #tpu.memory_space<vmem>>)
      tpu.yield
    }) : () -> ()
    "tpu.region"() ({
      %run_scoped3A = tpu.sem_alloc : memref<!tpu.dma_semaphore, #tpu.memory_space<semaphore_mem>>
      tpu.enqueue_dma source(%arg4 : memref<200x32xf32, #tpu.memory_space<hbm>>) target(%arg7 : memref<200x32xf32, #tpu.memory_space<vmem>>) target_semaphore(%run_scoped3A : memref<!tpu.dma_semaphore, #tpu.memory_space<semaphore_mem>>)
      tpu.wait_dma2 semaphore(%run_scoped3A : memref<!tpu.dma_semaphore, #tpu.memory_space<semaphore_mem>>) src(%arg4 : memref<200x32xf32, #tpu.memory_space<hbm>>) dst(%arg7 : memref<200x32xf32, #tpu.memory_space<vmem>>)
      tpu.yield
    }) : () -> ()
    %dma_start3A = arith.constant 0 : i32
    %dma_start3A_3 = arith.constant 0 : i32
    %dma_start3A_4 = arith.constant 0 : i32
    %dma_start3A_5 = arith.constant 0 : i32
    %dma_start3A_6 = tpu.memref_slice %arg8[%dma_start3A_3, %dma_start3A_4, %dma_start3A_5] : memref<4x200x32xf32, #tpu.memory_space<vmem>> -> memref<1x104x32xf32, #tpu.memory_space<vmem>>
    %dma_start3A_7 = tpu.memref_squeeze %dma_start3A_6 : memref<1x104x32xf32, #tpu.memory_space<vmem>> -> memref<104x32xf32, #tpu.memory_space<vmem>>
    %dma_start3A_8 = arith.constant 0 : i32
    %dma_start3A_9 = tpu.memref_slice %arg6[%dma_start3A, %dma_start3A_8] : memref<128x200xi32, #tpu.memory_space<vmem>> -> memref<1x104xi32, #tpu.memory_space<vmem>>
    %dma_start3A_10 = tpu.memref_squeeze %dma_start3A_9 : memref<1x104xi32, #tpu.memory_space<vmem>> -> memref<104xi32, #tpu.memory_space<vmem>>
    %dma_start3A_11 = arith.constant 0 : i32
    %dma_start3A_12 = arith.constant 0 : i32
    %dma_start3A_13 = tpu.memref_slice %arg3[%dma_start3A_11, %dma_start3A_12] : memref<1000000x32xf32, #tpu.memory_space<hbm>> -> memref<1000000x32xf32, #tpu.memory_space<hbm>>
    tpu.enqueue_indirect_dma source(%dma_start3A_13 : memref<1000000x32xf32, #tpu.memory_space<hbm>>) target(%dma_start3A_7 : memref<104x32xf32, #tpu.memory_space<vmem>>) offsets(%dma_start3A_10 : memref<104xi32, #tpu.memory_space<vmem>>) semaphore(%arg10 : memref<!tpu.dma_semaphore, #tpu.memory_space<semaphore_mem>>)
    %dma_start3A_14 = arith.constant 0 : i32
    %dma_start3A_15 = arith.constant 0 : i32
    %dma_start3A_16 = arith.constant 104 : i32
    %dma_start3A_17 = arith.constant 0 : i32
    %dma_start3A_18 = tpu.memref_slice %arg8[%dma_start3A_15, %dma_start3A_16, %dma_start3A_17] : memref<4x200x32xf32, #tpu.memory_space<vmem>> -> memref<1x96x32xf32, #tpu.memory_space<vmem>>
    %dma_start3A_19 = tpu.memref_squeeze %dma_start3A_18 : memref<1x96x32xf32, #tpu.memory_space<vmem>> -> memref<96x32xf32, #tpu.memory_space<vmem>>
    %dma_start3A_20 = arith.constant 104 : i32
    %dma_start3A_21 = tpu.memref_slice %arg6[%dma_start3A_14, %dma_start3A_20] : memref<128x200xi32, #tpu.memory_space<vmem>> -> memref<1x96xi32, #tpu.memory_space<vmem>>
    %dma_start3A_22 = tpu.memref_squeeze %dma_start3A_21 : memref<1x96xi32, #tpu.memory_space<vmem>> -> memref<96xi32, #tpu.memory_space<vmem>>
    %dma_start3A_23 = arith.constant 0 : i32
    %dma_start3A_24 = arith.constant 0 : i32
    %dma_start3A_25 = tpu.memref_slice %arg3[%dma_start3A_23, %dma_start3A_24] : memref<1000000x32xf32, #tpu.memory_space<hbm>> -> memref<1000000x32xf32, #tpu.memory_space<hbm>>
    tpu.enqueue_indirect_dma source(%dma_start3A_25 : memref<1000000x32xf32, #tpu.memory_space<hbm>>) target(%dma_start3A_19 : memref<96x32xf32, #tpu.memory_space<vmem>>) offsets(%dma_start3A_22 : memref<96xi32, #tpu.memory_space<vmem>>) semaphore(%arg10 : memref<!tpu.dma_semaphore, #tpu.memory_space<semaphore_mem>>)
    %dma_start3A_26 = arith.constant 1 : i32
    %dma_start3A_27 = arith.constant 1 : i32
    %dma_start3A_28 = arith.constant 0 : i32
    %dma_start3A_29 = arith.constant 0 : i32
    %dma_start3A_30 = tpu.memref_slice %arg8[%dma_start3A_27, %dma_start3A_28, %dma_start3A_29] : memref<4x200x32xf32, #tpu.memory_space<vmem>> -> memref<1x104x32xf32, #tpu.memory_space<vmem>>
    %dma_start3A_31 = tpu.memref_squeeze %dma_start3A_30 : memref<1x104x32xf32, #tpu.memory_space<vmem>> -> memref<104x32xf32, #tpu.memory_space<vmem>>
    %dma_start3A_32 = arith.constant 0 : i32
    %dma_start3A_33 = tpu.memref_slice %arg6[%dma_start3A_26, %dma_start3A_32] : memref<128x200xi32, #tpu.memory_space<vmem>> -> memref<1x104xi32, #tpu.memory_space<vmem>>
    %dma_start3A_34 = tpu.memref_squeeze %dma_start3A_33 : memref<1x104xi32, #tpu.memory_space<vmem>> -> memref<104xi32, #tpu.memory_space<vmem>>
    %dma_start3A_35 = arith.constant 0 : i32
    %dma_start3A_36 = arith.constant 0 : i32
    %dma_start3A_37 = tpu.memref_slice %arg3[%dma_start3A_35, %dma_start3A_36] : memref<1000000x32xf32, #tpu.memory_space<hbm>> -> memref<1000000x32xf32, #tpu.memory_space<hbm>>
    tpu.enqueue_indirect_dma source(%dma_start3A_37 : memref<1000000x32xf32, #tpu.memory_space<hbm>>) target(%dma_start3A_31 : memref<104x32xf32, #tpu.memory_space<vmem>>) offsets(%dma_start3A_34 : memref<104xi32, #tpu.memory_space<vmem>>) semaphore(%arg11 : memref<!tpu.dma_semaphore, #tpu.memory_space<semaphore_mem>>)
    %dma_start3A_38 = arith.constant 1 : i32
    %dma_start3A_39 = arith.constant 1 : i32
    %dma_start3A_40 = arith.constant 104 : i32
    %dma_start3A_41 = arith.constant 0 : i32
    %dma_start3A_42 = tpu.memref_slice %arg8[%dma_start3A_39, %dma_start3A_40, %dma_start3A_41] : memref<4x200x32xf32, #tpu.memory_space<vmem>> -> memref<1x96x32xf32, #tpu.memory_space<vmem>>
    %dma_start3A_43 = tpu.memref_squeeze %dma_start3A_42 : memref<1x96x32xf32, #tpu.memory_space<vmem>> -> memref<96x32xf32, #tpu.memory_space<vmem>>
    %dma_start3A_44 = arith.constant 104 : i32
    %dma_start3A_45 = tpu.memref_slice %arg6[%dma_start3A_38, %dma_start3A_44] : memref<128x200xi32, #tpu.memory_space<vmem>> -> memref<1x96xi32, #tpu.memory_space<vmem>>
    %dma_start3A_46 = tpu.memref_squeeze %dma_start3A_45 : memref<1x96xi32, #tpu.memory_space<vmem>> -> memref<96xi32, #tpu.memory_space<vmem>>
    %dma_start3A_47 = arith.constant 0 : i32
    %dma_start3A_48 = arith.constant 0 : i32
    %dma_start3A_49 = tpu.memref_slice %arg3[%dma_start3A_47, %dma_start3A_48] : memref<1000000x32xf32, #tpu.memory_space<hbm>> -> memref<1000000x32xf32, #tpu.memory_space<hbm>>
    tpu.enqueue_indirect_dma source(%dma_start3A_49 : memref<1000000x32xf32, #tpu.memory_space<hbm>>) target(%dma_start3A_43 : memref<96x32xf32, #tpu.memory_space<vmem>>) offsets(%dma_start3A_46 : memref<96xi32, #tpu.memory_space<vmem>>) semaphore(%arg11 : memref<!tpu.dma_semaphore, #tpu.memory_space<semaphore_mem>>)
    %dma_start3A_50 = arith.constant 2 : i32
    %dma_start3A_51 = arith.constant 2 : i32
    %dma_start3A_52 = arith.constant 0 : i32
    %dma_start3A_53 = arith.constant 0 : i32
    %dma_start3A_54 = tpu.memref_slice %arg8[%dma_start3A_51, %dma_start3A_52, %dma_start3A_53] : memref<4x200x32xf32, #tpu.memory_space<vmem>> -> memref<1x104x32xf32, #tpu.memory_space<vmem>>
    %dma_start3A_55 = tpu.memref_squeeze %dma_start3A_54 : memref<1x104x32xf32, #tpu.memory_space<vmem>> -> memref<104x32xf32, #tpu.memory_space<vmem>>
    %dma_start3A_56 = arith.constant 0 : i32
    %dma_start3A_57 = tpu.memref_slice %arg6[%dma_start3A_50, %dma_start3A_56] : memref<128x200xi32, #tpu.memory_space<vmem>> -> memref<1x104xi32, #tpu.memory_space<vmem>>
    %dma_start3A_58 = tpu.memref_squeeze %dma_start3A_57 : memref<1x104xi32, #tpu.memory_space<vmem>> -> memref<104xi32, #tpu.memory_space<vmem>>
    %dma_start3A_59 = arith.constant 0 : i32
    %dma_start3A_60 = arith.constant 0 : i32
    %dma_start3A_61 = tpu.memref_slice %arg3[%dma_start3A_59, %dma_start3A_60] : memref<1000000x32xf32, #tpu.memory_space<hbm>> -> memref<1000000x32xf32, #tpu.memory_space<hbm>>
    tpu.enqueue_indirect_dma source(%dma_start3A_61 : memref<1000000x32xf32, #tpu.memory_space<hbm>>) target(%dma_start3A_55 : memref<104x32xf32, #tpu.memory_space<vmem>>) offsets(%dma_start3A_58 : memref<104xi32, #tpu.memory_space<vmem>>) semaphore(%arg12 : memref<!tpu.dma_semaphore, #tpu.memory_space<semaphore_mem>>)
    %dma_start3A_62 = arith.constant 2 : i32
    %dma_start3A_63 = arith.constant 2 : i32
    %dma_start3A_64 = arith.constant 104 : i32
    %dma_start3A_65 = arith.constant 0 : i32
    %dma_start3A_66 = tpu.memref_slice %arg8[%dma_start3A_63, %dma_start3A_64, %dma_start3A_65] : memref<4x200x32xf32, #tpu.memory_space<vmem>> -> memref<1x96x32xf32, #tpu.memory_space<vmem>>
    %dma_start3A_67 = tpu.memref_squeeze %dma_start3A_66 : memref<1x96x32xf32, #tpu.memory_space<vmem>> -> memref<96x32xf32, #tpu.memory_space<vmem>>
    %dma_start3A_68 = arith.constant 104 : i32
    %dma_start3A_69 = tpu.memref_slice %arg6[%dma_start3A_62, %dma_start3A_68] : memref<128x200xi32, #tpu.memory_space<vmem>> -> memref<1x96xi32, #tpu.memory_space<vmem>>
    %dma_start3A_70 = tpu.memref_squeeze %dma_start3A_69 : memref<1x96xi32, #tpu.memory_space<vmem>> -> memref<96xi32, #tpu.memory_space<vmem>>
    %dma_start3A_71 = arith.constant 0 : i32
    %dma_start3A_72 = arith.constant 0 : i32
    %dma_start3A_73 = tpu.memref_slice %arg3[%dma_start3A_71, %dma_start3A_72] : memref<1000000x32xf32, #tpu.memory_space<hbm>> -> memref<1000000x32xf32, #tpu.memory_space<hbm>>
    tpu.enqueue_indirect_dma source(%dma_start3A_73 : memref<1000000x32xf32, #tpu.memory_space<hbm>>) target(%dma_start3A_67 : memref<96x32xf32, #tpu.memory_space<vmem>>) offsets(%dma_start3A_70 : memref<96xi32, #tpu.memory_space<vmem>>) semaphore(%arg12 : memref<!tpu.dma_semaphore, #tpu.memory_space<semaphore_mem>>)
    %dma_start3A_74 = arith.constant 3 : i32
    %dma_start3A_75 = arith.constant 3 : i32
    %dma_start3A_76 = arith.constant 0 : i32
    %dma_start3A_77 = arith.constant 0 : i32
    %dma_start3A_78 = tpu.memref_slice %arg8[%dma_start3A_75, %dma_start3A_76, %dma_start3A_77] : memref<4x200x32xf32, #tpu.memory_space<vmem>> -> memref<1x104x32xf32, #tpu.memory_space<vmem>>
    %dma_start3A_79 = tpu.memref_squeeze %dma_start3A_78 : memref<1x104x32xf32, #tpu.memory_space<vmem>> -> memref<104x32xf32, #tpu.memory_space<vmem>>
    %dma_start3A_80 = arith.constant 0 : i32
    %dma_start3A_81 = tpu.memref_slice %arg6[%dma_start3A_74, %dma_start3A_80] : memref<128x200xi32, #tpu.memory_space<vmem>> -> memref<1x104xi32, #tpu.memory_space<vmem>>
    %dma_start3A_82 = tpu.memref_squeeze %dma_start3A_81 : memref<1x104xi32, #tpu.memory_space<vmem>> -> memref<104xi32, #tpu.memory_space<vmem>>
    %dma_start3A_83 = arith.constant 0 : i32
    %dma_start3A_84 = arith.constant 0 : i32
    %dma_start3A_85 = tpu.memref_slice %arg3[%dma_start3A_83, %dma_start3A_84] : memref<1000000x32xf32, #tpu.memory_space<hbm>> -> memref<1000000x32xf32, #tpu.memory_space<hbm>>
    tpu.enqueue_indirect_dma source(%dma_start3A_85 : memref<1000000x32xf32, #tpu.memory_space<hbm>>) target(%dma_start3A_79 : memref<104x32xf32, #tpu.memory_space<vmem>>) offsets(%dma_start3A_82 : memref<104xi32, #tpu.memory_space<vmem>>) semaphore(%arg13 : memref<!tpu.dma_semaphore, #tpu.memory_space<semaphore_mem>>)
    %dma_start3A_86 = arith.constant 3 : i32
    %dma_start3A_87 = arith.constant 3 : i32
    %dma_start3A_88 = arith.constant 104 : i32
    %dma_start3A_89 = arith.constant 0 : i32
    %dma_start3A_90 = tpu.memref_slice %arg8[%dma_start3A_87, %dma_start3A_88, %dma_start3A_89] : memref<4x200x32xf32, #tpu.memory_space<vmem>> -> memref<1x96x32xf32, #tpu.memory_space<vmem>>
    %dma_start3A_91 = tpu.memref_squeeze %dma_start3A_90 : memref<1x96x32xf32, #tpu.memory_space<vmem>> -> memref<96x32xf32, #tpu.memory_space<vmem>>
    %dma_start3A_92 = arith.constant 104 : i32
    %dma_start3A_93 = tpu.memref_slice %arg6[%dma_start3A_86, %dma_start3A_92] : memref<128x200xi32, #tpu.memory_space<vmem>> -> memref<1x96xi32, #tpu.memory_space<vmem>>
    %dma_start3A_94 = tpu.memref_squeeze %dma_start3A_93 : memref<1x96xi32, #tpu.memory_space<vmem>> -> memref<96xi32, #tpu.memory_space<vmem>>
    %dma_start3A_95 = arith.constant 0 : i32
    %dma_start3A_96 = arith.constant 0 : i32
    %dma_start3A_97 = tpu.memref_slice %arg3[%dma_start3A_95, %dma_start3A_96] : memref<1000000x32xf32, #tpu.memory_space<hbm>> -> memref<1000000x32xf32, #tpu.memory_space<hbm>>
    tpu.enqueue_indirect_dma source(%dma_start3A_97 : memref<1000000x32xf32, #tpu.memory_space<hbm>>) target(%dma_start3A_91 : memref<96x32xf32, #tpu.memory_space<vmem>>) offsets(%dma_start3A_94 : memref<96xi32, #tpu.memory_space<vmem>>) semaphore(%arg13 : memref<!tpu.dma_semaphore, #tpu.memory_space<semaphore_mem>>)
    %scan3A = arith.constant 0 : i32
    %scan3A_98 = arith.constant 0 : i32
    %scan3A_99 = arith.constant 32 : i32
    %scan3A_100 = arith.addi %scan3A_98, %scan3A_99 : i32
    %scan3A_101 = arith.constant 1 : i32
    %scan3A_102 = scf.for %scan3A_171 = %scan3A_98 to %scan3A_100 step %scan3A_101 iter_args(%scan3A_172 = %scan3A) -> (i32)  : i32 {
      %mul3A_173 = arith.constant 4 : i32
      %mul3A_174 = arith.muli %scan3A_171, %mul3A_173 : i32
      %add3A_175 = arith.constant 0 : i32
      %add3A_176 = arith.addi %mul3A_174, %add3A_175 : i32
      %dma_wait3A_177 = arith.constant 0 : i32
      %dma_wait3A_178 = arith.constant 0 : i32
      %dma_wait3A_179 = arith.constant 0 : i32
      %dma_wait3A_180 = arith.constant 0 : i32
      %dma_wait3A_181 = tpu.memref_slice %arg8[%dma_wait3A_178, %dma_wait3A_179, %dma_wait3A_180] : memref<4x200x32xf32, #tpu.memory_space<vmem>> -> memref<1x104x32xf32, #tpu.memory_space<vmem>>
      %dma_wait3A_182 = tpu.memref_squeeze %dma_wait3A_181 : memref<1x104x32xf32, #tpu.memory_space<vmem>> -> memref<104x32xf32, #tpu.memory_space<vmem>>
      %dma_wait3A_183 = arith.constant 0 : i32
      %dma_wait3A_184 = tpu.memref_slice %arg6[%dma_wait3A_177, %dma_wait3A_183] : memref<128x200xi32, #tpu.memory_space<vmem>> -> memref<1x104xi32, #tpu.memory_space<vmem>>
      %dma_wait3A_185 = tpu.memref_squeeze %dma_wait3A_184 : memref<1x104xi32, #tpu.memory_space<vmem>> -> memref<104xi32, #tpu.memory_space<vmem>>
      %dma_wait3A_186 = arith.constant 0 : i32
      %dma_wait3A_187 = arith.constant 0 : i32
      %dma_wait3A_188 = tpu.memref_slice %arg3[%dma_wait3A_186, %dma_wait3A_187] : memref<1000000x32xf32, #tpu.memory_space<hbm>> -> memref<1000000x32xf32, #tpu.memory_space<hbm>>
      tpu.wait_indirect_dma semaphore(%arg10 : memref<!tpu.dma_semaphore, #tpu.memory_space<semaphore_mem>>) src(%dma_wait3A_188 : memref<1000000x32xf32, #tpu.memory_space<hbm>>) dst(%dma_wait3A_182 : memref<104x32xf32, #tpu.memory_space<vmem>>)
      %dma_wait3A_189 = arith.constant 0 : i32
      %dma_wait3A_190 = arith.constant 0 : i32
      %dma_wait3A_191 = arith.constant 104 : i32
      %dma_wait3A_192 = arith.constant 0 : i32
      %dma_wait3A_193 = tpu.memref_slice %arg8[%dma_wait3A_190, %dma_wait3A_191, %dma_wait3A_192] : memref<4x200x32xf32, #tpu.memory_space<vmem>> -> memref<1x96x32xf32, #tpu.memory_space<vmem>>
      %dma_wait3A_194 = tpu.memref_squeeze %dma_wait3A_193 : memref<1x96x32xf32, #tpu.memory_space<vmem>> -> memref<96x32xf32, #tpu.memory_space<vmem>>
      %dma_wait3A_195 = arith.constant 0 : i32
      %dma_wait3A_196 = tpu.memref_slice %arg6[%dma_wait3A_189, %dma_wait3A_195] : memref<128x200xi32, #tpu.memory_space<vmem>> -> memref<1x96xi32, #tpu.memory_space<vmem>>
      %dma_wait3A_197 = tpu.memref_squeeze %dma_wait3A_196 : memref<1x96xi32, #tpu.memory_space<vmem>> -> memref<96xi32, #tpu.memory_space<vmem>>
      %dma_wait3A_198 = arith.constant 0 : i32
      %dma_wait3A_199 = arith.constant 0 : i32
      %dma_wait3A_200 = tpu.memref_slice %arg3[%dma_wait3A_198, %dma_wait3A_199] : memref<1000000x32xf32, #tpu.memory_space<hbm>> -> memref<1000000x32xf32, #tpu.memory_space<hbm>>
      tpu.wait_indirect_dma semaphore(%arg10 : memref<!tpu.dma_semaphore, #tpu.memory_space<semaphore_mem>>) src(%dma_wait3A_200 : memref<1000000x32xf32, #tpu.memory_space<hbm>>) dst(%dma_wait3A_194 : memref<96x32xf32, #tpu.memory_space<vmem>>)
      %gt3A = arith.constant 0 : i32
      %gt3A_201 = arith.cmpi sgt, %scan3A_171, %gt3A : i32
      %convert_element_type3A = arith.extui %gt3A_201 : i1 to i32
      %cond3A = arith.constant 0 : i32
      %cond3A_202 = arith.cmpi ne, %convert_element_type3A, %cond3A : i32
      scf.if %cond3A_202 {
        %dma_wait3A_430 = arith.constant 0 : i32
        %dma_wait3A_431 = arith.constant 0 : i32
        %dma_wait3A_432 = arith.constant 0 : i32
        %dma_wait3A_433 = tpu.memref_slice %arg9[%dma_wait3A_430, %dma_wait3A_431, %dma_wait3A_432] : memref<4x200x32xf32, #tpu.memory_space<vmem>> -> memref<1x200x32xf32, #tpu.memory_space<vmem>>
        %dma_wait3A_434 = tpu.memref_squeeze %dma_wait3A_433 : memref<1x200x32xf32, #tpu.memory_space<vmem>> -> memref<200x32xf32, #tpu.memory_space<vmem>>
        %dma_wait3A_435 = arith.constant 0 : i32
        %dma_wait3A_436 = arith.constant 0 : i32
        %dma_wait3A_437 = tpu.memref_slice %arg5[%mul3A_2, %dma_wait3A_435, %dma_wait3A_436] : memref<4096x200x128xf32, #tpu.memory_space<hbm>> -> memref<1x200x32xf32, #tpu.memory_space<hbm>>
        %dma_wait3A_438 = tpu.memref_squeeze %dma_wait3A_437 : memref<1x200x32xf32, #tpu.memory_space<hbm>> -> memref<200x32xf32, #tpu.memory_space<hbm>>
        %dma_wait3A_439 = arith.constant 0 : i32
        %dma_wait3A_440 = arith.constant 0 : i32
        %dma_wait3A_441 = tpu.memref_slice %arg5[%mul3A_2, %dma_wait3A_439, %dma_wait3A_440] : memref<4096x200x128xf32, #tpu.memory_space<hbm>> -> memref<1x200x32xf32, #tpu.memory_space<hbm>>
        %dma_wait3A_442 = tpu.memref_squeeze %dma_wait3A_441 : memref<1x200x32xf32, #tpu.memory_space<hbm>> -> memref<200x32xf32, #tpu.memory_space<hbm>>
        %dma_wait3A_443 = arith.constant 0 : i32
        %dma_wait3A_444 = arith.constant 0 : i32
        %dma_wait3A_445 = tpu.memref_slice %arg9[%dma_wait3A_430, %dma_wait3A_443, %dma_wait3A_444] : memref<4x200x32xf32, #tpu.memory_space<vmem>> -> memref<1x200x32xf32, #tpu.memory_space<vmem>>
        %dma_wait3A_446 = tpu.memref_squeeze %dma_wait3A_445 : memref<1x200x32xf32, #tpu.memory_space<vmem>> -> memref<200x32xf32, #tpu.memory_space<vmem>>
        tpu.wait_dma2 semaphore(%arg14 : memref<!tpu.dma_semaphore, #tpu.memory_space<semaphore_mem>>) src(%dma_wait3A_446 : memref<200x32xf32, #tpu.memory_space<vmem>>) dst(%dma_wait3A_442 : memref<200x32xf32, #tpu.memory_space<hbm>>)
      } else {
      }
      %scan3A_203 = arith.constant 0 : i32
      %scan3A_204 = arith.constant 0 : i32
      %scan3A_205 = arith.constant 25 : i32
      %scan3A_206 = arith.addi %scan3A_204, %scan3A_205 : i32
      %scan3A_207 = arith.constant 1 : i32
      %scan3A_208 = scf.for %scan3A_430 = %scan3A_204 to %scan3A_206 step %scan3A_207 iter_args(%scan3A_431 = %scan3A_203) -> (i32)  : i32 {
        %mul3A_432 = arith.constant 8 : i32
        %mul3A_433 = arith.muli %scan3A_430, %mul3A_432 : i32
        %add3A_434 = arith.constant 0 : i32
        %add3A_435 = arith.addi %mul3A_433, %add3A_434 : i32
        %get3A = arith.constant 0 : i32
        %get3A_436 = arith.index_cast %get3A : i32 to index
        %get3A_437 = arith.index_cast %add3A_435 : i32 to index
        %get3A_438 = arith.constant 0 : index
        %get3A_439 = tpu.vector_load %arg8[%get3A_436, %get3A_437, %get3A_438] {strides = array<i32>} : memref<4x200x32xf32, #tpu.memory_space<vmem>>, vector<1x1x16xf32>,
        %get3A_440 = vector.shape_cast %get3A_439 : vector<1x1x16xf32> to vector<16xf32>
        %get3A_441 = arith.index_cast %add3A_435 : i32 to index
        %get3A_442 = arith.constant 0 : index
        %get3A_443 = tpu.vector_load %arg7[%get3A_441, %get3A_442] {strides = array<i32>} : memref<200x32xf32, #tpu.memory_space<vmem>>, vector<1x16xf32>,
        %get3A_444 = vector.shape_cast %get3A_443 : vector<1x16xf32> to vector<16xf32>
        %add3A_445 = arith.addf %get3A_440, %get3A_444 : vector<16xf32>
        %swap3A = arith.constant 0 : i32
        %swap3A_446 = arith.index_cast %swap3A : i32 to index
        %swap3A_447 = arith.index_cast %add3A_435 : i32 to index
        %swap3A_448 = arith.constant 0 : index
        %swap3A_449 = tpu.vector_load %arg9[%swap3A_446, %swap3A_447, %swap3A_448] {strides = array<i32>} : memref<4x200x32xf32, #tpu.memory_space<vmem>>, vector<1x1x16xf32>,
        %swap3A_450 = vector.shape_cast %swap3A_449 : vector<1x1x16xf32> to vector<16xf32>
        %swap3A_451 = vector.shape_cast %add3A_445 : vector<16xf32> to vector<1x1x16xf32>
        tpu.vector_store %arg9[%swap3A_446, %swap3A_447, %swap3A_448], %swap3A_451 {strides = array<i32>} : memref<4x200x32xf32, #tpu.memory_space<vmem>>, vector<1x1x16xf32>,
        %get3A_452 = arith.constant 0 : i32
        %get3A_453 = arith.index_cast %get3A_452 : i32 to index
        %get3A_454 = arith.index_cast %add3A_435 : i32 to index
        %get3A_455 = arith.constant 16 : index
        %get3A_456 = tpu.vector_load %arg8[%get3A_453, %get3A_454, %get3A_455] {strides = array<i32>} : memref<4x200x32xf32, #tpu.memory_space<vmem>>, vector<1x1x16xf32>,
        %get3A_457 = vector.shape_cast %get3A_456 : vector<1x1x16xf32> to vector<16xf32>
        %get3A_458 = arith.index_cast %add3A_435 : i32 to index
        %get3A_459 = arith.constant 16 : index
        %get3A_460 = tpu.vector_load %arg7[%get3A_458, %get3A_459] {strides = array<i32>} : memref<200x32xf32, #tpu.memory_space<vmem>>, vector<1x16xf32>,
        %get3A_461 = vector.shape_cast %get3A_460 : vector<1x16xf32> to vector<16xf32>
        %add3A_462 = arith.addf %get3A_457, %get3A_461 : vector<16xf32>
        %swap3A_463 = arith.constant 0 : i32
        %swap3A_464 = arith.index_cast %swap3A_463 : i32 to index
        %swap3A_465 = arith.index_cast %add3A_435 : i32 to index
        %swap3A_466 = arith.constant 16 : index
        %swap3A_467 = tpu.vector_load %arg9[%swap3A_464, %swap3A_465, %swap3A_466] {strides = array<i32>} : memref<4x200x32xf32, #tpu.memory_space<vmem>>, vector<1x1x16xf32>,
        %swap3A_468 = vector.shape_cast %swap3A_467 : vector<1x1x16xf32> to vector<16xf32>
        %swap3A_469 = vector.shape_cast %add3A_462 : vector<16xf32> to vector<1x1x16xf32>
        tpu.vector_store %arg9[%swap3A_464, %swap3A_465, %swap3A_466], %swap3A_469 {strides = array<i32>} : memref<4x200x32xf32, #tpu.memory_space<vmem>>, vector<1x1x16xf32>,
        %add3A_470 = arith.constant 1 : i32
        %add3A_471 = arith.addi %mul3A_433, %add3A_470 : i32
        %get3A_472 = arith.constant 0 : i32
        %get3A_473 = arith.index_cast %get3A_472 : i32 to index
        %get3A_474 = arith.index_cast %add3A_471 : i32 to index
        %get3A_475 = arith.constant 0 : index
        %get3A_476 = tpu.vector_load %arg8[%get3A_473, %get3A_474, %get3A_475] {strides = array<i32>} : memref<4x200x32xf32, #tpu.memory_space<vmem>>, vector<1x1x16xf32>,
        %get3A_477 = vector.shape_cast %get3A_476 : vector<1x1x16xf32> to vector<16xf32>
        %get3A_478 = arith.index_cast %add3A_471 : i32 to index
        %get3A_479 = arith.constant 0 : index
        %get3A_480 = tpu.vector_load %arg7[%get3A_478, %get3A_479] {strides = array<i32>} : memref<200x32xf32, #tpu.memory_space<vmem>>, vector<1x16xf32>,
        %get3A_481 = vector.shape_cast %get3A_480 : vector<1x16xf32> to vector<16xf32>
        %add3A_482 = arith.addf %get3A_477, %get3A_481 : vector<16xf32>
        %swap3A_483 = arith.constant 0 : i32
        %swap3A_484 = arith.index_cast %swap3A_483 : i32 to index
        %swap3A_485 = arith.index_cast %add3A_471 : i32 to index
        %swap3A_486 = arith.constant 0 : index
        %swap3A_487 = tpu.vector_load %arg9[%swap3A_484, %swap3A_485, %swap3A_486] {strides = array<i32>} : memref<4x200x32xf32, #tpu.memory_space<vmem>>, vector<1x1x16xf32>,
        %swap3A_488 = vector.shape_cast %swap3A_487 : vector<1x1x16xf32> to vector<16xf32>
        %swap3A_489 = vector.shape_cast %add3A_482 : vector<16xf32> to vector<1x1x16xf32>
        tpu.vector_store %arg9[%swap3A_484, %swap3A_485, %swap3A_486], %swap3A_489 {strides = array<i32>} : memref<4x200x32xf32, #tpu.memory_space<vmem>>, vector<1x1x16xf32>,
        %get3A_490 = arith.constant 0 : i32
        %get3A_491 = arith.index_cast %get3A_490 : i32 to index
        %get3A_492 = arith.index_cast %add3A_471 : i32 to index
        %get3A_493 = arith.constant 16 : index
        %get3A_494 = tpu.vector_load %arg8[%get3A_491, %get3A_492, %get3A_493] {strides = array<i32>} : memref<4x200x32xf32, #tpu.memory_space<vmem>>, vector<1x1x16xf32>,
        %get3A_495 = vector.shape_cast %get3A_494 : vector<1x1x16xf32> to vector<16xf32>
        %get3A_496 = arith.index_cast %add3A_471 : i32 to index
        %get3A_497 = arith.constant 16 : index
        %get3A_498 = tpu.vector_load %arg7[%get3A_496, %get3A_497] {strides = array<i32>} : memref<200x32xf32, #tpu.memory_space<vmem>>, vector<1x16xf32>,
        %get3A_499 = vector.shape_cast %get3A_498 : vector<1x16xf32> to vector<16xf32>
        %add3A_500 = arith.addf %get3A_495, %get3A_499 : vector<16xf32>
        %swap3A_501 = arith.constant 0 : i32
        %swap3A_502 = arith.index_cast %swap3A_501 : i32 to index
        %swap3A_503 = arith.index_cast %add3A_471 : i32 to index
        %swap3A_504 = arith.constant 16 : index
        %swap3A_505 = tpu.vector_load %arg9[%swap3A_502, %swap3A_503, %swap3A_504] {strides = array<i32>} : memref<4x200x32xf32, #tpu.memory_space<vmem>>, vector<1x1x16xf32>,
        %swap3A_506 = vector.shape_cast %swap3A_505 : vector<1x1x16xf32> to vector<16xf32>
        %swap3A_507 = vector.shape_cast %add3A_500 : vector<16xf32> to vector<1x1x16xf32>
        tpu.vector_store %arg9[%swap3A_502, %swap3A_503, %swap3A_504], %swap3A_507 {strides = array<i32>} : memref<4x200x32xf32, #tpu.memory_space<vmem>>, vector<1x1x16xf32>,
        %add3A_508 = arith.constant 2 : i32
        %add3A_509 = arith.addi %mul3A_433, %add3A_508 : i32
        %get3A_510 = arith.constant 0 : i32
        %get3A_511 = arith.index_cast %get3A_510 : i32 to index
        %get3A_512 = arith.index_cast %add3A_509 : i32 to index
        %get3A_513 = arith.constant 0 : index
        %get3A_514 = tpu.vector_load %arg8[%get3A_511, %get3A_512, %get3A_513] {strides = array<i32>} : memref<4x200x32xf32, #tpu.memory_space<vmem>>, vector<1x1x16xf32>,
        %get3A_515 = vector.shape_cast %get3A_514 : vector<1x1x16xf32> to vector<16xf32>
        %get3A_516 = arith.index_cast %add3A_509 : i32 to index
        %get3A_517 = arith.constant 0 : index
        %get3A_518 = tpu.vector_load %arg7[%get3A_516, %get3A_517] {strides = array<i32>} : memref<200x32xf32, #tpu.memory_space<vmem>>, vector<1x16xf32>,
        %get3A_519 = vector.shape_cast %get3A_518 : vector<1x16xf32> to vector<16xf32>
        %add3A_520 = arith.addf %get3A_515, %get3A_519 : vector<16xf32>
        %swap3A_521 = arith.constant 0 : i32
        %swap3A_522 = arith.index_cast %swap3A_521 : i32 to index
        %swap3A_523 = arith.index_cast %add3A_509 : i32 to index
        %swap3A_524 = arith.constant 0 : index
        %swap3A_525 = tpu.vector_load %arg9[%swap3A_522, %swap3A_523, %swap3A_524] {strides = array<i32>} : memref<4x200x32xf32, #tpu.memory_space<vmem>>, vector<1x1x16xf32>,
        %swap3A_526 = vector.shape_cast %swap3A_525 : vector<1x1x16xf32> to vector<16xf32>
        %swap3A_527 = vector.shape_cast %add3A_520 : vector<16xf32> to vector<1x1x16xf32>
        tpu.vector_store %arg9[%swap3A_522, %swap3A_523, %swap3A_524], %swap3A_527 {strides = array<i32>} : memref<4x200x32xf32, #tpu.memory_space<vmem>>, vector<1x1x16xf32>,
        %get3A_528 = arith.constant 0 : i32
        %get3A_529 = arith.index_cast %get3A_528 : i32 to index
        %get3A_530 = arith.index_cast %add3A_509 : i32 to index
        %get3A_531 = arith.constant 16 : index
        %get3A_532 = tpu.vector_load %arg8[%get3A_529, %get3A_530, %get3A_531] {strides = array<i32>} : memref<4x200x32xf32, #tpu.memory_space<vmem>>, vector<1x1x16xf32>,
        %get3A_533 = vector.shape_cast %get3A_532 : vector<1x1x16xf32> to vector<16xf32>
        %get3A_534 = arith.index_cast %add3A_509 : i32 to index
        %get3A_535 = arith.constant 16 : index
        %get3A_536 = tpu.vector_load %arg7[%get3A_534, %get3A_535] {strides = array<i32>} : memref<200x32xf32, #tpu.memory_space<vmem>>, vector<1x16xf32>,
        %get3A_537 = vector.shape_cast %get3A_536 : vector<1x16xf32> to vector<16xf32>
        %add3A_538 = arith.addf %get3A_533, %get3A_537 : vector<16xf32>
        %swap3A_539 = arith.constant 0 : i32
        %swap3A_540 = arith.index_cast %swap3A_539 : i32 to index
        %swap3A_541 = arith.index_cast %add3A_509 : i32 to index
        %swap3A_542 = arith.constant 16 : index
        %swap3A_543 = tpu.vector_load %arg9[%swap3A_540, %swap3A_541, %swap3A_542] {strides = array<i32>} : memref<4x200x32xf32, #tpu.memory_space<vmem>>, vector<1x1x16xf32>,
        %swap3A_544 = vector.shape_cast %swap3A_543 : vector<1x1x16xf32> to vector<16xf32>
        %swap3A_545 = vector.shape_cast %add3A_538 : vector<16xf32> to vector<1x1x16xf32>
        tpu.vector_store %arg9[%swap3A_540, %swap3A_541, %swap3A_542], %swap3A_545 {strides = array<i32>} : memref<4x200x32xf32, #tpu.memory_space<vmem>>, vector<1x1x16xf32>,
        %add3A_546 = arith.constant 3 : i32
        %add3A_547 = arith.addi %mul3A_433, %add3A_546 : i32
        %get3A_548 = arith.constant 0 : i32
        %get3A_549 = arith.index_cast %get3A_548 : i32 to index
        %get3A_550 = arith.index_cast %add3A_547 : i32 to index
        %get3A_551 = arith.constant 0 : index
        %get3A_552 = tpu.vector_load %arg8[%get3A_549, %get3A_550, %get3A_551] {strides = array<i32>} : memref<4x200x32xf32, #tpu.memory_space<vmem>>, vector<1x1x16xf32>,
        %get3A_553 = vector.shape_cast %get3A_552 : vector<1x1x16xf32> to vector<16xf32>
        %get3A_554 = arith.index_cast %add3A_547 : i32 to index
        %get3A_555 = arith.constant 0 : index
        %get3A_556 = tpu.vector_load %arg7[%get3A_554, %get3A_555] {strides = array<i32>} : memref<200x32xf32, #tpu.memory_space<vmem>>, vector<1x16xf32>,
        %get3A_557 = vector.shape_cast %get3A_556 : vector<1x16xf32> to vector<16xf32>
        %add3A_558 = arith.addf %get3A_553, %get3A_557 : vector<16xf32>
        %swap3A_559 = arith.constant 0 : i32
        %swap3A_560 = arith.index_cast %swap3A_559 : i32 to index
        %swap3A_561 = arith.index_cast %add3A_547 : i32 to index
        %swap3A_562 = arith.constant 0 : index
        %swap3A_563 = tpu.vector_load %arg9[%swap3A_560, %swap3A_561, %swap3A_562] {strides = array<i32>} : memref<4x200x32xf32, #tpu.memory_space<vmem>>, vector<1x1x16xf32>,
        %swap3A_564 = vector.shape_cast %swap3A_563 : vector<1x1x16xf32> to vector<16xf32>
        %swap3A_565 = vector.shape_cast %add3A_558 : vector<16xf32> to vector<1x1x16xf32>
        tpu.vector_store %arg9[%swap3A_560, %swap3A_561, %swap3A_562], %swap3A_565 {strides = array<i32>} : memref<4x200x32xf32, #tpu.memory_space<vmem>>, vector<1x1x16xf32>,
        %get3A_566 = arith.constant 0 : i32
        %get3A_567 = arith.index_cast %get3A_566 : i32 to index
        %get3A_568 = arith.index_cast %add3A_547 : i32 to index
        %get3A_569 = arith.constant 16 : index
        %get3A_570 = tpu.vector_load %arg8[%get3A_567, %get3A_568, %get3A_569] {strides = array<i32>} : memref<4x200x32xf32, #tpu.memory_space<vmem>>, vector<1x1x16xf32>,
        %get3A_571 = vector.shape_cast %get3A_570 : vector<1x1x16xf32> to vector<16xf32>
        %get3A_572 = arith.index_cast %add3A_547 : i32 to index
        %get3A_573 = arith.constant 16 : index
        %get3A_574 = tpu.vector_load %arg7[%get3A_572, %get3A_573] {strides = array<i32>} : memref<200x32xf32, #tpu.memory_space<vmem>>, vector<1x16xf32>,
        %get3A_575 = vector.shape_cast %get3A_574 : vector<1x16xf32> to vector<16xf32>
        %add3A_576 = arith.addf %get3A_571, %get3A_575 : vector<16xf32>
        %swap3A_577 = arith.constant 0 : i32
        %swap3A_578 = arith.index_cast %swap3A_577 : i32 to index
        %swap3A_579 = arith.index_cast %add3A_547 : i32 to index
        %swap3A_580 = arith.constant 16 : index
        %swap3A_581 = tpu.vector_load %arg9[%swap3A_578, %swap3A_579, %swap3A_580] {strides = array<i32>} : memref<4x200x32xf32, #tpu.memory_space<vmem>>, vector<1x1x16xf32>,
        %swap3A_582 = vector.shape_cast %swap3A_581 : vector<1x1x16xf32> to vector<16xf32>
        %swap3A_583 = vector.shape_cast %add3A_576 : vector<16xf32> to vector<1x1x16xf32>
        tpu.vector_store %arg9[%swap3A_578, %swap3A_579, %swap3A_580], %swap3A_583 {strides = array<i32>} : memref<4x200x32xf32, #tpu.memory_space<vmem>>, vector<1x1x16xf32>,
        %add3A_584 = arith.constant 4 : i32
        %add3A_585 = arith.addi %mul3A_433, %add3A_584 : i32
        %get3A_586 = arith.constant 0 : i32
        %get3A_587 = arith.index_cast %get3A_586 : i32 to index
        %get3A_588 = arith.index_cast %add3A_585 : i32 to index
        %get3A_589 = arith.constant 0 : index
        %get3A_590 = tpu.vector_load %arg8[%get3A_587, %get3A_588, %get3A_589] {strides = array<i32>} : memref<4x200x32xf32, #tpu.memory_space<vmem>>, vector<1x1x16xf32>,
        %get3A_591 = vector.shape_cast %get3A_590 : vector<1x1x16xf32> to vector<16xf32>
        %get3A_592 = arith.index_cast %add3A_585 : i32 to index
        %get3A_593 = arith.constant 0 : index
        %get3A_594 = tpu.vector_load %arg7[%get3A_592, %get3A_593] {strides = array<i32>} : memref<200x32xf32, #tpu.memory_space<vmem>>, vector<1x16xf32>,
        %get3A_595 = vector.shape_cast %get3A_594 : vector<1x16xf32> to vector<16xf32>
        %add3A_596 = arith.addf %get3A_591, %get3A_595 : vector<16xf32>
        %swap3A_597 = arith.constant 0 : i32
        %swap3A_598 = arith.index_cast %swap3A_597 : i32 to index
        %swap3A_599 = arith.index_cast %add3A_585 : i32 to index
        %swap3A_600 = arith.constant 0 : index
        %swap3A_601 = tpu.vector_load %arg9[%swap3A_598, %swap3A_599, %swap3A_600] {strides = array<i32>} : memref<4x200x32xf32, #tpu.memory_space<vmem>>, vector<1x1x16xf32>,
        %swap3A_602 = vector.shape_cast %swap3A_601 : vector<1x1x16xf32> to vector<16xf32>
        %swap3A_603 = vector.shape_cast %add3A_596 : vector<16xf32> to vector<1x1x16xf32>
        tpu.vector_store %arg9[%swap3A_598, %swap3A_599, %swap3A_600], %swap3A_603 {strides = array<i32>} : memref<4x200x32xf32, #tpu.memory_space<vmem>>, vector<1x1x16xf32>,
        %get3A_604 = arith.constant 0 : i32
        %get3A_605 = arith.index_cast %get3A_604 : i32 to index
        %get3A_606 = arith.index_cast %add3A_585 : i32 to index
        %get3A_607 = arith.constant 16 : index
        %get3A_608 = tpu.vector_load %arg8[%get3A_605, %get3A_606, %get3A_607] {strides = array<i32>} : memref<4x200x32xf32, #tpu.memory_space<vmem>>, vector<1x1x16xf32>,
        %get3A_609 = vector.shape_cast %get3A_608 : vector<1x1x16xf32> to vector<16xf32>
        %get3A_610 = arith.index_cast %add3A_585 : i32 to index
        %get3A_611 = arith.constant 16 : index
        %get3A_612 = tpu.vector_load %arg7[%get3A_610, %get3A_611] {strides = array<i32>} : memref<200x32xf32, #tpu.memory_space<vmem>>, vector<1x16xf32>,
        %get3A_613 = vector.shape_cast %get3A_612 : vector<1x16xf32> to vector<16xf32>
        %add3A_614 = arith.addf %get3A_609, %get3A_613 : vector<16xf32>
        %swap3A_615 = arith.constant 0 : i32
        %swap3A_616 = arith.index_cast %swap3A_615 : i32 to index
        %swap3A_617 = arith.index_cast %add3A_585 : i32 to index
        %swap3A_618 = arith.constant 16 : index
        %swap3A_619 = tpu.vector_load %arg9[%swap3A_616, %swap3A_617, %swap3A_618] {strides = array<i32>} : memref<4x200x32xf32, #tpu.memory_space<vmem>>, vector<1x1x16xf32>,
        %swap3A_620 = vector.shape_cast %swap3A_619 : vector<1x1x16xf32> to vector<16xf32>
        %swap3A_621 = vector.shape_cast %add3A_614 : vector<16xf32> to vector<1x1x16xf32>
        tpu.vector_store %arg9[%swap3A_616, %swap3A_617, %swap3A_618], %swap3A_621 {strides = array<i32>} : memref<4x200x32xf32, #tpu.memory_space<vmem>>, vector<1x1x16xf32>,
        %add3A_622 = arith.constant 5 : i32
        %add3A_623 = arith.addi %mul3A_433, %add3A_622 : i32
        %get3A_624 = arith.constant 0 : i32
        %get3A_625 = arith.index_cast %get3A_624 : i32 to index
        %get3A_626 = arith.index_cast %add3A_623 : i32 to index
        %get3A_627 = arith.constant 0 : index
        %get3A_628 = tpu.vector_load %arg8[%get3A_625, %get3A_626, %get3A_627] {strides = array<i32>} : memref<4x200x32xf32, #tpu.memory_space<vmem>>, vector<1x1x16xf32>,
        %get3A_629 = vector.shape_cast %get3A_628 : vector<1x1x16xf32> to vector<16xf32>
        %get3A_630 = arith.index_cast %add3A_623 : i32 to index
        %get3A_631 = arith.constant 0 : index
        %get3A_632 = tpu.vector_load %arg7[%get3A_630, %get3A_631] {strides = array<i32>} : memref<200x32xf32, #tpu.memory_space<vmem>>, vector<1x16xf32>,
        %get3A_633 = vector.shape_cast %get3A_632 : vector<1x16xf32> to vector<16xf32>
        %add3A_634 = arith.addf %get3A_629, %get3A_633 : vector<16xf32>
        %swap3A_635 = arith.constant 0 : i32
        %swap3A_636 = arith.index_cast %swap3A_635 : i32 to index
        %swap3A_637 = arith.index_cast %add3A_623 : i32 to index
        %swap3A_638 = arith.constant 0 : index
        %swap3A_639 = tpu.vector_load %arg9[%swap3A_636, %swap3A_637, %swap3A_638] {strides = array<i32>} : memref<4x200x32xf32, #tpu.memory_space<vmem>>, vector<1x1x16xf32>,
        %swap3A_640 = vector.shape_cast %swap3A_639 : vector<1x1x16xf32> to vector<16xf32>
        %swap3A_641 = vector.shape_cast %add3A_634 : vector<16xf32> to vector<1x1x16xf32>
        tpu.vector_store %arg9[%swap3A_636, %swap3A_637, %swap3A_638], %swap3A_641 {strides = array<i32>} : memref<4x200x32xf32, #tpu.memory_space<vmem>>, vector<1x1x16xf32>,
        %get3A_642 = arith.constant 0 : i32
        %get3A_643 = arith.index_cast %get3A_642 : i32 to index
        %get3A_644 = arith.index_cast %add3A_623 : i32 to index
        %get3A_645 = arith.constant 16 : index
        %get3A_646 = tpu.vector_load %arg8[%get3A_643, %get3A_644, %get3A_645] {strides = array<i32>} : memref<4x200x32xf32, #tpu.memory_space<vmem>>, vector<1x1x16xf32>,
        %get3A_647 = vector.shape_cast %get3A_646 : vector<1x1x16xf32> to vector<16xf32>
        %get3A_648 = arith.index_cast %add3A_623 : i32 to index
        %get3A_649 = arith.constant 16 : index
        %get3A_650 = tpu.vector_load %arg7[%get3A_648, %get3A_649] {strides = array<i32>} : memref<200x32xf32, #tpu.memory_space<vmem>>, vector<1x16xf32>,
        %get3A_651 = vector.shape_cast %get3A_650 : vector<1x16xf32> to vector<16xf32>
        %add3A_652 = arith.addf %get3A_647, %get3A_651 : vector<16xf32>
        %swap3A_653 = arith.constant 0 : i32
        %swap3A_654 = arith.index_cast %swap3A_653 : i32 to index
        %swap3A_655 = arith.index_cast %add3A_623 : i32 to index
        %swap3A_656 = arith.constant 16 : index
        %swap3A_657 = tpu.vector_load %arg9[%swap3A_654, %swap3A_655, %swap3A_656] {strides = array<i32>} : memref<4x200x32xf32, #tpu.memory_space<vmem>>, vector<1x1x16xf32>,
        %swap3A_658 = vector.shape_cast %swap3A_657 : vector<1x1x16xf32> to vector<16xf32>
        %swap3A_659 = vector.shape_cast %add3A_652 : vector<16xf32> to vector<1x1x16xf32>
        tpu.vector_store %arg9[%swap3A_654, %swap3A_655, %swap3A_656], %swap3A_659 {strides = array<i32>} : memref<4x200x32xf32, #tpu.memory_space<vmem>>, vector<1x1x16xf32>,
        %add3A_660 = arith.constant 6 : i32
        %add3A_661 = arith.addi %mul3A_433, %add3A_660 : i32
        %get3A_662 = arith.constant 0 : i32
        %get3A_663 = arith.index_cast %get3A_662 : i32 to index
        %get3A_664 = arith.index_cast %add3A_661 : i32 to index
        %get3A_665 = arith.constant 0 : index
        %get3A_666 = tpu.vector_load %arg8[%get3A_663, %get3A_664, %get3A_665] {strides = array<i32>} : memref<4x200x32xf32, #tpu.memory_space<vmem>>, vector<1x1x16xf32>,
        %get3A_667 = vector.shape_cast %get3A_666 : vector<1x1x16xf32> to vector<16xf32>
        %get3A_668 = arith.index_cast %add3A_661 : i32 to index
        %get3A_669 = arith.constant 0 : index
        %get3A_670 = tpu.vector_load %arg7[%get3A_668, %get3A_669] {strides = array<i32>} : memref<200x32xf32, #tpu.memory_space<vmem>>, vector<1x16xf32>,
        %get3A_671 = vector.shape_cast %get3A_670 : vector<1x16xf32> to vector<16xf32>
        %add3A_672 = arith.addf %get3A_667, %get3A_671 : vector<16xf32>
        %swap3A_673 = arith.constant 0 : i32
        %swap3A_674 = arith.index_cast %swap3A_673 : i32 to index
        %swap3A_675 = arith.index_cast %add3A_661 : i32 to index
        %swap3A_676 = arith.constant 0 : index
        %swap3A_677 = tpu.vector_load %arg9[%swap3A_674, %swap3A_675, %swap3A_676] {strides = array<i32>} : memref<4x200x32xf32, #tpu.memory_space<vmem>>, vector<1x1x16xf32>,
        %swap3A_678 = vector.shape_cast %swap3A_677 : vector<1x1x16xf32> to vector<16xf32>
        %swap3A_679 = vector.shape_cast %add3A_672 : vector<16xf32> to vector<1x1x16xf32>
        tpu.vector_store %arg9[%swap3A_674, %swap3A_675, %swap3A_676], %swap3A_679 {strides = array<i32>} : memref<4x200x32xf32, #tpu.memory_space<vmem>>, vector<1x1x16xf32>,
        %get3A_680 = arith.constant 0 : i32
        %get3A_681 = arith.index_cast %get3A_680 : i32 to index
        %get3A_682 = arith.index_cast %add3A_661 : i32 to index
        %get3A_683 = arith.constant 16 : index
        %get3A_684 = tpu.vector_load %arg8[%get3A_681, %get3A_682, %get3A_683] {strides = array<i32>} : memref<4x200x32xf32, #tpu.memory_space<vmem>>, vector<1x1x16xf32>,
        %get3A_685 = vector.shape_cast %get3A_684 : vector<1x1x16xf32> to vector<16xf32>
        %get3A_686 = arith.index_cast %add3A_661 : i32 to index
        %get3A_687 = arith.constant 16 : index
        %get3A_688 = tpu.vector_load %arg7[%get3A_686, %get3A_687] {strides = array<i32>} : memref<200x32xf32, #tpu.memory_space<vmem>>, vector<1x16xf32>,
        %get3A_689 = vector.shape_cast %get3A_688 : vector<1x16xf32> to vector<16xf32>
        %add3A_690 = arith.addf %get3A_685, %get3A_689 : vector<16xf32>
        %swap3A_691 = arith.constant 0 : i32
        %swap3A_692 = arith.index_cast %swap3A_691 : i32 to index
        %swap3A_693 = arith.index_cast %add3A_661 : i32 to index
        %swap3A_694 = arith.constant 16 : index
        %swap3A_695 = tpu.vector_load %arg9[%swap3A_692, %swap3A_693, %swap3A_694] {strides = array<i32>} : memref<4x200x32xf32, #tpu.memory_space<vmem>>, vector<1x1x16xf32>,
        %swap3A_696 = vector.shape_cast %swap3A_695 : vector<1x1x16xf32> to vector<16xf32>
        %swap3A_697 = vector.shape_cast %add3A_690 : vector<16xf32> to vector<1x1x16xf32>
        tpu.vector_store %arg9[%swap3A_692, %swap3A_693, %swap3A_694], %swap3A_697 {strides = array<i32>} : memref<4x200x32xf32, #tpu.memory_space<vmem>>, vector<1x1x16xf32>,
        %add3A_698 = arith.constant 7 : i32
        %add3A_699 = arith.addi %mul3A_433, %add3A_698 : i32
        %get3A_700 = arith.constant 0 : i32
        %get3A_701 = arith.index_cast %get3A_700 : i32 to index
        %get3A_702 = arith.index_cast %add3A_699 : i32 to index
        %get3A_703 = arith.constant 0 : index
        %get3A_704 = tpu.vector_load %arg8[%get3A_701, %get3A_702, %get3A_703] {strides = array<i32>} : memref<4x200x32xf32, #tpu.memory_space<vmem>>, vector<1x1x16xf32>,
        %get3A_705 = vector.shape_cast %get3A_704 : vector<1x1x16xf32> to vector<16xf32>
        %get3A_706 = arith.index_cast %add3A_699 : i32 to index
        %get3A_707 = arith.constant 0 : index
        %get3A_708 = tpu.vector_load %arg7[%get3A_706, %get3A_707] {strides = array<i32>} : memref<200x32xf32, #tpu.memory_space<vmem>>, vector<1x16xf32>,
        %get3A_709 = vector.shape_cast %get3A_708 : vector<1x16xf32> to vector<16xf32>
        %add3A_710 = arith.addf %get3A_705, %get3A_709 : vector<16xf32>
        %swap3A_711 = arith.constant 0 : i32
        %swap3A_712 = arith.index_cast %swap3A_711 : i32 to index
        %swap3A_713 = arith.index_cast %add3A_699 : i32 to index
        %swap3A_714 = arith.constant 0 : index
        %swap3A_715 = tpu.vector_load %arg9[%swap3A_712, %swap3A_713, %swap3A_714] {strides = array<i32>} : memref<4x200x32xf32, #tpu.memory_space<vmem>>, vector<1x1x16xf32>,
        %swap3A_716 = vector.shape_cast %swap3A_715 : vector<1x1x16xf32> to vector<16xf32>
        %swap3A_717 = vector.shape_cast %add3A_710 : vector<16xf32> to vector<1x1x16xf32>
        tpu.vector_store %arg9[%swap3A_712, %swap3A_713, %swap3A_714], %swap3A_717 {strides = array<i32>} : memref<4x200x32xf32, #tpu.memory_space<vmem>>, vector<1x1x16xf32>,
        %get3A_718 = arith.constant 0 : i32
        %get3A_719 = arith.index_cast %get3A_718 : i32 to index
        %get3A_720 = arith.index_cast %add3A_699 : i32 to index
        %get3A_721 = arith.constant 16 : index
        %get3A_722 = tpu.vector_load %arg8[%get3A_719, %get3A_720, %get3A_721] {strides = array<i32>} : memref<4x200x32xf32, #tpu.memory_space<vmem>>, vector<1x1x16xf32>,
        %get3A_723 = vector.shape_cast %get3A_722 : vector<1x1x16xf32> to vector<16xf32>
        %get3A_724 = arith.index_cast %add3A_699 : i32 to index
        %get3A_725 = arith.constant 16 : index
        %get3A_726 = tpu.vector_load %arg7[%get3A_724, %get3A_725] {strides = array<i32>} : memref<200x32xf32, #tpu.memory_space<vmem>>, vector<1x16xf32>,
        %get3A_727 = vector.shape_cast %get3A_726 : vector<1x16xf32> to vector<16xf32>
        %add3A_728 = arith.addf %get3A_723, %get3A_727 : vector<16xf32>
        %swap3A_729 = arith.constant 0 : i32
        %swap3A_730 = arith.index_cast %swap3A_729 : i32 to index
        %swap3A_731 = arith.index_cast %add3A_699 : i32 to index
        %swap3A_732 = arith.constant 16 : index
        %swap3A_733 = tpu.vector_load %arg9[%swap3A_730, %swap3A_731, %swap3A_732] {strides = array<i32>} : memref<4x200x32xf32, #tpu.memory_space<vmem>>, vector<1x1x16xf32>,
        %swap3A_734 = vector.shape_cast %swap3A_733 : vector<1x1x16xf32> to vector<16xf32>
        %swap3A_735 = vector.shape_cast %add3A_728 : vector<16xf32> to vector<1x1x16xf32>
        tpu.vector_store %arg9[%swap3A_730, %swap3A_731, %swap3A_732], %swap3A_735 {strides = array<i32>} : memref<4x200x32xf32, #tpu.memory_space<vmem>>, vector<1x1x16xf32>,
        %scan3A_736 = arith.constant 0 : i32
        scf.yield %scan3A_736 : i32
      }
      %scan3A_209 = arith.constant 25 : i32
      %add3A_210 = arith.addi %mul3A_2, %add3A_176 : i32
      %dma_start3A_211 = arith.constant 0 : i32
      %dma_start3A_212 = arith.constant 0 : i32
      %dma_start3A_213 = arith.constant 0 : i32
      %dma_start3A_214 = tpu.memref_slice %arg9[%dma_start3A_211, %dma_start3A_212, %dma_start3A_213] : memref<4x200x32xf32, #tpu.memory_space<vmem>> -> memref<1x200x32xf32, #tpu.memory_space<vmem>>
      %dma_start3A_215 = tpu.memref_squeeze %dma_start3A_214 : memref<1x200x32xf32, #tpu.memory_space<vmem>> -> memref<200x32xf32, #tpu.memory_space<vmem>>
      %dma_start3A_216 = arith.constant 0 : i32
      %dma_start3A_217 = arith.constant 0 : i32
      %dma_start3A_218 = tpu.memref_slice %arg5[%add3A_210, %dma_start3A_216, %dma_start3A_217] : memref<4096x200x128xf32, #tpu.memory_space<hbm>> -> memref<1x200x32xf32, #tpu.memory_space<hbm>>
      %dma_start3A_219 = tpu.memref_squeeze %dma_start3A_218 : memref<1x200x32xf32, #tpu.memory_space<hbm>> -> memref<200x32xf32, #tpu.memory_space<hbm>>
      %dma_start3A_220 = arith.constant 0 : i32
      %dma_start3A_221 = arith.constant 0 : i32
      %dma_start3A_222 = tpu.memref_slice %arg5[%add3A_210, %dma_start3A_220, %dma_start3A_221] : memref<4096x200x128xf32, #tpu.memory_space<hbm>> -> memref<1x200x32xf32, #tpu.memory_space<hbm>>
      %dma_start3A_223 = tpu.memref_squeeze %dma_start3A_222 : memref<1x200x32xf32, #tpu.memory_space<hbm>> -> memref<200x32xf32, #tpu.memory_space<hbm>>
      %dma_start3A_224 = arith.constant 0 : i32
      %dma_start3A_225 = arith.constant 0 : i32
      %dma_start3A_226 = tpu.memref_slice %arg9[%dma_start3A_211, %dma_start3A_224, %dma_start3A_225] : memref<4x200x32xf32, #tpu.memory_space<vmem>> -> memref<1x200x32xf32, #tpu.memory_space<vmem>>
      %dma_start3A_227 = tpu.memref_squeeze %dma_start3A_226 : memref<1x200x32xf32, #tpu.memory_space<vmem>> -> memref<200x32xf32, #tpu.memory_space<vmem>>
      tpu.enqueue_dma source(%dma_start3A_227 : memref<200x32xf32, #tpu.memory_space<vmem>>) target(%dma_start3A_223 : memref<200x32xf32, #tpu.memory_space<hbm>>) target_semaphore(%arg14 : memref<!tpu.dma_semaphore, #tpu.memory_space<semaphore_mem>>)
      %add3A_228 = arith.constant 4 : i32
      %add3A_229 = arith.addi %add3A_176, %add3A_228 : i32
      %lt3A = arith.constant 128 : i32
      %lt3A_230 = arith.cmpi slt, %add3A_229, %lt3A : i32
      %convert_element_type3A_231 = arith.extui %lt3A_230 : i1 to i32
      %cond3A_232 = arith.constant 0 : i32
      %cond3A_233 = arith.cmpi ne, %convert_element_type3A_231, %cond3A_232 : i32
      scf.if %cond3A_233 {
        %add3A_430 = arith.constant 4 : i32
        %add3A_431 = arith.addi %add3A_176, %add3A_430 : i32
        %dma_start3A_432 = arith.constant 0 : i32
        %dma_start3A_433 = arith.constant 0 : i32
        %dma_start3A_434 = arith.constant 0 : i32
        %dma_start3A_435 = tpu.memref_slice %arg8[%dma_start3A_432, %dma_start3A_433, %dma_start3A_434] : memref<4x200x32xf32, #tpu.memory_space<vmem>> -> memref<1x104x32xf32, #tpu.memory_space<vmem>>
        %dma_start3A_436 = tpu.memref_squeeze %dma_start3A_435 : memref<1x104x32xf32, #tpu.memory_space<vmem>> -> memref<104x32xf32, #tpu.memory_space<vmem>>
        %dma_start3A_437 = arith.constant 0 : i32
        %dma_start3A_438 = tpu.memref_slice %arg6[%add3A_431, %dma_start3A_437] : memref<128x200xi32, #tpu.memory_space<vmem>> -> memref<1x104xi32, #tpu.memory_space<vmem>>
        %dma_start3A_439 = tpu.memref_squeeze %dma_start3A_438 : memref<1x104xi32, #tpu.memory_space<vmem>> -> memref<104xi32, #tpu.memory_space<vmem>>
        %dma_start3A_440 = arith.constant 0 : i32
        %dma_start3A_441 = arith.constant 0 : i32
        %dma_start3A_442 = tpu.memref_slice %arg3[%dma_start3A_440, %dma_start3A_441] : memref<1000000x32xf32, #tpu.memory_space<hbm>> -> memref<1000000x32xf32, #tpu.memory_space<hbm>>
        tpu.enqueue_indirect_dma source(%dma_start3A_442 : memref<1000000x32xf32, #tpu.memory_space<hbm>>) target(%dma_start3A_436 : memref<104x32xf32, #tpu.memory_space<vmem>>) offsets(%dma_start3A_439 : memref<104xi32, #tpu.memory_space<vmem>>) semaphore(%arg10 : memref<!tpu.dma_semaphore, #tpu.memory_space<semaphore_mem>>)
        %dma_start3A_443 = arith.constant 0 : i32
        %dma_start3A_444 = arith.constant 104 : i32
        %dma_start3A_445 = arith.constant 0 : i32
        %dma_start3A_446 = tpu.memref_slice %arg8[%dma_start3A_443, %dma_start3A_444, %dma_start3A_445] : memref<4x200x32xf32, #tpu.memory_space<vmem>> -> memref<1x96x32xf32, #tpu.memory_space<vmem>>
        %dma_start3A_447 = tpu.memref_squeeze %dma_start3A_446 : memref<1x96x32xf32, #tpu.memory_space<vmem>> -> memref<96x32xf32, #tpu.memory_space<vmem>>
        %dma_start3A_448 = arith.constant 104 : i32
        %dma_start3A_449 = tpu.memref_slice %arg6[%add3A_431, %dma_start3A_448] : memref<128x200xi32, #tpu.memory_space<vmem>> -> memref<1x96xi32, #tpu.memory_space<vmem>>
        %dma_start3A_450 = tpu.memref_squeeze %dma_start3A_449 : memref<1x96xi32, #tpu.memory_space<vmem>> -> memref<96xi32, #tpu.memory_space<vmem>>
        %dma_start3A_451 = arith.constant 0 : i32
        %dma_start3A_452 = arith.constant 0 : i32
        %dma_start3A_453 = tpu.memref_slice %arg3[%dma_start3A_451, %dma_start3A_452] : memref<1000000x32xf32, #tpu.memory_space<hbm>> -> memref<1000000x32xf32, #tpu.memory_space<hbm>>
        tpu.enqueue_indirect_dma source(%dma_start3A_453 : memref<1000000x32xf32, #tpu.memory_space<hbm>>) target(%dma_start3A_447 : memref<96x32xf32, #tpu.memory_space<vmem>>) offsets(%dma_start3A_450 : memref<96xi32, #tpu.memory_space<vmem>>) semaphore(%arg10 : memref<!tpu.dma_semaphore, #tpu.memory_space<semaphore_mem>>)
      } else {
      }
      %mul3A_234 = arith.constant 4 : i32
      %mul3A_235 = arith.muli %scan3A_171, %mul3A_234 : i32
      %add3A_236 = arith.constant 1 : i32
      %add3A_237 = arith.addi %mul3A_235, %add3A_236 : i32
      %dma_wait3A_238 = arith.constant 0 : i32
      %dma_wait3A_239 = arith.constant 1 : i32
      %dma_wait3A_240 = arith.constant 0 : i32
      %dma_wait3A_241 = arith.constant 0 : i32
      %dma_wait3A_242 = tpu.memref_slice %arg8[%dma_wait3A_239, %dma_wait3A_240, %dma_wait3A_241] : memref<4x200x32xf32, #tpu.memory_space<vmem>> -> memref<1x104x32xf32, #tpu.memory_space<vmem>>
      %dma_wait3A_243 = tpu.memref_squeeze %dma_wait3A_242 : memref<1x104x32xf32, #tpu.memory_space<vmem>> -> memref<104x32xf32, #tpu.memory_space<vmem>>
      %dma_wait3A_244 = arith.constant 0 : i32
      %dma_wait3A_245 = tpu.memref_slice %arg6[%dma_wait3A_238, %dma_wait3A_244] : memref<128x200xi32, #tpu.memory_space<vmem>> -> memref<1x104xi32, #tpu.memory_space<vmem>>
      %dma_wait3A_246 = tpu.memref_squeeze %dma_wait3A_245 : memref<1x104xi32, #tpu.memory_space<vmem>> -> memref<104xi32, #tpu.memory_space<vmem>>
      %dma_wait3A_247 = arith.constant 0 : i32
      %dma_wait3A_248 = arith.constant 0 : i32
      %dma_wait3A_249 = tpu.memref_slice %arg3[%dma_wait3A_247, %dma_wait3A_248] : memref<1000000x32xf32, #tpu.memory_space<hbm>> -> memref<1000000x32xf32, #tpu.memory_space<hbm>>
      tpu.wait_indirect_dma semaphore(%arg11 : memref<!tpu.dma_semaphore, #tpu.memory_space<semaphore_mem>>) src(%dma_wait3A_249 : memref<1000000x32xf32, #tpu.memory_space<hbm>>) dst(%dma_wait3A_243 : memref<104x32xf32, #tpu.memory_space<vmem>>)
      %dma_wait3A_250 = arith.constant 0 : i32
      %dma_wait3A_251 = arith.constant 1 : i32
      %dma_wait3A_252 = arith.constant 104 : i32
      %dma_wait3A_253 = arith.constant 0 : i32
      %dma_wait3A_254 = tpu.memref_slice %arg8[%dma_wait3A_251, %dma_wait3A_252, %dma_wait3A_253] : memref<4x200x32xf32, #tpu.memory_space<vmem>> -> memref<1x96x32xf32, #tpu.memory_space<vmem>>
      %dma_wait3A_255 = tpu.memref_squeeze %dma_wait3A_254 : memref<1x96x32xf32, #tpu.memory_space<vmem>> -> memref<96x32xf32, #tpu.memory_space<vmem>>
      %dma_wait3A_256 = arith.constant 0 : i32
      %dma_wait3A_257 = tpu.memref_slice %arg6[%dma_wait3A_250, %dma_wait3A_256] : memref<128x200xi32, #tpu.memory_space<vmem>> -> memref<1x96xi32, #tpu.memory_space<vmem>>
      %dma_wait3A_258 = tpu.memref_squeeze %dma_wait3A_257 : memref<1x96xi32, #tpu.memory_space<vmem>> -> memref<96xi32, #tpu.memory_space<vmem>>
      %dma_wait3A_259 = arith.constant 0 : i32
      %dma_wait3A_260 = arith.constant 0 : i32
      %dma_wait3A_261 = tpu.memref_slice %arg3[%dma_wait3A_259, %dma_wait3A_260] : memref<1000000x32xf32, #tpu.memory_space<hbm>> -> memref<1000000x32xf32, #tpu.memory_space<hbm>>
      tpu.wait_indirect_dma semaphore(%arg11 : memref<!tpu.dma_semaphore, #tpu.memory_space<semaphore_mem>>) src(%dma_wait3A_261 : memref<1000000x32xf32, #tpu.memory_space<hbm>>) dst(%dma_wait3A_255 : memref<96x32xf32, #tpu.memory_space<vmem>>)
      %gt3A_262 = arith.constant 0 : i32
      %gt3A_263 = arith.cmpi sgt, %scan3A_171, %gt3A_262 : i32
      %convert_element_type3A_264 = arith.extui %gt3A_263 : i1 to i32
      %cond3A_265 = arith.constant 0 : i32
      %cond3A_266 = arith.cmpi ne, %convert_element_type3A_264, %cond3A_265 : i32
      scf.if %cond3A_266 {
        %dma_wait3A_430 = arith.constant 1 : i32
        %dma_wait3A_431 = arith.constant 0 : i32
        %dma_wait3A_432 = arith.constant 0 : i32
        %dma_wait3A_433 = tpu.memref_slice %arg9[%dma_wait3A_430, %dma_wait3A_431, %dma_wait3A_432] : memref<4x200x32xf32, #tpu.memory_space<vmem>> -> memref<1x200x32xf32, #tpu.memory_space<vmem>>
        %dma_wait3A_434 = tpu.memref_squeeze %dma_wait3A_433 : memref<1x200x32xf32, #tpu.memory_space<vmem>> -> memref<200x32xf32, #tpu.memory_space<vmem>>
        %dma_wait3A_435 = arith.constant 0 : i32
        %dma_wait3A_436 = arith.constant 0 : i32
        %dma_wait3A_437 = tpu.memref_slice %arg5[%mul3A_2, %dma_wait3A_435, %dma_wait3A_436] : memref<4096x200x128xf32, #tpu.memory_space<hbm>> -> memref<1x200x32xf32, #tpu.memory_space<hbm>>
        %dma_wait3A_438 = tpu.memref_squeeze %dma_wait3A_437 : memref<1x200x32xf32, #tpu.memory_space<hbm>> -> memref<200x32xf32, #tpu.memory_space<hbm>>
        %dma_wait3A_439 = arith.constant 0 : i32
        %dma_wait3A_440 = arith.constant 0 : i32
        %dma_wait3A_441 = tpu.memref_slice %arg5[%mul3A_2, %dma_wait3A_439, %dma_wait3A_440] : memref<4096x200x128xf32, #tpu.memory_space<hbm>> -> memref<1x200x32xf32, #tpu.memory_space<hbm>>
        %dma_wait3A_442 = tpu.memref_squeeze %dma_wait3A_441 : memref<1x200x32xf32, #tpu.memory_space<hbm>> -> memref<200x32xf32, #tpu.memory_space<hbm>>
        %dma_wait3A_443 = arith.constant 0 : i32
        %dma_wait3A_444 = arith.constant 0 : i32
        %dma_wait3A_445 = tpu.memref_slice %arg9[%dma_wait3A_430, %dma_wait3A_443, %dma_wait3A_444] : memref<4x200x32xf32, #tpu.memory_space<vmem>> -> memref<1x200x32xf32, #tpu.memory_space<vmem>>
        %dma_wait3A_446 = tpu.memref_squeeze %dma_wait3A_445 : memref<1x200x32xf32, #tpu.memory_space<vmem>> -> memref<200x32xf32, #tpu.memory_space<vmem>>
        tpu.wait_dma2 semaphore(%arg15 : memref<!tpu.dma_semaphore, #tpu.memory_space<semaphore_mem>>) src(%dma_wait3A_446 : memref<200x32xf32, #tpu.memory_space<vmem>>) dst(%dma_wait3A_442 : memref<200x32xf32, #tpu.memory_space<hbm>>)
      } else {
      }
      %scan3A_267 = arith.constant 0 : i32
      %scan3A_268 = arith.constant 0 : i32
      %scan3A_269 = arith.constant 25 : i32
      %scan3A_270 = arith.addi %scan3A_268, %scan3A_269 : i32
      %scan3A_271 = arith.constant 1 : i32
      %scan3A_272 = scf.for %scan3A_430 = %scan3A_268 to %scan3A_270 step %scan3A_271 iter_args(%scan3A_431 = %scan3A_267) -> (i32)  : i32 {
        %mul3A_432 = arith.constant 8 : i32
        %mul3A_433 = arith.muli %scan3A_430, %mul3A_432 : i32
        %add3A_434 = arith.constant 0 : i32
        %add3A_435 = arith.addi %mul3A_433, %add3A_434 : i32
        %get3A = arith.constant 1 : i32
        %get3A_436 = arith.index_cast %get3A : i32 to index
        %get3A_437 = arith.index_cast %add3A_435 : i32 to index
        %get3A_438 = arith.constant 0 : index
        %get3A_439 = tpu.vector_load %arg8[%get3A_436, %get3A_437, %get3A_438] {strides = array<i32>} : memref<4x200x32xf32, #tpu.memory_space<vmem>>, vector<1x1x16xf32>,
        %get3A_440 = vector.shape_cast %get3A_439 : vector<1x1x16xf32> to vector<16xf32>
        %get3A_441 = arith.index_cast %add3A_435 : i32 to index
        %get3A_442 = arith.constant 0 : index
        %get3A_443 = tpu.vector_load %arg7[%get3A_441, %get3A_442] {strides = array<i32>} : memref<200x32xf32, #tpu.memory_space<vmem>>, vector<1x16xf32>,
        %get3A_444 = vector.shape_cast %get3A_443 : vector<1x16xf32> to vector<16xf32>
        %add3A_445 = arith.addf %get3A_440, %get3A_444 : vector<16xf32>
        %swap3A = arith.constant 1 : i32
        %swap3A_446 = arith.index_cast %swap3A : i32 to index
        %swap3A_447 = arith.index_cast %add3A_435 : i32 to index
        %swap3A_448 = arith.constant 0 : index
        %swap3A_449 = tpu.vector_load %arg9[%swap3A_446, %swap3A_447, %swap3A_448] {strides = array<i32>} : memref<4x200x32xf32, #tpu.memory_space<vmem>>, vector<1x1x16xf32>,
        %swap3A_450 = vector.shape_cast %swap3A_449 : vector<1x1x16xf32> to vector<16xf32>
        %swap3A_451 = vector.shape_cast %add3A_445 : vector<16xf32> to vector<1x1x16xf32>
        tpu.vector_store %arg9[%swap3A_446, %swap3A_447, %swap3A_448], %swap3A_451 {strides = array<i32>} : memref<4x200x32xf32, #tpu.memory_space<vmem>>, vector<1x1x16xf32>,
        %get3A_452 = arith.constant 1 : i32
        %get3A_453 = arith.index_cast %get3A_452 : i32 to index
        %get3A_454 = arith.index_cast %add3A_435 : i32 to index
        %get3A_455 = arith.constant 16 : index
        %get3A_456 = tpu.vector_load %arg8[%get3A_453, %get3A_454, %get3A_455] {strides = array<i32>} : memref<4x200x32xf32, #tpu.memory_space<vmem>>, vector<1x1x16xf32>,
        %get3A_457 = vector.shape_cast %get3A_456 : vector<1x1x16xf32> to vector<16xf32>
        %get3A_458 = arith.index_cast %add3A_435 : i32 to index
        %get3A_459 = arith.constant 16 : index
        %get3A_460 = tpu.vector_load %arg7[%get3A_458, %get3A_459] {strides = array<i32>} : memref<200x32xf32, #tpu.memory_space<vmem>>, vector<1x16xf32>,
        %get3A_461 = vector.shape_cast %get3A_460 : vector<1x16xf32> to vector<16xf32>
        %add3A_462 = arith.addf %get3A_457, %get3A_461 : vector<16xf32>
        %swap3A_463 = arith.constant 1 : i32
        %swap3A_464 = arith.index_cast %swap3A_463 : i32 to index
        %swap3A_465 = arith.index_cast %add3A_435 : i32 to index
        %swap3A_466 = arith.constant 16 : index
        %swap3A_467 = tpu.vector_load %arg9[%swap3A_464, %swap3A_465, %swap3A_466] {strides = array<i32>} : memref<4x200x32xf32, #tpu.memory_space<vmem>>, vector<1x1x16xf32>,
        %swap3A_468 = vector.shape_cast %swap3A_467 : vector<1x1x16xf32> to vector<16xf32>
        %swap3A_469 = vector.shape_cast %add3A_462 : vector<16xf32> to vector<1x1x16xf32>
        tpu.vector_store %arg9[%swap3A_464, %swap3A_465, %swap3A_466], %swap3A_469 {strides = array<i32>} : memref<4x200x32xf32, #tpu.memory_space<vmem>>, vector<1x1x16xf32>,
        %add3A_470 = arith.constant 1 : i32
        %add3A_471 = arith.addi %mul3A_433, %add3A_470 : i32
        %get3A_472 = arith.constant 1 : i32
        %get3A_473 = arith.index_cast %get3A_472 : i32 to index
        %get3A_474 = arith.index_cast %add3A_471 : i32 to index
        %get3A_475 = arith.constant 0 : index
        %get3A_476 = tpu.vector_load %arg8[%get3A_473, %get3A_474, %get3A_475] {strides = array<i32>} : memref<4x200x32xf32, #tpu.memory_space<vmem>>, vector<1x1x16xf32>,
        %get3A_477 = vector.shape_cast %get3A_476 : vector<1x1x16xf32> to vector<16xf32>
        %get3A_478 = arith.index_cast %add3A_471 : i32 to index
        %get3A_479 = arith.constant 0 : index
        %get3A_480 = tpu.vector_load %arg7[%get3A_478, %get3A_479] {strides = array<i32>} : memref<200x32xf32, #tpu.memory_space<vmem>>, vector<1x16xf32>,
        %get3A_481 = vector.shape_cast %get3A_480 : vector<1x16xf32> to vector<16xf32>
        %add3A_482 = arith.addf %get3A_477, %get3A_481 : vector<16xf32>
        %swap3A_483 = arith.constant 1 : i32
        %swap3A_484 = arith.index_cast %swap3A_483 : i32 to index
        %swap3A_485 = arith.index_cast %add3A_471 : i32 to index
        %swap3A_486 = arith.constant 0 : index
        %swap3A_487 = tpu.vector_load %arg9[%swap3A_484, %swap3A_485, %swap3A_486] {strides = array<i32>} : memref<4x200x32xf32, #tpu.memory_space<vmem>>, vector<1x1x16xf32>,
        %swap3A_488 = vector.shape_cast %swap3A_487 : vector<1x1x16xf32> to vector<16xf32>
        %swap3A_489 = vector.shape_cast %add3A_482 : vector<16xf32> to vector<1x1x16xf32>
        tpu.vector_store %arg9[%swap3A_484, %swap3A_485, %swap3A_486], %swap3A_489 {strides = array<i32>} : memref<4x200x32xf32, #tpu.memory_space<vmem>>, vector<1x1x16xf32>,
        %get3A_490 = arith.constant 1 : i32
        %get3A_491 = arith.index_cast %get3A_490 : i32 to index
        %get3A_492 = arith.index_cast %add3A_471 : i32 to index
        %get3A_493 = arith.constant 16 : index
        %get3A_494 = tpu.vector_load %arg8[%get3A_491, %get3A_492, %get3A_493] {strides = array<i32>} : memref<4x200x32xf32, #tpu.memory_space<vmem>>, vector<1x1x16xf32>,
        %get3A_495 = vector.shape_cast %get3A_494 : vector<1x1x16xf32> to vector<16xf32>
        %get3A_496 = arith.index_cast %add3A_471 : i32 to index
        %get3A_497 = arith.constant 16 : index
        %get3A_498 = tpu.vector_load %arg7[%get3A_496, %get3A_497] {strides = array<i32>} : memref<200x32xf32, #tpu.memory_space<vmem>>, vector<1x16xf32>,
        %get3A_499 = vector.shape_cast %get3A_498 : vector<1x16xf32> to vector<16xf32>
        %add3A_500 = arith.addf %get3A_495, %get3A_499 : vector<16xf32>
        %swap3A_501 = arith.constant 1 : i32
        %swap3A_502 = arith.index_cast %swap3A_501 : i32 to index
        %swap3A_503 = arith.index_cast %add3A_471 : i32 to index
        %swap3A_504 = arith.constant 16 : index
        %swap3A_505 = tpu.vector_load %arg9[%swap3A_502, %swap3A_503, %swap3A_504] {strides = array<i32>} : memref<4x200x32xf32, #tpu.memory_space<vmem>>, vector<1x1x16xf32>,
        %swap3A_506 = vector.shape_cast %swap3A_505 : vector<1x1x16xf32> to vector<16xf32>
        %swap3A_507 = vector.shape_cast %add3A_500 : vector<16xf32> to vector<1x1x16xf32>
        tpu.vector_store %arg9[%swap3A_502, %swap3A_503, %swap3A_504], %swap3A_507 {strides = array<i32>} : memref<4x200x32xf32, #tpu.memory_space<vmem>>, vector<1x1x16xf32>,
        %add3A_508 = arith.constant 2 : i32
        %add3A_509 = arith.addi %mul3A_433, %add3A_508 : i32
        %get3A_510 = arith.constant 1 : i32
        %get3A_511 = arith.index_cast %get3A_510 : i32 to index
        %get3A_512 = arith.index_cast %add3A_509 : i32 to index
        %get3A_513 = arith.constant 0 : index
        %get3A_514 = tpu.vector_load %arg8[%get3A_511, %get3A_512, %get3A_513] {strides = array<i32>} : memref<4x200x32xf32, #tpu.memory_space<vmem>>, vector<1x1x16xf32>,
        %get3A_515 = vector.shape_cast %get3A_514 : vector<1x1x16xf32> to vector<16xf32>
        %get3A_516 = arith.index_cast %add3A_509 : i32 to index
        %get3A_517 = arith.constant 0 : index
        %get3A_518 = tpu.vector_load %arg7[%get3A_516, %get3A_517] {strides = array<i32>} : memref<200x32xf32, #tpu.memory_space<vmem>>, vector<1x16xf32>,
        %get3A_519 = vector.shape_cast %get3A_518 : vector<1x16xf32> to vector<16xf32>
        %add3A_520 = arith.addf %get3A_515, %get3A_519 : vector<16xf32>
        %swap3A_521 = arith.constant 1 : i32
        %swap3A_522 = arith.index_cast %swap3A_521 : i32 to index
        %swap3A_523 = arith.index_cast %add3A_509 : i32 to index
        %swap3A_524 = arith.constant 0 : index
        %swap3A_525 = tpu.vector_load %arg9[%swap3A_522, %swap3A_523, %swap3A_524] {strides = array<i32>} : memref<4x200x32xf32, #tpu.memory_space<vmem>>, vector<1x1x16xf32>,
        %swap3A_526 = vector.shape_cast %swap3A_525 : vector<1x1x16xf32> to vector<16xf32>
        %swap3A_527 = vector.shape_cast %add3A_520 : vector<16xf32> to vector<1x1x16xf32>
        tpu.vector_store %arg9[%swap3A_522, %swap3A_523, %swap3A_524], %swap3A_527 {strides = array<i32>} : memref<4x200x32xf32, #tpu.memory_space<vmem>>, vector<1x1x16xf32>,
        %get3A_528 = arith.constant 1 : i32
        %get3A_529 = arith.index_cast %get3A_528 : i32 to index
        %get3A_530 = arith.index_cast %add3A_509 : i32 to index
        %get3A_531 = arith.constant 16 : index
        %get3A_532 = tpu.vector_load %arg8[%get3A_529, %get3A_530, %get3A_531] {strides = array<i32>} : memref<4x200x32xf32, #tpu.memory_space<vmem>>, vector<1x1x16xf32>,
        %get3A_533 = vector.shape_cast %get3A_532 : vector<1x1x16xf32> to vector<16xf32>
        %get3A_534 = arith.index_cast %add3A_509 : i32 to index
        %get3A_535 = arith.constant 16 : index
        %get3A_536 = tpu.vector_load %arg7[%get3A_534, %get3A_535] {strides = array<i32>} : memref<200x32xf32, #tpu.memory_space<vmem>>, vector<1x16xf32>,
        %get3A_537 = vector.shape_cast %get3A_536 : vector<1x16xf32> to vector<16xf32>
        %add3A_538 = arith.addf %get3A_533, %get3A_537 : vector<16xf32>
        %swap3A_539 = arith.constant 1 : i32
        %swap3A_540 = arith.index_cast %swap3A_539 : i32 to index
        %swap3A_541 = arith.index_cast %add3A_509 : i32 to index
        %swap3A_542 = arith.constant 16 : index
        %swap3A_543 = tpu.vector_load %arg9[%swap3A_540, %swap3A_541, %swap3A_542] {strides = array<i32>} : memref<4x200x32xf32, #tpu.memory_space<vmem>>, vector<1x1x16xf32>,
        %swap3A_544 = vector.shape_cast %swap3A_543 : vector<1x1x16xf32> to vector<16xf32>
        %swap3A_545 = vector.shape_cast %add3A_538 : vector<16xf32> to vector<1x1x16xf32>
        tpu.vector_store %arg9[%swap3A_540, %swap3A_541, %swap3A_542], %swap3A_545 {strides = array<i32>} : memref<4x200x32xf32, #tpu.memory_space<vmem>>, vector<1x1x16xf32>,
        %add3A_546 = arith.constant 3 : i32
        %add3A_547 = arith.addi %mul3A_433, %add3A_546 : i32
        %get3A_548 = arith.constant 1 : i32
        %get3A_549 = arith.index_cast %get3A_548 : i32 to index
        %get3A_550 = arith.index_cast %add3A_547 : i32 to index
        %get3A_551 = arith.constant 0 : index
        %get3A_552 = tpu.vector_load %arg8[%get3A_549, %get3A_550, %get3A_551] {strides = array<i32>} : memref<4x200x32xf32, #tpu.memory_space<vmem>>, vector<1x1x16xf32>,
        %get3A_553 = vector.shape_cast %get3A_552 : vector<1x1x16xf32> to vector<16xf32>
        %get3A_554 = arith.index_cast %add3A_547 : i32 to index
        %get3A_555 = arith.constant 0 : index
        %get3A_556 = tpu.vector_load %arg7[%get3A_554, %get3A_555] {strides = array<i32>} : memref<200x32xf32, #tpu.memory_space<vmem>>, vector<1x16xf32>,
        %get3A_557 = vector.shape_cast %get3A_556 : vector<1x16xf32> to vector<16xf32>
        %add3A_558 = arith.addf %get3A_553, %get3A_557 : vector<16xf32>
        %swap3A_559 = arith.constant 1 : i32
        %swap3A_560 = arith.index_cast %swap3A_559 : i32 to index
        %swap3A_561 = arith.index_cast %add3A_547 : i32 to index
        %swap3A_562 = arith.constant 0 : index
        %swap3A_563 = tpu.vector_load %arg9[%swap3A_560, %swap3A_561, %swap3A_562] {strides = array<i32>} : memref<4x200x32xf32, #tpu.memory_space<vmem>>, vector<1x1x16xf32>,
        %swap3A_564 = vector.shape_cast %swap3A_563 : vector<1x1x16xf32> to vector<16xf32>
        %swap3A_565 = vector.shape_cast %add3A_558 : vector<16xf32> to vector<1x1x16xf32>
        tpu.vector_store %arg9[%swap3A_560, %swap3A_561, %swap3A_562], %swap3A_565 {strides = array<i32>} : memref<4x200x32xf32, #tpu.memory_space<vmem>>, vector<1x1x16xf32>,
        %get3A_566 = arith.constant 1 : i32
        %get3A_567 = arith.index_cast %get3A_566 : i32 to index
        %get3A_568 = arith.index_cast %add3A_547 : i32 to index
        %get3A_569 = arith.constant 16 : index
        %get3A_570 = tpu.vector_load %arg8[%get3A_567, %get3A_568, %get3A_569] {strides = array<i32>} : memref<4x200x32xf32, #tpu.memory_space<vmem>>, vector<1x1x16xf32>,
        %get3A_571 = vector.shape_cast %get3A_570 : vector<1x1x16xf32> to vector<16xf32>
        %get3A_572 = arith.index_cast %add3A_547 : i32 to index
        %get3A_573 = arith.constant 16 : index
        %get3A_574 = tpu.vector_load %arg7[%get3A_572, %get3A_573] {strides = array<i32>} : memref<200x32xf32, #tpu.memory_space<vmem>>, vector<1x16xf32>,
        %get3A_575 = vector.shape_cast %get3A_574 : vector<1x16xf32> to vector<16xf32>
        %add3A_576 = arith.addf %get3A_571, %get3A_575 : vector<16xf32>
        %swap3A_577 = arith.constant 1 : i32
        %swap3A_578 = arith.index_cast %swap3A_577 : i32 to index
        %swap3A_579 = arith.index_cast %add3A_547 : i32 to index
        %swap3A_580 = arith.constant 16 : index
        %swap3A_581 = tpu.vector_load %arg9[%swap3A_578, %swap3A_579, %swap3A_580] {strides = array<i32>} : memref<4x200x32xf32, #tpu.memory_space<vmem>>, vector<1x1x16xf32>,
        %swap3A_582 = vector.shape_cast %swap3A_581 : vector<1x1x16xf32> to vector<16xf32>
        %swap3A_583 = vector.shape_cast %add3A_576 : vector<16xf32> to vector<1x1x16xf32>
        tpu.vector_store %arg9[%swap3A_578, %swap3A_579, %swap3A_580], %swap3A_583 {strides = array<i32>} : memref<4x200x32xf32, #tpu.memory_space<vmem>>, vector<1x1x16xf32>,
        %add3A_584 = arith.constant 4 : i32
        %add3A_585 = arith.addi %mul3A_433, %add3A_584 : i32
        %get3A_586 = arith.constant 1 : i32
        %get3A_587 = arith.index_cast %get3A_586 : i32 to index
        %get3A_588 = arith.index_cast %add3A_585 : i32 to index
        %get3A_589 = arith.constant 0 : index
        %get3A_590 = tpu.vector_load %arg8[%get3A_587, %get3A_588, %get3A_589] {strides = array<i32>} : memref<4x200x32xf32, #tpu.memory_space<vmem>>, vector<1x1x16xf32>,
        %get3A_591 = vector.shape_cast %get3A_590 : vector<1x1x16xf32> to vector<16xf32>
        %get3A_592 = arith.index_cast %add3A_585 : i32 to index
        %get3A_593 = arith.constant 0 : index
        %get3A_594 = tpu.vector_load %arg7[%get3A_592, %get3A_593] {strides = array<i32>} : memref<200x32xf32, #tpu.memory_space<vmem>>, vector<1x16xf32>,
        %get3A_595 = vector.shape_cast %get3A_594 : vector<1x16xf32> to vector<16xf32>
        %add3A_596 = arith.addf %get3A_591, %get3A_595 : vector<16xf32>
        %swap3A_597 = arith.constant 1 : i32
        %swap3A_598 = arith.index_cast %swap3A_597 : i32 to index
        %swap3A_599 = arith.index_cast %add3A_585 : i32 to index
        %swap3A_600 = arith.constant 0 : index
        %swap3A_601 = tpu.vector_load %arg9[%swap3A_598, %swap3A_599, %swap3A_600] {strides = array<i32>} : memref<4x200x32xf32, #tpu.memory_space<vmem>>, vector<1x1x16xf32>,
        %swap3A_602 = vector.shape_cast %swap3A_601 : vector<1x1x16xf32> to vector<16xf32>
        %swap3A_603 = vector.shape_cast %add3A_596 : vector<16xf32> to vector<1x1x16xf32>
        tpu.vector_store %arg9[%swap3A_598, %swap3A_599, %swap3A_600], %swap3A_603 {strides = array<i32>} : memref<4x200x32xf32, #tpu.memory_space<vmem>>, vector<1x1x16xf32>,
        %get3A_604 = arith.constant 1 : i32
        %get3A_605 = arith.index_cast %get3A_604 : i32 to index
        %get3A_606 = arith.index_cast %add3A_585 : i32 to index
        %get3A_607 = arith.constant 16 : index
        %get3A_608 = tpu.vector_load %arg8[%get3A_605, %get3A_606, %get3A_607] {strides = array<i32>} : memref<4x200x32xf32, #tpu.memory_space<vmem>>, vector<1x1x16xf32>,
        %get3A_609 = vector.shape_cast %get3A_608 : vector<1x1x16xf32> to vector<16xf32>
        %get3A_610 = arith.index_cast %add3A_585 : i32 to index
        %get3A_611 = arith.constant 16 : index
        %get3A_612 = tpu.vector_load %arg7[%get3A_610, %get3A_611] {strides = array<i32>} : memref<200x32xf32, #tpu.memory_space<vmem>>, vector<1x16xf32>,
        %get3A_613 = vector.shape_cast %get3A_612 : vector<1x16xf32> to vector<16xf32>
        %add3A_614 = arith.addf %get3A_609, %get3A_613 : vector<16xf32>
        %swap3A_615 = arith.constant 1 : i32
        %swap3A_616 = arith.index_cast %swap3A_615 : i32 to index
        %swap3A_617 = arith.index_cast %add3A_585 : i32 to index
        %swap3A_618 = arith.constant 16 : index
        %swap3A_619 = tpu.vector_load %arg9[%swap3A_616, %swap3A_617, %swap3A_618] {strides = array<i32>} : memref<4x200x32xf32, #tpu.memory_space<vmem>>, vector<1x1x16xf32>,
        %swap3A_620 = vector.shape_cast %swap3A_619 : vector<1x1x16xf32> to vector<16xf32>
        %swap3A_621 = vector.shape_cast %add3A_614 : vector<16xf32> to vector<1x1x16xf32>
        tpu.vector_store %arg9[%swap3A_616, %swap3A_617, %swap3A_618], %swap3A_621 {strides = array<i32>} : memref<4x200x32xf32, #tpu.memory_space<vmem>>, vector<1x1x16xf32>,
        %add3A_622 = arith.constant 5 : i32
        %add3A_623 = arith.addi %mul3A_433, %add3A_622 : i32
        %get3A_624 = arith.constant 1 : i32
        %get3A_625 = arith.index_cast %get3A_624 : i32 to index
        %get3A_626 = arith.index_cast %add3A_623 : i32 to index
        %get3A_627 = arith.constant 0 : index
        %get3A_628 = tpu.vector_load %arg8[%get3A_625, %get3A_626, %get3A_627] {strides = array<i32>} : memref<4x200x32xf32, #tpu.memory_space<vmem>>, vector<1x1x16xf32>,
        %get3A_629 = vector.shape_cast %get3A_628 : vector<1x1x16xf32> to vector<16xf32>
        %get3A_630 = arith.index_cast %add3A_623 : i32 to index
        %get3A_631 = arith.constant 0 : index
        %get3A_632 = tpu.vector_load %arg7[%get3A_630, %get3A_631] {strides = array<i32>} : memref<200x32xf32, #tpu.memory_space<vmem>>, vector<1x16xf32>,
        %get3A_633 = vector.shape_cast %get3A_632 : vector<1x16xf32> to vector<16xf32>
        %add3A_634 = arith.addf %get3A_629, %get3A_633 : vector<16xf32>
        %swap3A_635 = arith.constant 1 : i32
        %swap3A_636 = arith.index_cast %swap3A_635 : i32 to index
        %swap3A_637 = arith.index_cast %add3A_623 : i32 to index
        %swap3A_638 = arith.constant 0 : index
        %swap3A_639 = tpu.vector_load %arg9[%swap3A_636, %swap3A_637, %swap3A_638] {strides = array<i32>} : memref<4x200x32xf32, #tpu.memory_space<vmem>>, vector<1x1x16xf32>,
        %swap3A_640 = vector.shape_cast %swap3A_639 : vector<1x1x16xf32> to vector<16xf32>
        %swap3A_641 = vector.shape_cast %add3A_634 : vector<16xf32> to vector<1x1x16xf32>
        tpu.vector_store %arg9[%swap3A_636, %swap3A_637, %swap3A_638], %swap3A_641 {strides = array<i32>} : memref<4x200x32xf32, #tpu.memory_space<vmem>>, vector<1x1x16xf32>,
        %get3A_642 = arith.constant 1 : i32
        %get3A_643 = arith.index_cast %get3A_642 : i32 to index
        %get3A_644 = arith.index_cast %add3A_623 : i32 to index
        %get3A_645 = arith.constant 16 : index
        %get3A_646 = tpu.vector_load %arg8[%get3A_643, %get3A_644, %get3A_645] {strides = array<i32>} : memref<4x200x32xf32, #tpu.memory_space<vmem>>, vector<1x1x16xf32>,
        %get3A_647 = vector.shape_cast %get3A_646 : vector<1x1x16xf32> to vector<16xf32>
        %get3A_648 = arith.index_cast %add3A_623 : i32 to index
        %get3A_649 = arith.constant 16 : index
        %get3A_650 = tpu.vector_load %arg7[%get3A_648, %get3A_649] {strides = array<i32>} : memref<200x32xf32, #tpu.memory_space<vmem>>, vector<1x16xf32>,
        %get3A_651 = vector.shape_cast %get3A_650 : vector<1x16xf32> to vector<16xf32>
        %add3A_652 = arith.addf %get3A_647, %get3A_651 : vector<16xf32>
        %swap3A_653 = arith.constant 1 : i32
        %swap3A_654 = arith.index_cast %swap3A_653 : i32 to index
        %swap3A_655 = arith.index_cast %add3A_623 : i32 to index
        %swap3A_656 = arith.constant 16 : index
        %swap3A_657 = tpu.vector_load %arg9[%swap3A_654, %swap3A_655, %swap3A_656] {strides = array<i32>} : memref<4x200x32xf32, #tpu.memory_space<vmem>>, vector<1x1x16xf32>,
        %swap3A_658 = vector.shape_cast %swap3A_657 : vector<1x1x16xf32> to vector<16xf32>
        %swap3A_659 = vector.shape_cast %add3A_652 : vector<16xf32> to vector<1x1x16xf32>
        tpu.vector_store %arg9[%swap3A_654, %swap3A_655, %swap3A_656], %swap3A_659 {strides = array<i32>} : memref<4x200x32xf32, #tpu.memory_space<vmem>>, vector<1x1x16xf32>,
        %add3A_660 = arith.constant 6 : i32
        %add3A_661 = arith.addi %mul3A_433, %add3A_660 : i32
        %get3A_662 = arith.constant 1 : i32
        %get3A_663 = arith.index_cast %get3A_662 : i32 to index
        %get3A_664 = arith.index_cast %add3A_661 : i32 to index
        %get3A_665 = arith.constant 0 : index
        %get3A_666 = tpu.vector_load %arg8[%get3A_663, %get3A_664, %get3A_665] {strides = array<i32>} : memref<4x200x32xf32, #tpu.memory_space<vmem>>, vector<1x1x16xf32>,
        %get3A_667 = vector.shape_cast %get3A_666 : vector<1x1x16xf32> to vector<16xf32>
        %get3A_668 = arith.index_cast %add3A_661 : i32 to index
        %get3A_669 = arith.constant 0 : index
        %get3A_670 = tpu.vector_load %arg7[%get3A_668, %get3A_669] {strides = array<i32>} : memref<200x32xf32, #tpu.memory_space<vmem>>, vector<1x16xf32>,
        %get3A_671 = vector.shape_cast %get3A_670 : vector<1x16xf32> to vector<16xf32>
        %add3A_672 = arith.addf %get3A_667, %get3A_671 : vector<16xf32>
        %swap3A_673 = arith.constant 1 : i32
        %swap3A_674 = arith.index_cast %swap3A_673 : i32 to index
        %swap3A_675 = arith.index_cast %add3A_661 : i32 to index
        %swap3A_676 = arith.constant 0 : index
        %swap3A_677 = tpu.vector_load %arg9[%swap3A_674, %swap3A_675, %swap3A_676] {strides = array<i32>} : memref<4x200x32xf32, #tpu.memory_space<vmem>>, vector<1x1x16xf32>,
        %swap3A_678 = vector.shape_cast %swap3A_677 : vector<1x1x16xf32> to vector<16xf32>
        %swap3A_679 = vector.shape_cast %add3A_672 : vector<16xf32> to vector<1x1x16xf32>
        tpu.vector_store %arg9[%swap3A_674, %swap3A_675, %swap3A_676], %swap3A_679 {strides = array<i32>} : memref<4x200x32xf32, #tpu.memory_space<vmem>>, vector<1x1x16xf32>,
        %get3A_680 = arith.constant 1 : i32
        %get3A_681 = arith.index_cast %get3A_680 : i32 to index
        %get3A_682 = arith.index_cast %add3A_661 : i32 to index
        %get3A_683 = arith.constant 16 : index
        %get3A_684 = tpu.vector_load %arg8[%get3A_681, %get3A_682, %get3A_683] {strides = array<i32>} : memref<4x200x32xf32, #tpu.memory_space<vmem>>, vector<1x1x16xf32>,
        %get3A_685 = vector.shape_cast %get3A_684 : vector<1x1x16xf32> to vector<16xf32>
        %get3A_686 = arith.index_cast %add3A_661 : i32 to index
        %get3A_687 = arith.constant 16 : index
        %get3A_688 = tpu.vector_load %arg7[%get3A_686, %get3A_687] {strides = array<i32>} : memref<200x32xf32, #tpu.memory_space<vmem>>, vector<1x16xf32>,
        %get3A_689 = vector.shape_cast %get3A_688 : vector<1x16xf32> to vector<16xf32>
        %add3A_690 = arith.addf %get3A_685, %get3A_689 : vector<16xf32>
        %swap3A_691 = arith.constant 1 : i32
        %swap3A_692 = arith.index_cast %swap3A_691 : i32 to index
        %swap3A_693 = arith.index_cast %add3A_661 : i32 to index
        %swap3A_694 = arith.constant 16 : index
        %swap3A_695 = tpu.vector_load %arg9[%swap3A_692, %swap3A_693, %swap3A_694] {strides = array<i32>} : memref<4x200x32xf32, #tpu.memory_space<vmem>>, vector<1x1x16xf32>,
        %swap3A_696 = vector.shape_cast %swap3A_695 : vector<1x1x16xf32> to vector<16xf32>
        %swap3A_697 = vector.shape_cast %add3A_690 : vector<16xf32> to vector<1x1x16xf32>
        tpu.vector_store %arg9[%swap3A_692, %swap3A_693, %swap3A_694], %swap3A_697 {strides = array<i32>} : memref<4x200x32xf32, #tpu.memory_space<vmem>>, vector<1x1x16xf32>,
        %add3A_698 = arith.constant 7 : i32
        %add3A_699 = arith.addi %mul3A_433, %add3A_698 : i32
        %get3A_700 = arith.constant 1 : i32
        %get3A_701 = arith.index_cast %get3A_700 : i32 to index
        %get3A_702 = arith.index_cast %add3A_699 : i32 to index
        %get3A_703 = arith.constant 0 : index
        %get3A_704 = tpu.vector_load %arg8[%get3A_701, %get3A_702, %get3A_703] {strides = array<i32>} : memref<4x200x32xf32, #tpu.memory_space<vmem>>, vector<1x1x16xf32>,
        %get3A_705 = vector.shape_cast %get3A_704 : vector<1x1x16xf32> to vector<16xf32>
        %get3A_706 = arith.index_cast %add3A_699 : i32 to index
        %get3A_707 = arith.constant 0 : index
        %get3A_708 = tpu.vector_load %arg7[%get3A_706, %get3A_707] {strides = array<i32>} : memref<200x32xf32, #tpu.memory_space<vmem>>, vector<1x16xf32>,
        %get3A_709 = vector.shape_cast %get3A_708 : vector<1x16xf32> to vector<16xf32>
        %add3A_710 = arith.addf %get3A_705, %get3A_709 : vector<16xf32>
        %swap3A_711 = arith.constant 1 : i32
        %swap3A_712 = arith.index_cast %swap3A_711 : i32 to index
        %swap3A_713 = arith.index_cast %add3A_699 : i32 to index
        %swap3A_714 = arith.constant 0 : index
        %swap3A_715 = tpu.vector_load %arg9[%swap3A_712, %swap3A_713, %swap3A_714] {strides = array<i32>} : memref<4x200x32xf32, #tpu.memory_space<vmem>>, vector<1x1x16xf32>,
        %swap3A_716 = vector.shape_cast %swap3A_715 : vector<1x1x16xf32> to vector<16xf32>
        %swap3A_717 = vector.shape_cast %add3A_710 : vector<16xf32> to vector<1x1x16xf32>
        tpu.vector_store %arg9[%swap3A_712, %swap3A_713, %swap3A_714], %swap3A_717 {strides = array<i32>} : memref<4x200x32xf32, #tpu.memory_space<vmem>>, vector<1x1x16xf32>,
        %get3A_718 = arith.constant 1 : i32
        %get3A_719 = arith.index_cast %get3A_718 : i32 to index
        %get3A_720 = arith.index_cast %add3A_699 : i32 to index
        %get3A_721 = arith.constant 16 : index
        %get3A_722 = tpu.vector_load %arg8[%get3A_719, %get3A_720, %get3A_721] {strides = array<i32>} : memref<4x200x32xf32, #tpu.memory_space<vmem>>, vector<1x1x16xf32>,
        %get3A_723 = vector.shape_cast %get3A_722 : vector<1x1x16xf32> to vector<16xf32>
        %get3A_724 = arith.index_cast %add3A_699 : i32 to index
        %get3A_725 = arith.constant 16 : index
        %get3A_726 = tpu.vector_load %arg7[%get3A_724, %get3A_725] {strides = array<i32>} : memref<200x32xf32, #tpu.memory_space<vmem>>, vector<1x16xf32>,
        %get3A_727 = vector.shape_cast %get3A_726 : vector<1x16xf32> to vector<16xf32>
        %add3A_728 = arith.addf %get3A_723, %get3A_727 : vector<16xf32>
        %swap3A_729 = arith.constant 1 : i32
        %swap3A_730 = arith.index_cast %swap3A_729 : i32 to index
        %swap3A_731 = arith.index_cast %add3A_699 : i32 to index
        %swap3A_732 = arith.constant 16 : index
        %swap3A_733 = tpu.vector_load %arg9[%swap3A_730, %swap3A_731, %swap3A_732] {strides = array<i32>} : memref<4x200x32xf32, #tpu.memory_space<vmem>>, vector<1x1x16xf32>,
        %swap3A_734 = vector.shape_cast %swap3A_733 : vector<1x1x16xf32> to vector<16xf32>
        %swap3A_735 = vector.shape_cast %add3A_728 : vector<16xf32> to vector<1x1x16xf32>
        tpu.vector_store %arg9[%swap3A_730, %swap3A_731, %swap3A_732], %swap3A_735 {strides = array<i32>} : memref<4x200x32xf32, #tpu.memory_space<vmem>>, vector<1x1x16xf32>,
        %scan3A_736 = arith.constant 0 : i32
        scf.yield %scan3A_736 : i32
      }
      %scan3A_273 = arith.constant 25 : i32
      %add3A_274 = arith.addi %mul3A_2, %add3A_237 : i32
      %dma_start3A_275 = arith.constant 1 : i32
      %dma_start3A_276 = arith.constant 0 : i32
      %dma_start3A_277 = arith.constant 0 : i32
      %dma_start3A_278 = tpu.memref_slice %arg9[%dma_start3A_275, %dma_start3A_276, %dma_start3A_277] : memref<4x200x32xf32, #tpu.memory_space<vmem>> -> memref<1x200x32xf32, #tpu.memory_space<vmem>>
      %dma_start3A_279 = tpu.memref_squeeze %dma_start3A_278 : memref<1x200x32xf32, #tpu.memory_space<vmem>> -> memref<200x32xf32, #tpu.memory_space<vmem>>
      %dma_start3A_280 = arith.constant 0 : i32
      %dma_start3A_281 = arith.constant 0 : i32
      %dma_start3A_282 = tpu.memref_slice %arg5[%add3A_274, %dma_start3A_280, %dma_start3A_281] : memref<4096x200x128xf32, #tpu.memory_space<hbm>> -> memref<1x200x32xf32, #tpu.memory_space<hbm>>
      %dma_start3A_283 = tpu.memref_squeeze %dma_start3A_282 : memref<1x200x32xf32, #tpu.memory_space<hbm>> -> memref<200x32xf32, #tpu.memory_space<hbm>>
      %dma_start3A_284 = arith.constant 0 : i32
      %dma_start3A_285 = arith.constant 0 : i32
      %dma_start3A_286 = tpu.memref_slice %arg5[%add3A_274, %dma_start3A_284, %dma_start3A_285] : memref<4096x200x128xf32, #tpu.memory_space<hbm>> -> memref<1x200x32xf32, #tpu.memory_space<hbm>>
      %dma_start3A_287 = tpu.memref_squeeze %dma_start3A_286 : memref<1x200x32xf32, #tpu.memory_space<hbm>> -> memref<200x32xf32, #tpu.memory_space<hbm>>
      %dma_start3A_288 = arith.constant 0 : i32
      %dma_start3A_289 = arith.constant 0 : i32
      %dma_start3A_290 = tpu.memref_slice %arg9[%dma_start3A_275, %dma_start3A_288, %dma_start3A_289] : memref<4x200x32xf32, #tpu.memory_space<vmem>> -> memref<1x200x32xf32, #tpu.memory_space<vmem>>
      %dma_start3A_291 = tpu.memref_squeeze %dma_start3A_290 : memref<1x200x32xf32, #tpu.memory_space<vmem>> -> memref<200x32xf32, #tpu.memory_space<vmem>>
      tpu.enqueue_dma source(%dma_start3A_291 : memref<200x32xf32, #tpu.memory_space<vmem>>) target(%dma_start3A_287 : memref<200x32xf32, #tpu.memory_space<hbm>>) target_semaphore(%arg15 : memref<!tpu.dma_semaphore, #tpu.memory_space<semaphore_mem>>)
      %add3A_292 = arith.constant 4 : i32
      %add3A_293 = arith.addi %add3A_237, %add3A_292 : i32
      %lt3A_294 = arith.constant 128 : i32
      %lt3A_295 = arith.cmpi slt, %add3A_293, %lt3A_294 : i32
      %convert_element_type3A_296 = arith.extui %lt3A_295 : i1 to i32
      %cond3A_297 = arith.constant 0 : i32
      %cond3A_298 = arith.cmpi ne, %convert_element_type3A_296, %cond3A_297 : i32
      scf.if %cond3A_298 {
        %add3A_430 = arith.constant 4 : i32
        %add3A_431 = arith.addi %add3A_237, %add3A_430 : i32
        %dma_start3A_432 = arith.constant 1 : i32
        %dma_start3A_433 = arith.constant 0 : i32
        %dma_start3A_434 = arith.constant 0 : i32
        %dma_start3A_435 = tpu.memref_slice %arg8[%dma_start3A_432, %dma_start3A_433, %dma_start3A_434] : memref<4x200x32xf32, #tpu.memory_space<vmem>> -> memref<1x104x32xf32, #tpu.memory_space<vmem>>
        %dma_start3A_436 = tpu.memref_squeeze %dma_start3A_435 : memref<1x104x32xf32, #tpu.memory_space<vmem>> -> memref<104x32xf32, #tpu.memory_space<vmem>>
        %dma_start3A_437 = arith.constant 0 : i32
        %dma_start3A_438 = tpu.memref_slice %arg6[%add3A_431, %dma_start3A_437] : memref<128x200xi32, #tpu.memory_space<vmem>> -> memref<1x104xi32, #tpu.memory_space<vmem>>
        %dma_start3A_439 = tpu.memref_squeeze %dma_start3A_438 : memref<1x104xi32, #tpu.memory_space<vmem>> -> memref<104xi32, #tpu.memory_space<vmem>>
        %dma_start3A_440 = arith.constant 0 : i32
        %dma_start3A_441 = arith.constant 0 : i32
        %dma_start3A_442 = tpu.memref_slice %arg3[%dma_start3A_440, %dma_start3A_441] : memref<1000000x32xf32, #tpu.memory_space<hbm>> -> memref<1000000x32xf32, #tpu.memory_space<hbm>>
        tpu.enqueue_indirect_dma source(%dma_start3A_442 : memref<1000000x32xf32, #tpu.memory_space<hbm>>) target(%dma_start3A_436 : memref<104x32xf32, #tpu.memory_space<vmem>>) offsets(%dma_start3A_439 : memref<104xi32, #tpu.memory_space<vmem>>) semaphore(%arg11 : memref<!tpu.dma_semaphore, #tpu.memory_space<semaphore_mem>>)
        %dma_start3A_443 = arith.constant 1 : i32
        %dma_start3A_444 = arith.constant 104 : i32
        %dma_start3A_445 = arith.constant 0 : i32
        %dma_start3A_446 = tpu.memref_slice %arg8[%dma_start3A_443, %dma_start3A_444, %dma_start3A_445] : memref<4x200x32xf32, #tpu.memory_space<vmem>> -> memref<1x96x32xf32, #tpu.memory_space<vmem>>
        %dma_start3A_447 = tpu.memref_squeeze %dma_start3A_446 : memref<1x96x32xf32, #tpu.memory_space<vmem>> -> memref<96x32xf32, #tpu.memory_space<vmem>>
        %dma_start3A_448 = arith.constant 104 : i32
        %dma_start3A_449 = tpu.memref_slice %arg6[%add3A_431, %dma_start3A_448] : memref<128x200xi32, #tpu.memory_space<vmem>> -> memref<1x96xi32, #tpu.memory_space<vmem>>
        %dma_start3A_450 = tpu.memref_squeeze %dma_start3A_449 : memref<1x96xi32, #tpu.memory_space<vmem>> -> memref<96xi32, #tpu.memory_space<vmem>>
        %dma_start3A_451 = arith.constant 0 : i32
        %dma_start3A_452 = arith.constant 0 : i32
        %dma_start3A_453 = tpu.memref_slice %arg3[%dma_start3A_451, %dma_start3A_452] : memref<1000000x32xf32, #tpu.memory_space<hbm>> -> memref<1000000x32xf32, #tpu.memory_space<hbm>>
        tpu.enqueue_indirect_dma source(%dma_start3A_453 : memref<1000000x32xf32, #tpu.memory_space<hbm>>) target(%dma_start3A_447 : memref<96x32xf32, #tpu.memory_space<vmem>>) offsets(%dma_start3A_450 : memref<96xi32, #tpu.memory_space<vmem>>) semaphore(%arg11 : memref<!tpu.dma_semaphore, #tpu.memory_space<semaphore_mem>>)
      } else {
      }
      %mul3A_299 = arith.constant 4 : i32
      %mul3A_300 = arith.muli %scan3A_171, %mul3A_299 : i32
      %add3A_301 = arith.constant 2 : i32
      %add3A_302 = arith.addi %mul3A_300, %add3A_301 : i32
      %dma_wait3A_303 = arith.constant 0 : i32
      %dma_wait3A_304 = arith.constant 2 : i32
      %dma_wait3A_305 = arith.constant 0 : i32
      %dma_wait3A_306 = arith.constant 0 : i32
      %dma_wait3A_307 = tpu.memref_slice %arg8[%dma_wait3A_304, %dma_wait3A_305, %dma_wait3A_306] : memref<4x200x32xf32, #tpu.memory_space<vmem>> -> memref<1x104x32xf32, #tpu.memory_space<vmem>>
      %dma_wait3A_308 = tpu.memref_squeeze %dma_wait3A_307 : memref<1x104x32xf32, #tpu.memory_space<vmem>> -> memref<104x32xf32, #tpu.memory_space<vmem>>
      %dma_wait3A_309 = arith.constant 0 : i32
      %dma_wait3A_310 = tpu.memref_slice %arg6[%dma_wait3A_303, %dma_wait3A_309] : memref<128x200xi32, #tpu.memory_space<vmem>> -> memref<1x104xi32, #tpu.memory_space<vmem>>
      %dma_wait3A_311 = tpu.memref_squeeze %dma_wait3A_310 : memref<1x104xi32, #tpu.memory_space<vmem>> -> memref<104xi32, #tpu.memory_space<vmem>>
      %dma_wait3A_312 = arith.constant 0 : i32
      %dma_wait3A_313 = arith.constant 0 : i32
      %dma_wait3A_314 = tpu.memref_slice %arg3[%dma_wait3A_312, %dma_wait3A_313] : memref<1000000x32xf32, #tpu.memory_space<hbm>> -> memref<1000000x32xf32, #tpu.memory_space<hbm>>
      tpu.wait_indirect_dma semaphore(%arg12 : memref<!tpu.dma_semaphore, #tpu.memory_space<semaphore_mem>>) src(%dma_wait3A_314 : memref<1000000x32xf32, #tpu.memory_space<hbm>>) dst(%dma_wait3A_308 : memref<104x32xf32, #tpu.memory_space<vmem>>)
      %dma_wait3A_315 = arith.constant 0 : i32
      %dma_wait3A_316 = arith.constant 2 : i32
      %dma_wait3A_317 = arith.constant 104 : i32
      %dma_wait3A_318 = arith.constant 0 : i32
      %dma_wait3A_319 = tpu.memref_slice %arg8[%dma_wait3A_316, %dma_wait3A_317, %dma_wait3A_318] : memref<4x200x32xf32, #tpu.memory_space<vmem>> -> memref<1x96x32xf32, #tpu.memory_space<vmem>>
      %dma_wait3A_320 = tpu.memref_squeeze %dma_wait3A_319 : memref<1x96x32xf32, #tpu.memory_space<vmem>> -> memref<96x32xf32, #tpu.memory_space<vmem>>
      %dma_wait3A_321 = arith.constant 0 : i32
      %dma_wait3A_322 = tpu.memref_slice %arg6[%dma_wait3A_315, %dma_wait3A_321] : memref<128x200xi32, #tpu.memory_space<vmem>> -> memref<1x96xi32, #tpu.memory_space<vmem>>
      %dma_wait3A_323 = tpu.memref_squeeze %dma_wait3A_322 : memref<1x96xi32, #tpu.memory_space<vmem>> -> memref<96xi32, #tpu.memory_space<vmem>>
      %dma_wait3A_324 = arith.constant 0 : i32
      %dma_wait3A_325 = arith.constant 0 : i32
      %dma_wait3A_326 = tpu.memref_slice %arg3[%dma_wait3A_324, %dma_wait3A_325] : memref<1000000x32xf32, #tpu.memory_space<hbm>> -> memref<1000000x32xf32, #tpu.memory_space<hbm>>
      tpu.wait_indirect_dma semaphore(%arg12 : memref<!tpu.dma_semaphore, #tpu.memory_space<semaphore_mem>>) src(%dma_wait3A_326 : memref<1000000x32xf32, #tpu.memory_space<hbm>>) dst(%dma_wait3A_320 : memref<96x32xf32, #tpu.memory_space<vmem>>)
      %gt3A_327 = arith.constant 0 : i32
      %gt3A_328 = arith.cmpi sgt, %scan3A_171, %gt3A_327 : i32
      %convert_element_type3A_329 = arith.extui %gt3A_328 : i1 to i32
      %cond3A_330 = arith.constant 0 : i32
      %cond3A_331 = arith.cmpi ne, %convert_element_type3A_329, %cond3A_330 : i32
      scf.if %cond3A_331 {
        %dma_wait3A_430 = arith.constant 2 : i32
        %dma_wait3A_431 = arith.constant 0 : i32
        %dma_wait3A_432 = arith.constant 0 : i32
        %dma_wait3A_433 = tpu.memref_slice %arg9[%dma_wait3A_430, %dma_wait3A_431, %dma_wait3A_432] : memref<4x200x32xf32, #tpu.memory_space<vmem>> -> memref<1x200x32xf32, #tpu.memory_space<vmem>>
        %dma_wait3A_434 = tpu.memref_squeeze %dma_wait3A_433 : memref<1x200x32xf32, #tpu.memory_space<vmem>> -> memref<200x32xf32, #tpu.memory_space<vmem>>
        %dma_wait3A_435 = arith.constant 0 : i32
        %dma_wait3A_436 = arith.constant 0 : i32
        %dma_wait3A_437 = tpu.memref_slice %arg5[%mul3A_2, %dma_wait3A_435, %dma_wait3A_436] : memref<4096x200x128xf32, #tpu.memory_space<hbm>> -> memref<1x200x32xf32, #tpu.memory_space<hbm>>
        %dma_wait3A_438 = tpu.memref_squeeze %dma_wait3A_437 : memref<1x200x32xf32, #tpu.memory_space<hbm>> -> memref<200x32xf32, #tpu.memory_space<hbm>>
        %dma_wait3A_439 = arith.constant 0 : i32
        %dma_wait3A_440 = arith.constant 0 : i32
        %dma_wait3A_441 = tpu.memref_slice %arg5[%mul3A_2, %dma_wait3A_439, %dma_wait3A_440] : memref<4096x200x128xf32, #tpu.memory_space<hbm>> -> memref<1x200x32xf32, #tpu.memory_space<hbm>>
        %dma_wait3A_442 = tpu.memref_squeeze %dma_wait3A_441 : memref<1x200x32xf32, #tpu.memory_space<hbm>> -> memref<200x32xf32, #tpu.memory_space<hbm>>
        %dma_wait3A_443 = arith.constant 0 : i32
        %dma_wait3A_444 = arith.constant 0 : i32
        %dma_wait3A_445 = tpu.memref_slice %arg9[%dma_wait3A_430, %dma_wait3A_443, %dma_wait3A_444] : memref<4x200x32xf32, #tpu.memory_space<vmem>> -> memref<1x200x32xf32, #tpu.memory_space<vmem>>
        %dma_wait3A_446 = tpu.memref_squeeze %dma_wait3A_445 : memref<1x200x32xf32, #tpu.memory_space<vmem>> -> memref<200x32xf32, #tpu.memory_space<vmem>>
        tpu.wait_dma2 semaphore(%arg16 : memref<!tpu.dma_semaphore, #tpu.memory_space<semaphore_mem>>) src(%dma_wait3A_446 : memref<200x32xf32, #tpu.memory_space<vmem>>) dst(%dma_wait3A_442 : memref<200x32xf32, #tpu.memory_space<hbm>>)
      } else {
      }
      %scan3A_332 = arith.constant 0 : i32
      %scan3A_333 = arith.constant 0 : i32
      %scan3A_334 = arith.constant 25 : i32
      %scan3A_335 = arith.addi %scan3A_333, %scan3A_334 : i32
      %scan3A_336 = arith.constant 1 : i32
      %scan3A_337 = scf.for %scan3A_430 = %scan3A_333 to %scan3A_335 step %scan3A_336 iter_args(%scan3A_431 = %scan3A_332) -> (i32)  : i32 {
        %mul3A_432 = arith.constant 8 : i32
        %mul3A_433 = arith.muli %scan3A_430, %mul3A_432 : i32
        %add3A_434 = arith.constant 0 : i32
        %add3A_435 = arith.addi %mul3A_433, %add3A_434 : i32
        %get3A = arith.constant 2 : i32
        %get3A_436 = arith.index_cast %get3A : i32 to index
        %get3A_437 = arith.index_cast %add3A_435 : i32 to index
        %get3A_438 = arith.constant 0 : index
        %get3A_439 = tpu.vector_load %arg8[%get3A_436, %get3A_437, %get3A_438] {strides = array<i32>} : memref<4x200x32xf32, #tpu.memory_space<vmem>>, vector<1x1x16xf32>,
        %get3A_440 = vector.shape_cast %get3A_439 : vector<1x1x16xf32> to vector<16xf32>
        %get3A_441 = arith.index_cast %add3A_435 : i32 to index
        %get3A_442 = arith.constant 0 : index
        %get3A_443 = tpu.vector_load %arg7[%get3A_441, %get3A_442] {strides = array<i32>} : memref<200x32xf32, #tpu.memory_space<vmem>>, vector<1x16xf32>,
        %get3A_444 = vector.shape_cast %get3A_443 : vector<1x16xf32> to vector<16xf32>
        %add3A_445 = arith.addf %get3A_440, %get3A_444 : vector<16xf32>
        %swap3A = arith.constant 2 : i32
        %swap3A_446 = arith.index_cast %swap3A : i32 to index
        %swap3A_447 = arith.index_cast %add3A_435 : i32 to index
        %swap3A_448 = arith.constant 0 : index
        %swap3A_449 = tpu.vector_load %arg9[%swap3A_446, %swap3A_447, %swap3A_448] {strides = array<i32>} : memref<4x200x32xf32, #tpu.memory_space<vmem>>, vector<1x1x16xf32>,
        %swap3A_450 = vector.shape_cast %swap3A_449 : vector<1x1x16xf32> to vector<16xf32>
        %swap3A_451 = vector.shape_cast %add3A_445 : vector<16xf32> to vector<1x1x16xf32>
        tpu.vector_store %arg9[%swap3A_446, %swap3A_447, %swap3A_448], %swap3A_451 {strides = array<i32>} : memref<4x200x32xf32, #tpu.memory_space<vmem>>, vector<1x1x16xf32>,
        %get3A_452 = arith.constant 2 : i32
        %get3A_453 = arith.index_cast %get3A_452 : i32 to index
        %get3A_454 = arith.index_cast %add3A_435 : i32 to index
        %get3A_455 = arith.constant 16 : index
        %get3A_456 = tpu.vector_load %arg8[%get3A_453, %get3A_454, %get3A_455] {strides = array<i32>} : memref<4x200x32xf32, #tpu.memory_space<vmem>>, vector<1x1x16xf32>,
        %get3A_457 = vector.shape_cast %get3A_456 : vector<1x1x16xf32> to vector<16xf32>
        %get3A_458 = arith.index_cast %add3A_435 : i32 to index
        %get3A_459 = arith.constant 16 : index
        %get3A_460 = tpu.vector_load %arg7[%get3A_458, %get3A_459] {strides = array<i32>} : memref<200x32xf32, #tpu.memory_space<vmem>>, vector<1x16xf32>,
        %get3A_461 = vector.shape_cast %get3A_460 : vector<1x16xf32> to vector<16xf32>
        %add3A_462 = arith.addf %get3A_457, %get3A_461 : vector<16xf32>
        %swap3A_463 = arith.constant 2 : i32
        %swap3A_464 = arith.index_cast %swap3A_463 : i32 to index
        %swap3A_465 = arith.index_cast %add3A_435 : i32 to index
        %swap3A_466 = arith.constant 16 : index
        %swap3A_467 = tpu.vector_load %arg9[%swap3A_464, %swap3A_465, %swap3A_466] {strides = array<i32>} : memref<4x200x32xf32, #tpu.memory_space<vmem>>, vector<1x1x16xf32>,
        %swap3A_468 = vector.shape_cast %swap3A_467 : vector<1x1x16xf32> to vector<16xf32>
        %swap3A_469 = vector.shape_cast %add3A_462 : vector<16xf32> to vector<1x1x16xf32>
        tpu.vector_store %arg9[%swap3A_464, %swap3A_465, %swap3A_466], %swap3A_469 {strides = array<i32>} : memref<4x200x32xf32, #tpu.memory_space<vmem>>, vector<1x1x16xf32>,
        %add3A_470 = arith.constant 1 : i32
        %add3A_471 = arith.addi %mul3A_433, %add3A_470 : i32
        %get3A_472 = arith.constant 2 : i32
        %get3A_473 = arith.index_cast %get3A_472 : i32 to index
        %get3A_474 = arith.index_cast %add3A_471 : i32 to index
        %get3A_475 = arith.constant 0 : index
        %get3A_476 = tpu.vector_load %arg8[%get3A_473, %get3A_474, %get3A_475] {strides = array<i32>} : memref<4x200x32xf32, #tpu.memory_space<vmem>>, vector<1x1x16xf32>,
        %get3A_477 = vector.shape_cast %get3A_476 : vector<1x1x16xf32> to vector<16xf32>
        %get3A_478 = arith.index_cast %add3A_471 : i32 to index
        %get3A_479 = arith.constant 0 : index
        %get3A_480 = tpu.vector_load %arg7[%get3A_478, %get3A_479] {strides = array<i32>} : memref<200x32xf32, #tpu.memory_space<vmem>>, vector<1x16xf32>,
        %get3A_481 = vector.shape_cast %get3A_480 : vector<1x16xf32> to vector<16xf32>
        %add3A_482 = arith.addf %get3A_477, %get3A_481 : vector<16xf32>
        %swap3A_483 = arith.constant 2 : i32
        %swap3A_484 = arith.index_cast %swap3A_483 : i32 to index
        %swap3A_485 = arith.index_cast %add3A_471 : i32 to index
        %swap3A_486 = arith.constant 0 : index
        %swap3A_487 = tpu.vector_load %arg9[%swap3A_484, %swap3A_485, %swap3A_486] {strides = array<i32>} : memref<4x200x32xf32, #tpu.memory_space<vmem>>, vector<1x1x16xf32>,
        %swap3A_488 = vector.shape_cast %swap3A_487 : vector<1x1x16xf32> to vector<16xf32>
        %swap3A_489 = vector.shape_cast %add3A_482 : vector<16xf32> to vector<1x1x16xf32>
        tpu.vector_store %arg9[%swap3A_484, %swap3A_485, %swap3A_486], %swap3A_489 {strides = array<i32>} : memref<4x200x32xf32, #tpu.memory_space<vmem>>, vector<1x1x16xf32>,
        %get3A_490 = arith.constant 2 : i32
        %get3A_491 = arith.index_cast %get3A_490 : i32 to index
        %get3A_492 = arith.index_cast %add3A_471 : i32 to index
        %get3A_493 = arith.constant 16 : index
        %get3A_494 = tpu.vector_load %arg8[%get3A_491, %get3A_492, %get3A_493] {strides = array<i32>} : memref<4x200x32xf32, #tpu.memory_space<vmem>>, vector<1x1x16xf32>,
        %get3A_495 = vector.shape_cast %get3A_494 : vector<1x1x16xf32> to vector<16xf32>
        %get3A_496 = arith.index_cast %add3A_471 : i32 to index
        %get3A_497 = arith.constant 16 : index
        %get3A_498 = tpu.vector_load %arg7[%get3A_496, %get3A_497] {strides = array<i32>} : memref<200x32xf32, #tpu.memory_space<vmem>>, vector<1x16xf32>,
        %get3A_499 = vector.shape_cast %get3A_498 : vector<1x16xf32> to vector<16xf32>
        %add3A_500 = arith.addf %get3A_495, %get3A_499 : vector<16xf32>
        %swap3A_501 = arith.constant 2 : i32
        %swap3A_502 = arith.index_cast %swap3A_501 : i32 to index
        %swap3A_503 = arith.index_cast %add3A_471 : i32 to index
        %swap3A_504 = arith.constant 16 : index
        %swap3A_505 = tpu.vector_load %arg9[%swap3A_502, %swap3A_503, %swap3A_504] {strides = array<i32>} : memref<4x200x32xf32, #tpu.memory_space<vmem>>, vector<1x1x16xf32>,
        %swap3A_506 = vector.shape_cast %swap3A_505 : vector<1x1x16xf32> to vector<16xf32>
        %swap3A_507 = vector.shape_cast %add3A_500 : vector<16xf32> to vector<1x1x16xf32>
        tpu.vector_store %arg9[%swap3A_502, %swap3A_503, %swap3A_504], %swap3A_507 {strides = array<i32>} : memref<4x200x32xf32, #tpu.memory_space<vmem>>, vector<1x1x16xf32>,
        %add3A_508 = arith.constant 2 : i32
        %add3A_509 = arith.addi %mul3A_433, %add3A_508 : i32
        %get3A_510 = arith.constant 2 : i32
        %get3A_511 = arith.index_cast %get3A_510 : i32 to index
        %get3A_512 = arith.index_cast %add3A_509 : i32 to index
        %get3A_513 = arith.constant 0 : index
        %get3A_514 = tpu.vector_load %arg8[%get3A_511, %get3A_512, %get3A_513] {strides = array<i32>} : memref<4x200x32xf32, #tpu.memory_space<vmem>>, vector<1x1x16xf32>,
        %get3A_515 = vector.shape_cast %get3A_514 : vector<1x1x16xf32> to vector<16xf32>
        %get3A_516 = arith.index_cast %add3A_509 : i32 to index
        %get3A_517 = arith.constant 0 : index
        %get3A_518 = tpu.vector_load %arg7[%get3A_516, %get3A_517] {strides = array<i32>} : memref<200x32xf32, #tpu.memory_space<vmem>>, vector<1x16xf32>,
        %get3A_519 = vector.shape_cast %get3A_518 : vector<1x16xf32> to vector<16xf32>
        %add3A_520 = arith.addf %get3A_515, %get3A_519 : vector<16xf32>
        %swap3A_521 = arith.constant 2 : i32
        %swap3A_522 = arith.index_cast %swap3A_521 : i32 to index
        %swap3A_523 = arith.index_cast %add3A_509 : i32 to index
        %swap3A_524 = arith.constant 0 : index
        %swap3A_525 = tpu.vector_load %arg9[%swap3A_522, %swap3A_523, %swap3A_524] {strides = array<i32>} : memref<4x200x32xf32, #tpu.memory_space<vmem>>, vector<1x1x16xf32>,
        %swap3A_526 = vector.shape_cast %swap3A_525 : vector<1x1x16xf32> to vector<16xf32>
        %swap3A_527 = vector.shape_cast %add3A_520 : vector<16xf32> to vector<1x1x16xf32>
        tpu.vector_store %arg9[%swap3A_522, %swap3A_523, %swap3A_524], %swap3A_527 {strides = array<i32>} : memref<4x200x32xf32, #tpu.memory_space<vmem>>, vector<1x1x16xf32>,
        %get3A_528 = arith.constant 2 : i32
        %get3A_529 = arith.index_cast %get3A_528 : i32 to index
        %get3A_530 = arith.index_cast %add3A_509 : i32 to index
        %get3A_531 = arith.constant 16 : index
        %get3A_532 = tpu.vector_load %arg8[%get3A_529, %get3A_530, %get3A_531] {strides = array<i32>} : memref<4x200x32xf32, #tpu.memory_space<vmem>>, vector<1x1x16xf32>,
        %get3A_533 = vector.shape_cast %get3A_532 : vector<1x1x16xf32> to vector<16xf32>
        %get3A_534 = arith.index_cast %add3A_509 : i32 to index
        %get3A_535 = arith.constant 16 : index
        %get3A_536 = tpu.vector_load %arg7[%get3A_534, %get3A_535] {strides = array<i32>} : memref<200x32xf32, #tpu.memory_space<vmem>>, vector<1x16xf32>,
        %get3A_537 = vector.shape_cast %get3A_536 : vector<1x16xf32> to vector<16xf32>
        %add3A_538 = arith.addf %get3A_533, %get3A_537 : vector<16xf32>
        %swap3A_539 = arith.constant 2 : i32
        %swap3A_540 = arith.index_cast %swap3A_539 : i32 to index
        %swap3A_541 = arith.index_cast %add3A_509 : i32 to index
        %swap3A_542 = arith.constant 16 : index
        %swap3A_543 = tpu.vector_load %arg9[%swap3A_540, %swap3A_541, %swap3A_542] {strides = array<i32>} : memref<4x200x32xf32, #tpu.memory_space<vmem>>, vector<1x1x16xf32>,
        %swap3A_544 = vector.shape_cast %swap3A_543 : vector<1x1x16xf32> to vector<16xf32>
        %swap3A_545 = vector.shape_cast %add3A_538 : vector<16xf32> to vector<1x1x16xf32>
        tpu.vector_store %arg9[%swap3A_540, %swap3A_541, %swap3A_542], %swap3A_545 {strides = array<i32>} : memref<4x200x32xf32, #tpu.memory_space<vmem>>, vector<1x1x16xf32>,
        %add3A_546 = arith.constant 3 : i32
        %add3A_547 = arith.addi %mul3A_433, %add3A_546 : i32
        %get3A_548 = arith.constant 2 : i32
        %get3A_549 = arith.index_cast %get3A_548 : i32 to index
        %get3A_550 = arith.index_cast %add3A_547 : i32 to index
        %get3A_551 = arith.constant 0 : index
        %get3A_552 = tpu.vector_load %arg8[%get3A_549, %get3A_550, %get3A_551] {strides = array<i32>} : memref<4x200x32xf32, #tpu.memory_space<vmem>>, vector<1x1x16xf32>,
        %get3A_553 = vector.shape_cast %get3A_552 : vector<1x1x16xf32> to vector<16xf32>
        %get3A_554 = arith.index_cast %add3A_547 : i32 to index
        %get3A_555 = arith.constant 0 : index
        %get3A_556 = tpu.vector_load %arg7[%get3A_554, %get3A_555] {strides = array<i32>} : memref<200x32xf32, #tpu.memory_space<vmem>>, vector<1x16xf32>,
        %get3A_557 = vector.shape_cast %get3A_556 : vector<1x16xf32> to vector<16xf32>
        %add3A_558 = arith.addf %get3A_553, %get3A_557 : vector<16xf32>
        %swap3A_559 = arith.constant 2 : i32
        %swap3A_560 = arith.index_cast %swap3A_559 : i32 to index
        %swap3A_561 = arith.index_cast %add3A_547 : i32 to index
        %swap3A_562 = arith.constant 0 : index
        %swap3A_563 = tpu.vector_load %arg9[%swap3A_560, %swap3A_561, %swap3A_562] {strides = array<i32>} : memref<4x200x32xf32, #tpu.memory_space<vmem>>, vector<1x1x16xf32>,
        %swap3A_564 = vector.shape_cast %swap3A_563 : vector<1x1x16xf32> to vector<16xf32>
        %swap3A_565 = vector.shape_cast %add3A_558 : vector<16xf32> to vector<1x1x16xf32>
        tpu.vector_store %arg9[%swap3A_560, %swap3A_561, %swap3A_562], %swap3A_565 {strides = array<i32>} : memref<4x200x32xf32, #tpu.memory_space<vmem>>, vector<1x1x16xf32>,
        %get3A_566 = arith.constant 2 : i32
        %get3A_567 = arith.index_cast %get3A_566 : i32 to index
        %get3A_568 = arith.index_cast %add3A_547 : i32 to index
        %get3A_569 = arith.constant 16 : index
        %get3A_570 = tpu.vector_load %arg8[%get3A_567, %get3A_568, %get3A_569] {strides = array<i32>} : memref<4x200x32xf32, #tpu.memory_space<vmem>>, vector<1x1x16xf32>,
        %get3A_571 = vector.shape_cast %get3A_570 : vector<1x1x16xf32> to vector<16xf32>
        %get3A_572 = arith.index_cast %add3A_547 : i32 to index
        %get3A_573 = arith.constant 16 : index
        %get3A_574 = tpu.vector_load %arg7[%get3A_572, %get3A_573] {strides = array<i32>} : memref<200x32xf32, #tpu.memory_space<vmem>>, vector<1x16xf32>,
        %get3A_575 = vector.shape_cast %get3A_574 : vector<1x16xf32> to vector<16xf32>
        %add3A_576 = arith.addf %get3A_571, %get3A_575 : vector<16xf32>
        %swap3A_577 = arith.constant 2 : i32
        %swap3A_578 = arith.index_cast %swap3A_577 : i32 to index
        %swap3A_579 = arith.index_cast %add3A_547 : i32 to index
        %swap3A_580 = arith.constant 16 : index
        %swap3A_581 = tpu.vector_load %arg9[%swap3A_578, %swap3A_579, %swap3A_580] {strides = array<i32>} : memref<4x200x32xf32, #tpu.memory_space<vmem>>, vector<1x1x16xf32>,
        %swap3A_582 = vector.shape_cast %swap3A_581 : vector<1x1x16xf32> to vector<16xf32>
        %swap3A_583 = vector.shape_cast %add3A_576 : vector<16xf32> to vector<1x1x16xf32>
        tpu.vector_store %arg9[%swap3A_578, %swap3A_579, %swap3A_580], %swap3A_583 {strides = array<i32>} : memref<4x200x32xf32, #tpu.memory_space<vmem>>, vector<1x1x16xf32>,
        %add3A_584 = arith.constant 4 : i32
        %add3A_585 = arith.addi %mul3A_433, %add3A_584 : i32
        %get3A_586 = arith.constant 2 : i32
        %get3A_587 = arith.index_cast %get3A_586 : i32 to index
        %get3A_588 = arith.index_cast %add3A_585 : i32 to index
        %get3A_589 = arith.constant 0 : index
        %get3A_590 = tpu.vector_load %arg8[%get3A_587, %get3A_588, %get3A_589] {strides = array<i32>} : memref<4x200x32xf32, #tpu.memory_space<vmem>>, vector<1x1x16xf32>,
        %get3A_591 = vector.shape_cast %get3A_590 : vector<1x1x16xf32> to vector<16xf32>
        %get3A_592 = arith.index_cast %add3A_585 : i32 to index
        %get3A_593 = arith.constant 0 : index
        %get3A_594 = tpu.vector_load %arg7[%get3A_592, %get3A_593] {strides = array<i32>} : memref<200x32xf32, #tpu.memory_space<vmem>>, vector<1x16xf32>,
        %get3A_595 = vector.shape_cast %get3A_594 : vector<1x16xf32> to vector<16xf32>
        %add3A_596 = arith.addf %get3A_591, %get3A_595 : vector<16xf32>
        %swap3A_597 = arith.constant 2 : i32
        %swap3A_598 = arith.index_cast %swap3A_597 : i32 to index
        %swap3A_599 = arith.index_cast %add3A_585 : i32 to index
        %swap3A_600 = arith.constant 0 : index
        %swap3A_601 = tpu.vector_load %arg9[%swap3A_598, %swap3A_599, %swap3A_600] {strides = array<i32>} : memref<4x200x32xf32, #tpu.memory_space<vmem>>, vector<1x1x16xf32>,
        %swap3A_602 = vector.shape_cast %swap3A_601 : vector<1x1x16xf32> to vector<16xf32>
        %swap3A_603 = vector.shape_cast %add3A_596 : vector<16xf32> to vector<1x1x16xf32>
        tpu.vector_store %arg9[%swap3A_598, %swap3A_599, %swap3A_600], %swap3A_603 {strides = array<i32>} : memref<4x200x32xf32, #tpu.memory_space<vmem>>, vector<1x1x16xf32>,
        %get3A_604 = arith.constant 2 : i32
        %get3A_605 = arith.index_cast %get3A_604 : i32 to index
        %get3A_606 = arith.index_cast %add3A_585 : i32 to index
        %get3A_607 = arith.constant 16 : index
        %get3A_608 = tpu.vector_load %arg8[%get3A_605, %get3A_606, %get3A_607] {strides = array<i32>} : memref<4x200x32xf32, #tpu.memory_space<vmem>>, vector<1x1x16xf32>,
        %get3A_609 = vector.shape_cast %get3A_608 : vector<1x1x16xf32> to vector<16xf32>
        %get3A_610 = arith.index_cast %add3A_585 : i32 to index
        %get3A_611 = arith.constant 16 : index
        %get3A_612 = tpu.vector_load %arg7[%get3A_610, %get3A_611] {strides = array<i32>} : memref<200x32xf32, #tpu.memory_space<vmem>>, vector<1x16xf32>,
        %get3A_613 = vector.shape_cast %get3A_612 : vector<1x16xf32> to vector<16xf32>
        %add3A_614 = arith.addf %get3A_609, %get3A_613 : vector<16xf32>
        %swap3A_615 = arith.constant 2 : i32
        %swap3A_616 = arith.index_cast %swap3A_615 : i32 to index
        %swap3A_617 = arith.index_cast %add3A_585 : i32 to index
        %swap3A_618 = arith.constant 16 : index
        %swap3A_619 = tpu.vector_load %arg9[%swap3A_616, %swap3A_617, %swap3A_618] {strides = array<i32>} : memref<4x200x32xf32, #tpu.memory_space<vmem>>, vector<1x1x16xf32>,
        %swap3A_620 = vector.shape_cast %swap3A_619 : vector<1x1x16xf32> to vector<16xf32>
        %swap3A_621 = vector.shape_cast %add3A_614 : vector<16xf32> to vector<1x1x16xf32>
        tpu.vector_store %arg9[%swap3A_616, %swap3A_617, %swap3A_618], %swap3A_621 {strides = array<i32>} : memref<4x200x32xf32, #tpu.memory_space<vmem>>, vector<1x1x16xf32>,
        %add3A_622 = arith.constant 5 : i32
        %add3A_623 = arith.addi %mul3A_433, %add3A_622 : i32
        %get3A_624 = arith.constant 2 : i32
        %get3A_625 = arith.index_cast %get3A_624 : i32 to index
        %get3A_626 = arith.index_cast %add3A_623 : i32 to index
        %get3A_627 = arith.constant 0 : index
        %get3A_628 = tpu.vector_load %arg8[%get3A_625, %get3A_626, %get3A_627] {strides = array<i32>} : memref<4x200x32xf32, #tpu.memory_space<vmem>>, vector<1x1x16xf32>,
        %get3A_629 = vector.shape_cast %get3A_628 : vector<1x1x16xf32> to vector<16xf32>
        %get3A_630 = arith.index_cast %add3A_623 : i32 to index
        %get3A_631 = arith.constant 0 : index
        %get3A_632 = tpu.vector_load %arg7[%get3A_630, %get3A_631] {strides = array<i32>} : memref<200x32xf32, #tpu.memory_space<vmem>>, vector<1x16xf32>,
        %get3A_633 = vector.shape_cast %get3A_632 : vector<1x16xf32> to vector<16xf32>
        %add3A_634 = arith.addf %get3A_629, %get3A_633 : vector<16xf32>
        %swap3A_635 = arith.constant 2 : i32
        %swap3A_636 = arith.index_cast %swap3A_635 : i32 to index
        %swap3A_637 = arith.index_cast %add3A_623 : i32 to index
        %swap3A_638 = arith.constant 0 : index
        %swap3A_639 = tpu.vector_load %arg9[%swap3A_636, %swap3A_637, %swap3A_638] {strides = array<i32>} : memref<4x200x32xf32, #tpu.memory_space<vmem>>, vector<1x1x16xf32>,
        %swap3A_640 = vector.shape_cast %swap3A_639 : vector<1x1x16xf32> to vector<16xf32>
        %swap3A_641 = vector.shape_cast %add3A_634 : vector<16xf32> to vector<1x1x16xf32>
        tpu.vector_store %arg9[%swap3A_636, %swap3A_637, %swap3A_638], %swap3A_641 {strides = array<i32>} : memref<4x200x32xf32, #tpu.memory_space<vmem>>, vector<1x1x16xf32>,
        %get3A_642 = arith.constant 2 : i32
        %get3A_643 = arith.index_cast %get3A_642 : i32 to index
        %get3A_644 = arith.index_cast %add3A_623 : i32 to index
        %get3A_645 = arith.constant 16 : index
        %get3A_646 = tpu.vector_load %arg8[%get3A_643, %get3A_644, %get3A_645] {strides = array<i32>} : memref<4x200x32xf32, #tpu.memory_space<vmem>>, vector<1x1x16xf32>,
        %get3A_647 = vector.shape_cast %get3A_646 : vector<1x1x16xf32> to vector<16xf32>
        %get3A_648 = arith.index_cast %add3A_623 : i32 to index
        %get3A_649 = arith.constant 16 : index
        %get3A_650 = tpu.vector_load %arg7[%get3A_648, %get3A_649] {strides = array<i32>} : memref<200x32xf32, #tpu.memory_space<vmem>>, vector<1x16xf32>,
        %get3A_651 = vector.shape_cast %get3A_650 : vector<1x16xf32> to vector<16xf32>
        %add3A_652 = arith.addf %get3A_647, %get3A_651 : vector<16xf32>
        %swap3A_653 = arith.constant 2 : i32
        %swap3A_654 = arith.index_cast %swap3A_653 : i32 to index
        %swap3A_655 = arith.index_cast %add3A_623 : i32 to index
        %swap3A_656 = arith.constant 16 : index
        %swap3A_657 = tpu.vector_load %arg9[%swap3A_654, %swap3A_655, %swap3A_656] {strides = array<i32>} : memref<4x200x32xf32, #tpu.memory_space<vmem>>, vector<1x1x16xf32>,
        %swap3A_658 = vector.shape_cast %swap3A_657 : vector<1x1x16xf32> to vector<16xf32>
        %swap3A_659 = vector.shape_cast %add3A_652 : vector<16xf32> to vector<1x1x16xf32>
        tpu.vector_store %arg9[%swap3A_654, %swap3A_655, %swap3A_656], %swap3A_659 {strides = array<i32>} : memref<4x200x32xf32, #tpu.memory_space<vmem>>, vector<1x1x16xf32>,
        %add3A_660 = arith.constant 6 : i32
        %add3A_661 = arith.addi %mul3A_433, %add3A_660 : i32
        %get3A_662 = arith.constant 2 : i32
        %get3A_663 = arith.index_cast %get3A_662 : i32 to index
        %get3A_664 = arith.index_cast %add3A_661 : i32 to index
        %get3A_665 = arith.constant 0 : index
        %get3A_666 = tpu.vector_load %arg8[%get3A_663, %get3A_664, %get3A_665] {strides = array<i32>} : memref<4x200x32xf32, #tpu.memory_space<vmem>>, vector<1x1x16xf32>,
        %get3A_667 = vector.shape_cast %get3A_666 : vector<1x1x16xf32> to vector<16xf32>
        %get3A_668 = arith.index_cast %add3A_661 : i32 to index
        %get3A_669 = arith.constant 0 : index
        %get3A_670 = tpu.vector_load %arg7[%get3A_668, %get3A_669] {strides = array<i32>} : memref<200x32xf32, #tpu.memory_space<vmem>>, vector<1x16xf32>,
        %get3A_671 = vector.shape_cast %get3A_670 : vector<1x16xf32> to vector<16xf32>
        %add3A_672 = arith.addf %get3A_667, %get3A_671 : vector<16xf32>
        %swap3A_673 = arith.constant 2 : i32
        %swap3A_674 = arith.index_cast %swap3A_673 : i32 to index
        %swap3A_675 = arith.index_cast %add3A_661 : i32 to index
        %swap3A_676 = arith.constant 0 : index
        %swap3A_677 = tpu.vector_load %arg9[%swap3A_674, %swap3A_675, %swap3A_676] {strides = array<i32>} : memref<4x200x32xf32, #tpu.memory_space<vmem>>, vector<1x1x16xf32>,
        %swap3A_678 = vector.shape_cast %swap3A_677 : vector<1x1x16xf32> to vector<16xf32>
        %swap3A_679 = vector.shape_cast %add3A_672 : vector<16xf32> to vector<1x1x16xf32>
        tpu.vector_store %arg9[%swap3A_674, %swap3A_675, %swap3A_676], %swap3A_679 {strides = array<i32>} : memref<4x200x32xf32, #tpu.memory_space<vmem>>, vector<1x1x16xf32>,
        %get3A_680 = arith.constant 2 : i32
        %get3A_681 = arith.index_cast %get3A_680 : i32 to index
        %get3A_682 = arith.index_cast %add3A_661 : i32 to index
        %get3A_683 = arith.constant 16 : index
        %get3A_684 = tpu.vector_load %arg8[%get3A_681, %get3A_682, %get3A_683] {strides = array<i32>} : memref<4x200x32xf32, #tpu.memory_space<vmem>>, vector<1x1x16xf32>,
        %get3A_685 = vector.shape_cast %get3A_684 : vector<1x1x16xf32> to vector<16xf32>
        %get3A_686 = arith.index_cast %add3A_661 : i32 to index
        %get3A_687 = arith.constant 16 : index
        %get3A_688 = tpu.vector_load %arg7[%get3A_686, %get3A_687] {strides = array<i32>} : memref<200x32xf32, #tpu.memory_space<vmem>>, vector<1x16xf32>,
        %get3A_689 = vector.shape_cast %get3A_688 : vector<1x16xf32> to vector<16xf32>
        %add3A_690 = arith.addf %get3A_685, %get3A_689 : vector<16xf32>
        %swap3A_691 = arith.constant 2 : i32
        %swap3A_692 = arith.index_cast %swap3A_691 : i32 to index
        %swap3A_693 = arith.index_cast %add3A_661 : i32 to index
        %swap3A_694 = arith.constant 16 : index
        %swap3A_695 = tpu.vector_load %arg9[%swap3A_692, %swap3A_693, %swap3A_694] {strides = array<i32>} : memref<4x200x32xf32, #tpu.memory_space<vmem>>, vector<1x1x16xf32>,
        %swap3A_696 = vector.shape_cast %swap3A_695 : vector<1x1x16xf32> to vector<16xf32>
        %swap3A_697 = vector.shape_cast %add3A_690 : vector<16xf32> to vector<1x1x16xf32>
        tpu.vector_store %arg9[%swap3A_692, %swap3A_693, %swap3A_694], %swap3A_697 {strides = array<i32>} : memref<4x200x32xf32, #tpu.memory_space<vmem>>, vector<1x1x16xf32>,
        %add3A_698 = arith.constant 7 : i32
        %add3A_699 = arith.addi %mul3A_433, %add3A_698 : i32
        %get3A_700 = arith.constant 2 : i32
        %get3A_701 = arith.index_cast %get3A_700 : i32 to index
        %get3A_702 = arith.index_cast %add3A_699 : i32 to index
        %get3A_703 = arith.constant 0 : index
        %get3A_704 = tpu.vector_load %arg8[%get3A_701, %get3A_702, %get3A_703] {strides = array<i32>} : memref<4x200x32xf32, #tpu.memory_space<vmem>>, vector<1x1x16xf32>,
        %get3A_705 = vector.shape_cast %get3A_704 : vector<1x1x16xf32> to vector<16xf32>
        %get3A_706 = arith.index_cast %add3A_699 : i32 to index
        %get3A_707 = arith.constant 0 : index
        %get3A_708 = tpu.vector_load %arg7[%get3A_706, %get3A_707] {strides = array<i32>} : memref<200x32xf32, #tpu.memory_space<vmem>>, vector<1x16xf32>,
        %get3A_709 = vector.shape_cast %get3A_708 : vector<1x16xf32> to vector<16xf32>
        %add3A_710 = arith.addf %get3A_705, %get3A_709 : vector<16xf32>
        %swap3A_711 = arith.constant 2 : i32
        %swap3A_712 = arith.index_cast %swap3A_711 : i32 to index
        %swap3A_713 = arith.index_cast %add3A_699 : i32 to index
        %swap3A_714 = arith.constant 0 : index
        %swap3A_715 = tpu.vector_load %arg9[%swap3A_712, %swap3A_713, %swap3A_714] {strides = array<i32>} : memref<4x200x32xf32, #tpu.memory_space<vmem>>, vector<1x1x16xf32>,
        %swap3A_716 = vector.shape_cast %swap3A_715 : vector<1x1x16xf32> to vector<16xf32>
        %swap3A_717 = vector.shape_cast %add3A_710 : vector<16xf32> to vector<1x1x16xf32>
        tpu.vector_store %arg9[%swap3A_712, %swap3A_713, %swap3A_714], %swap3A_717 {strides = array<i32>} : memref<4x200x32xf32, #tpu.memory_space<vmem>>, vector<1x1x16xf32>,
        %get3A_718 = arith.constant 2 : i32
        %get3A_719 = arith.index_cast %get3A_718 : i32 to index
        %get3A_720 = arith.index_cast %add3A_699 : i32 to index
        %get3A_721 = arith.constant 16 : index
        %get3A_722 = tpu.vector_load %arg8[%get3A_719, %get3A_720, %get3A_721] {strides = array<i32>} : memref<4x200x32xf32, #tpu.memory_space<vmem>>, vector<1x1x16xf32>,
        %get3A_723 = vector.shape_cast %get3A_722 : vector<1x1x16xf32> to vector<16xf32>
        %get3A_724 = arith.index_cast %add3A_699 : i32 to index
        %get3A_725 = arith.constant 16 : index
        %get3A_726 = tpu.vector_load %arg7[%get3A_724, %get3A_725] {strides = array<i32>} : memref<200x32xf32, #tpu.memory_space<vmem>>, vector<1x16xf32>,
        %get3A_727 = vector.shape_cast %get3A_726 : vector<1x16xf32> to vector<16xf32>
        %add3A_728 = arith.addf %get3A_723, %get3A_727 : vector<16xf32>
        %swap3A_729 = arith.constant 2 : i32
        %swap3A_730 = arith.index_cast %swap3A_729 : i32 to index
        %swap3A_731 = arith.index_cast %add3A_699 : i32 to index
        %swap3A_732 = arith.constant 16 : index
        %swap3A_733 = tpu.vector_load %arg9[%swap3A_730, %swap3A_731, %swap3A_732] {strides = array<i32>} : memref<4x200x32xf32, #tpu.memory_space<vmem>>, vector<1x1x16xf32>,
        %swap3A_734 = vector.shape_cast %swap3A_733 : vector<1x1x16xf32> to vector<16xf32>
        %swap3A_735 = vector.shape_cast %add3A_728 : vector<16xf32> to vector<1x1x16xf32>
        tpu.vector_store %arg9[%swap3A_730, %swap3A_731, %swap3A_732], %swap3A_735 {strides = array<i32>} : memref<4x200x32xf32, #tpu.memory_space<vmem>>, vector<1x1x16xf32>,
        %scan3A_736 = arith.constant 0 : i32
        scf.yield %scan3A_736 : i32
      }
      %scan3A_338 = arith.constant 25 : i32
      %add3A_339 = arith.addi %mul3A_2, %add3A_302 : i32
      %dma_start3A_340 = arith.constant 2 : i32
      %dma_start3A_341 = arith.constant 0 : i32
      %dma_start3A_342 = arith.constant 0 : i32
      %dma_start3A_343 = tpu.memref_slice %arg9[%dma_start3A_340, %dma_start3A_341, %dma_start3A_342] : memref<4x200x32xf32, #tpu.memory_space<vmem>> -> memref<1x200x32xf32, #tpu.memory_space<vmem>>
      %dma_start3A_344 = tpu.memref_squeeze %dma_start3A_343 : memref<1x200x32xf32, #tpu.memory_space<vmem>> -> memref<200x32xf32, #tpu.memory_space<vmem>>
      %dma_start3A_345 = arith.constant 0 : i32
      %dma_start3A_346 = arith.constant 0 : i32
      %dma_start3A_347 = tpu.memref_slice %arg5[%add3A_339, %dma_start3A_345, %dma_start3A_346] : memref<4096x200x128xf32, #tpu.memory_space<hbm>> -> memref<1x200x32xf32, #tpu.memory_space<hbm>>
      %dma_start3A_348 = tpu.memref_squeeze %dma_start3A_347 : memref<1x200x32xf32, #tpu.memory_space<hbm>> -> memref<200x32xf32, #tpu.memory_space<hbm>>
      %dma_start3A_349 = arith.constant 0 : i32
      %dma_start3A_350 = arith.constant 0 : i32
      %dma_start3A_351 = tpu.memref_slice %arg5[%add3A_339, %dma_start3A_349, %dma_start3A_350] : memref<4096x200x128xf32, #tpu.memory_space<hbm>> -> memref<1x200x32xf32, #tpu.memory_space<hbm>>
      %dma_start3A_352 = tpu.memref_squeeze %dma_start3A_351 : memref<1x200x32xf32, #tpu.memory_space<hbm>> -> memref<200x32xf32, #tpu.memory_space<hbm>>
      %dma_start3A_353 = arith.constant 0 : i32
      %dma_start3A_354 = arith.constant 0 : i32
      %dma_start3A_355 = tpu.memref_slice %arg9[%dma_start3A_340, %dma_start3A_353, %dma_start3A_354] : memref<4x200x32xf32, #tpu.memory_space<vmem>> -> memref<1x200x32xf32, #tpu.memory_space<vmem>>
      %dma_start3A_356 = tpu.memref_squeeze %dma_start3A_355 : memref<1x200x32xf32, #tpu.memory_space<vmem>> -> memref<200x32xf32, #tpu.memory_space<vmem>>
      tpu.enqueue_dma source(%dma_start3A_356 : memref<200x32xf32, #tpu.memory_space<vmem>>) target(%dma_start3A_352 : memref<200x32xf32, #tpu.memory_space<hbm>>) target_semaphore(%arg16 : memref<!tpu.dma_semaphore, #tpu.memory_space<semaphore_mem>>)
      %add3A_357 = arith.constant 4 : i32
      %add3A_358 = arith.addi %add3A_302, %add3A_357 : i32
      %lt3A_359 = arith.constant 128 : i32
      %lt3A_360 = arith.cmpi slt, %add3A_358, %lt3A_359 : i32
      %convert_element_type3A_361 = arith.extui %lt3A_360 : i1 to i32
      %cond3A_362 = arith.constant 0 : i32
      %cond3A_363 = arith.cmpi ne, %convert_element_type3A_361, %cond3A_362 : i32
      scf.if %cond3A_363 {
        %add3A_430 = arith.constant 4 : i32
        %add3A_431 = arith.addi %add3A_302, %add3A_430 : i32
        %dma_start3A_432 = arith.constant 2 : i32
        %dma_start3A_433 = arith.constant 0 : i32
        %dma_start3A_434 = arith.constant 0 : i32
        %dma_start3A_435 = tpu.memref_slice %arg8[%dma_start3A_432, %dma_start3A_433, %dma_start3A_434] : memref<4x200x32xf32, #tpu.memory_space<vmem>> -> memref<1x104x32xf32, #tpu.memory_space<vmem>>
        %dma_start3A_436 = tpu.memref_squeeze %dma_start3A_435 : memref<1x104x32xf32, #tpu.memory_space<vmem>> -> memref<104x32xf32, #tpu.memory_space<vmem>>
        %dma_start3A_437 = arith.constant 0 : i32
        %dma_start3A_438 = tpu.memref_slice %arg6[%add3A_431, %dma_start3A_437] : memref<128x200xi32, #tpu.memory_space<vmem>> -> memref<1x104xi32, #tpu.memory_space<vmem>>
        %dma_start3A_439 = tpu.memref_squeeze %dma_start3A_438 : memref<1x104xi32, #tpu.memory_space<vmem>> -> memref<104xi32, #tpu.memory_space<vmem>>
        %dma_start3A_440 = arith.constant 0 : i32
        %dma_start3A_441 = arith.constant 0 : i32
        %dma_start3A_442 = tpu.memref_slice %arg3[%dma_start3A_440, %dma_start3A_441] : memref<1000000x32xf32, #tpu.memory_space<hbm>> -> memref<1000000x32xf32, #tpu.memory_space<hbm>>
        tpu.enqueue_indirect_dma source(%dma_start3A_442 : memref<1000000x32xf32, #tpu.memory_space<hbm>>) target(%dma_start3A_436 : memref<104x32xf32, #tpu.memory_space<vmem>>) offsets(%dma_start3A_439 : memref<104xi32, #tpu.memory_space<vmem>>) semaphore(%arg12 : memref<!tpu.dma_semaphore, #tpu.memory_space<semaphore_mem>>)
        %dma_start3A_443 = arith.constant 2 : i32
        %dma_start3A_444 = arith.constant 104 : i32
        %dma_start3A_445 = arith.constant 0 : i32
        %dma_start3A_446 = tpu.memref_slice %arg8[%dma_start3A_443, %dma_start3A_444, %dma_start3A_445] : memref<4x200x32xf32, #tpu.memory_space<vmem>> -> memref<1x96x32xf32, #tpu.memory_space<vmem>>
        %dma_start3A_447 = tpu.memref_squeeze %dma_start3A_446 : memref<1x96x32xf32, #tpu.memory_space<vmem>> -> memref<96x32xf32, #tpu.memory_space<vmem>>
        %dma_start3A_448 = arith.constant 104 : i32
        %dma_start3A_449 = tpu.memref_slice %arg6[%add3A_431, %dma_start3A_448] : memref<128x200xi32, #tpu.memory_space<vmem>> -> memref<1x96xi32, #tpu.memory_space<vmem>>
        %dma_start3A_450 = tpu.memref_squeeze %dma_start3A_449 : memref<1x96xi32, #tpu.memory_space<vmem>> -> memref<96xi32, #tpu.memory_space<vmem>>
        %dma_start3A_451 = arith.constant 0 : i32
        %dma_start3A_452 = arith.constant 0 : i32
        %dma_start3A_453 = tpu.memref_slice %arg3[%dma_start3A_451, %dma_start3A_452] : memref<1000000x32xf32, #tpu.memory_space<hbm>> -> memref<1000000x32xf32, #tpu.memory_space<hbm>>
        tpu.enqueue_indirect_dma source(%dma_start3A_453 : memref<1000000x32xf32, #tpu.memory_space<hbm>>) target(%dma_start3A_447 : memref<96x32xf32, #tpu.memory_space<vmem>>) offsets(%dma_start3A_450 : memref<96xi32, #tpu.memory_space<vmem>>) semaphore(%arg12 : memref<!tpu.dma_semaphore, #tpu.memory_space<semaphore_mem>>)
      } else {
      }
      %mul3A_364 = arith.constant 4 : i32
      %mul3A_365 = arith.muli %scan3A_171, %mul3A_364 : i32
      %add3A_366 = arith.constant 3 : i32
      %add3A_367 = arith.addi %mul3A_365, %add3A_366 : i32
      %dma_wait3A_368 = arith.constant 0 : i32
      %dma_wait3A_369 = arith.constant 3 : i32
      %dma_wait3A_370 = arith.constant 0 : i32
      %dma_wait3A_371 = arith.constant 0 : i32
      %dma_wait3A_372 = tpu.memref_slice %arg8[%dma_wait3A_369, %dma_wait3A_370, %dma_wait3A_371] : memref<4x200x32xf32, #tpu.memory_space<vmem>> -> memref<1x104x32xf32, #tpu.memory_space<vmem>>
      %dma_wait3A_373 = tpu.memref_squeeze %dma_wait3A_372 : memref<1x104x32xf32, #tpu.memory_space<vmem>> -> memref<104x32xf32, #tpu.memory_space<vmem>>
      %dma_wait3A_374 = arith.constant 0 : i32
      %dma_wait3A_375 = tpu.memref_slice %arg6[%dma_wait3A_368, %dma_wait3A_374] : memref<128x200xi32, #tpu.memory_space<vmem>> -> memref<1x104xi32, #tpu.memory_space<vmem>>
      %dma_wait3A_376 = tpu.memref_squeeze %dma_wait3A_375 : memref<1x104xi32, #tpu.memory_space<vmem>> -> memref<104xi32, #tpu.memory_space<vmem>>
      %dma_wait3A_377 = arith.constant 0 : i32
      %dma_wait3A_378 = arith.constant 0 : i32
      %dma_wait3A_379 = tpu.memref_slice %arg3[%dma_wait3A_377, %dma_wait3A_378] : memref<1000000x32xf32, #tpu.memory_space<hbm>> -> memref<1000000x32xf32, #tpu.memory_space<hbm>>
      tpu.wait_indirect_dma semaphore(%arg13 : memref<!tpu.dma_semaphore, #tpu.memory_space<semaphore_mem>>) src(%dma_wait3A_379 : memref<1000000x32xf32, #tpu.memory_space<hbm>>) dst(%dma_wait3A_373 : memref<104x32xf32, #tpu.memory_space<vmem>>)
      %dma_wait3A_380 = arith.constant 0 : i32
      %dma_wait3A_381 = arith.constant 3 : i32
      %dma_wait3A_382 = arith.constant 104 : i32
      %dma_wait3A_383 = arith.constant 0 : i32
      %dma_wait3A_384 = tpu.memref_slice %arg8[%dma_wait3A_381, %dma_wait3A_382, %dma_wait3A_383] : memref<4x200x32xf32, #tpu.memory_space<vmem>> -> memref<1x96x32xf32, #tpu.memory_space<vmem>>
      %dma_wait3A_385 = tpu.memref_squeeze %dma_wait3A_384 : memref<1x96x32xf32, #tpu.memory_space<vmem>> -> memref<96x32xf32, #tpu.memory_space<vmem>>
      %dma_wait3A_386 = arith.constant 0 : i32
      %dma_wait3A_387 = tpu.memref_slice %arg6[%dma_wait3A_380, %dma_wait3A_386] : memref<128x200xi32, #tpu.memory_space<vmem>> -> memref<1x96xi32, #tpu.memory_space<vmem>>
      %dma_wait3A_388 = tpu.memref_squeeze %dma_wait3A_387 : memref<1x96xi32, #tpu.memory_space<vmem>> -> memref<96xi32, #tpu.memory_space<vmem>>
      %dma_wait3A_389 = arith.constant 0 : i32
      %dma_wait3A_390 = arith.constant 0 : i32
      %dma_wait3A_391 = tpu.memref_slice %arg3[%dma_wait3A_389, %dma_wait3A_390] : memref<1000000x32xf32, #tpu.memory_space<hbm>> -> memref<1000000x32xf32, #tpu.memory_space<hbm>>
      tpu.wait_indirect_dma semaphore(%arg13 : memref<!tpu.dma_semaphore, #tpu.memory_space<semaphore_mem>>) src(%dma_wait3A_391 : memref<1000000x32xf32, #tpu.memory_space<hbm>>) dst(%dma_wait3A_385 : memref<96x32xf32, #tpu.memory_space<vmem>>)
      %gt3A_392 = arith.constant 0 : i32
      %gt3A_393 = arith.cmpi sgt, %scan3A_171, %gt3A_392 : i32
      %convert_element_type3A_394 = arith.extui %gt3A_393 : i1 to i32
      %cond3A_395 = arith.constant 0 : i32
      %cond3A_396 = arith.cmpi ne, %convert_element_type3A_394, %cond3A_395 : i32
      scf.if %cond3A_396 {
        %dma_wait3A_430 = arith.constant 3 : i32
        %dma_wait3A_431 = arith.constant 0 : i32
        %dma_wait3A_432 = arith.constant 0 : i32
        %dma_wait3A_433 = tpu.memref_slice %arg9[%dma_wait3A_430, %dma_wait3A_431, %dma_wait3A_432] : memref<4x200x32xf32, #tpu.memory_space<vmem>> -> memref<1x200x32xf32, #tpu.memory_space<vmem>>
        %dma_wait3A_434 = tpu.memref_squeeze %dma_wait3A_433 : memref<1x200x32xf32, #tpu.memory_space<vmem>> -> memref<200x32xf32, #tpu.memory_space<vmem>>
        %dma_wait3A_435 = arith.constant 0 : i32
        %dma_wait3A_436 = arith.constant 0 : i32
        %dma_wait3A_437 = tpu.memref_slice %arg5[%mul3A_2, %dma_wait3A_435, %dma_wait3A_436] : memref<4096x200x128xf32, #tpu.memory_space<hbm>> -> memref<1x200x32xf32, #tpu.memory_space<hbm>>
        %dma_wait3A_438 = tpu.memref_squeeze %dma_wait3A_437 : memref<1x200x32xf32, #tpu.memory_space<hbm>> -> memref<200x32xf32, #tpu.memory_space<hbm>>
        %dma_wait3A_439 = arith.constant 0 : i32
        %dma_wait3A_440 = arith.constant 0 : i32
        %dma_wait3A_441 = tpu.memref_slice %arg5[%mul3A_2, %dma_wait3A_439, %dma_wait3A_440] : memref<4096x200x128xf32, #tpu.memory_space<hbm>> -> memref<1x200x32xf32, #tpu.memory_space<hbm>>
        %dma_wait3A_442 = tpu.memref_squeeze %dma_wait3A_441 : memref<1x200x32xf32, #tpu.memory_space<hbm>> -> memref<200x32xf32, #tpu.memory_space<hbm>>
        %dma_wait3A_443 = arith.constant 0 : i32
        %dma_wait3A_444 = arith.constant 0 : i32
        %dma_wait3A_445 = tpu.memref_slice %arg9[%dma_wait3A_430, %dma_wait3A_443, %dma_wait3A_444] : memref<4x200x32xf32, #tpu.memory_space<vmem>> -> memref<1x200x32xf32, #tpu.memory_space<vmem>>
        %dma_wait3A_446 = tpu.memref_squeeze %dma_wait3A_445 : memref<1x200x32xf32, #tpu.memory_space<vmem>> -> memref<200x32xf32, #tpu.memory_space<vmem>>
        tpu.wait_dma2 semaphore(%arg17 : memref<!tpu.dma_semaphore, #tpu.memory_space<semaphore_mem>>) src(%dma_wait3A_446 : memref<200x32xf32, #tpu.memory_space<vmem>>) dst(%dma_wait3A_442 : memref<200x32xf32, #tpu.memory_space<hbm>>)
      } else {
      }
      %scan3A_397 = arith.constant 0 : i32
      %scan3A_398 = arith.constant 0 : i32
      %scan3A_399 = arith.constant 25 : i32
      %scan3A_400 = arith.addi %scan3A_398, %scan3A_399 : i32
      %scan3A_401 = arith.constant 1 : i32
      %scan3A_402 = scf.for %scan3A_430 = %scan3A_398 to %scan3A_400 step %scan3A_401 iter_args(%scan3A_431 = %scan3A_397) -> (i32)  : i32 {
        %mul3A_432 = arith.constant 8 : i32
        %mul3A_433 = arith.muli %scan3A_430, %mul3A_432 : i32
        %add3A_434 = arith.constant 0 : i32
        %add3A_435 = arith.addi %mul3A_433, %add3A_434 : i32
        %get3A = arith.constant 3 : i32
        %get3A_436 = arith.index_cast %get3A : i32 to index
        %get3A_437 = arith.index_cast %add3A_435 : i32 to index
        %get3A_438 = arith.constant 0 : index
        %get3A_439 = tpu.vector_load %arg8[%get3A_436, %get3A_437, %get3A_438] {strides = array<i32>} : memref<4x200x32xf32, #tpu.memory_space<vmem>>, vector<1x1x16xf32>,
        %get3A_440 = vector.shape_cast %get3A_439 : vector<1x1x16xf32> to vector<16xf32>
        %get3A_441 = arith.index_cast %add3A_435 : i32 to index
        %get3A_442 = arith.constant 0 : index
        %get3A_443 = tpu.vector_load %arg7[%get3A_441, %get3A_442] {strides = array<i32>} : memref<200x32xf32, #tpu.memory_space<vmem>>, vector<1x16xf32>,
        %get3A_444 = vector.shape_cast %get3A_443 : vector<1x16xf32> to vector<16xf32>
        %add3A_445 = arith.addf %get3A_440, %get3A_444 : vector<16xf32>
        %swap3A = arith.constant 3 : i32
        %swap3A_446 = arith.index_cast %swap3A : i32 to index
        %swap3A_447 = arith.index_cast %add3A_435 : i32 to index
        %swap3A_448 = arith.constant 0 : index
        %swap3A_449 = tpu.vector_load %arg9[%swap3A_446, %swap3A_447, %swap3A_448] {strides = array<i32>} : memref<4x200x32xf32, #tpu.memory_space<vmem>>, vector<1x1x16xf32>,
        %swap3A_450 = vector.shape_cast %swap3A_449 : vector<1x1x16xf32> to vector<16xf32>
        %swap3A_451 = vector.shape_cast %add3A_445 : vector<16xf32> to vector<1x1x16xf32>
        tpu.vector_store %arg9[%swap3A_446, %swap3A_447, %swap3A_448], %swap3A_451 {strides = array<i32>} : memref<4x200x32xf32, #tpu.memory_space<vmem>>, vector<1x1x16xf32>,
        %get3A_452 = arith.constant 3 : i32
        %get3A_453 = arith.index_cast %get3A_452 : i32 to index
        %get3A_454 = arith.index_cast %add3A_435 : i32 to index
        %get3A_455 = arith.constant 16 : index
        %get3A_456 = tpu.vector_load %arg8[%get3A_453, %get3A_454, %get3A_455] {strides = array<i32>} : memref<4x200x32xf32, #tpu.memory_space<vmem>>, vector<1x1x16xf32>,
        %get3A_457 = vector.shape_cast %get3A_456 : vector<1x1x16xf32> to vector<16xf32>
        %get3A_458 = arith.index_cast %add3A_435 : i32 to index
        %get3A_459 = arith.constant 16 : index
        %get3A_460 = tpu.vector_load %arg7[%get3A_458, %get3A_459] {strides = array<i32>} : memref<200x32xf32, #tpu.memory_space<vmem>>, vector<1x16xf32>,
        %get3A_461 = vector.shape_cast %get3A_460 : vector<1x16xf32> to vector<16xf32>
        %add3A_462 = arith.addf %get3A_457, %get3A_461 : vector<16xf32>
        %swap3A_463 = arith.constant 3 : i32
        %swap3A_464 = arith.index_cast %swap3A_463 : i32 to index
        %swap3A_465 = arith.index_cast %add3A_435 : i32 to index
        %swap3A_466 = arith.constant 16 : index
        %swap3A_467 = tpu.vector_load %arg9[%swap3A_464, %swap3A_465, %swap3A_466] {strides = array<i32>} : memref<4x200x32xf32, #tpu.memory_space<vmem>>, vector<1x1x16xf32>,
        %swap3A_468 = vector.shape_cast %swap3A_467 : vector<1x1x16xf32> to vector<16xf32>
        %swap3A_469 = vector.shape_cast %add3A_462 : vector<16xf32> to vector<1x1x16xf32>
        tpu.vector_store %arg9[%swap3A_464, %swap3A_465, %swap3A_466], %swap3A_469 {strides = array<i32>} : memref<4x200x32xf32, #tpu.memory_space<vmem>>, vector<1x1x16xf32>,
        %add3A_470 = arith.constant 1 : i32
        %add3A_471 = arith.addi %mul3A_433, %add3A_470 : i32
        %get3A_472 = arith.constant 3 : i32
        %get3A_473 = arith.index_cast %get3A_472 : i32 to index
        %get3A_474 = arith.index_cast %add3A_471 : i32 to index
        %get3A_475 = arith.constant 0 : index
        %get3A_476 = tpu.vector_load %arg8[%get3A_473, %get3A_474, %get3A_475] {strides = array<i32>} : memref<4x200x32xf32, #tpu.memory_space<vmem>>, vector<1x1x16xf32>,
        %get3A_477 = vector.shape_cast %get3A_476 : vector<1x1x16xf32> to vector<16xf32>
        %get3A_478 = arith.index_cast %add3A_471 : i32 to index
        %get3A_479 = arith.constant 0 : index
        %get3A_480 = tpu.vector_load %arg7[%get3A_478, %get3A_479] {strides = array<i32>} : memref<200x32xf32, #tpu.memory_space<vmem>>, vector<1x16xf32>,
        %get3A_481 = vector.shape_cast %get3A_480 : vector<1x16xf32> to vector<16xf32>
        %add3A_482 = arith.addf %get3A_477, %get3A_481 : vector<16xf32>
        %swap3A_483 = arith.constant 3 : i32
        %swap3A_484 = arith.index_cast %swap3A_483 : i32 to index
        %swap3A_485 = arith.index_cast %add3A_471 : i32 to index
        %swap3A_486 = arith.constant 0 : index
        %swap3A_487 = tpu.vector_load %arg9[%swap3A_484, %swap3A_485, %swap3A_486] {strides = array<i32>} : memref<4x200x32xf32, #tpu.memory_space<vmem>>, vector<1x1x16xf32>,
        %swap3A_488 = vector.shape_cast %swap3A_487 : vector<1x1x16xf32> to vector<16xf32>
        %swap3A_489 = vector.shape_cast %add3A_482 : vector<16xf32> to vector<1x1x16xf32>
        tpu.vector_store %arg9[%swap3A_484, %swap3A_485, %swap3A_486], %swap3A_489 {strides = array<i32>} : memref<4x200x32xf32, #tpu.memory_space<vmem>>, vector<1x1x16xf32>,
        %get3A_490 = arith.constant 3 : i32
        %get3A_491 = arith.index_cast %get3A_490 : i32 to index
        %get3A_492 = arith.index_cast %add3A_471 : i32 to index
        %get3A_493 = arith.constant 16 : index
        %get3A_494 = tpu.vector_load %arg8[%get3A_491, %get3A_492, %get3A_493] {strides = array<i32>} : memref<4x200x32xf32, #tpu.memory_space<vmem>>, vector<1x1x16xf32>,
        %get3A_495 = vector.shape_cast %get3A_494 : vector<1x1x16xf32> to vector<16xf32>
        %get3A_496 = arith.index_cast %add3A_471 : i32 to index
        %get3A_497 = arith.constant 16 : index
        %get3A_498 = tpu.vector_load %arg7[%get3A_496, %get3A_497] {strides = array<i32>} : memref<200x32xf32, #tpu.memory_space<vmem>>, vector<1x16xf32>,
        %get3A_499 = vector.shape_cast %get3A_498 : vector<1x16xf32> to vector<16xf32>
        %add3A_500 = arith.addf %get3A_495, %get3A_499 : vector<16xf32>
        %swap3A_501 = arith.constant 3 : i32
        %swap3A_502 = arith.index_cast %swap3A_501 : i32 to index
        %swap3A_503 = arith.index_cast %add3A_471 : i32 to index
        %swap3A_504 = arith.constant 16 : index
        %swap3A_505 = tpu.vector_load %arg9[%swap3A_502, %swap3A_503, %swap3A_504] {strides = array<i32>} : memref<4x200x32xf32, #tpu.memory_space<vmem>>, vector<1x1x16xf32>,
        %swap3A_506 = vector.shape_cast %swap3A_505 : vector<1x1x16xf32> to vector<16xf32>
        %swap3A_507 = vector.shape_cast %add3A_500 : vector<16xf32> to vector<1x1x16xf32>
        tpu.vector_store %arg9[%swap3A_502, %swap3A_503, %swap3A_504], %swap3A_507 {strides = array<i32>} : memref<4x200x32xf32, #tpu.memory_space<vmem>>, vector<1x1x16xf32>,
        %add3A_508 = arith.constant 2 : i32
        %add3A_509 = arith.addi %mul3A_433, %add3A_508 : i32
        %get3A_510 = arith.constant 3 : i32
        %get3A_511 = arith.index_cast %get3A_510 : i32 to index
        %get3A_512 = arith.index_cast %add3A_509 : i32 to index
        %get3A_513 = arith.constant 0 : index
        %get3A_514 = tpu.vector_load %arg8[%get3A_511, %get3A_512, %get3A_513] {strides = array<i32>} : memref<4x200x32xf32, #tpu.memory_space<vmem>>, vector<1x1x16xf32>,
        %get3A_515 = vector.shape_cast %get3A_514 : vector<1x1x16xf32> to vector<16xf32>
        %get3A_516 = arith.index_cast %add3A_509 : i32 to index
        %get3A_517 = arith.constant 0 : index
        %get3A_518 = tpu.vector_load %arg7[%get3A_516, %get3A_517] {strides = array<i32>} : memref<200x32xf32, #tpu.memory_space<vmem>>, vector<1x16xf32>,
        %get3A_519 = vector.shape_cast %get3A_518 : vector<1x16xf32> to vector<16xf32>
        %add3A_520 = arith.addf %get3A_515, %get3A_519 : vector<16xf32>
        %swap3A_521 = arith.constant 3 : i32
        %swap3A_522 = arith.index_cast %swap3A_521 : i32 to index
        %swap3A_523 = arith.index_cast %add3A_509 : i32 to index
        %swap3A_524 = arith.constant 0 : index
        %swap3A_525 = tpu.vector_load %arg9[%swap3A_522, %swap3A_523, %swap3A_524] {strides = array<i32>} : memref<4x200x32xf32, #tpu.memory_space<vmem>>, vector<1x1x16xf32>,
        %swap3A_526 = vector.shape_cast %swap3A_525 : vector<1x1x16xf32> to vector<16xf32>
        %swap3A_527 = vector.shape_cast %add3A_520 : vector<16xf32> to vector<1x1x16xf32>
        tpu.vector_store %arg9[%swap3A_522, %swap3A_523, %swap3A_524], %swap3A_527 {strides = array<i32>} : memref<4x200x32xf32, #tpu.memory_space<vmem>>, vector<1x1x16xf32>,
        %get3A_528 = arith.constant 3 : i32
        %get3A_529 = arith.index_cast %get3A_528 : i32 to index
        %get3A_530 = arith.index_cast %add3A_509 : i32 to index
        %get3A_531 = arith.constant 16 : index
        %get3A_532 = tpu.vector_load %arg8[%get3A_529, %get3A_530, %get3A_531] {strides = array<i32>} : memref<4x200x32xf32, #tpu.memory_space<vmem>>, vector<1x1x16xf32>,
        %get3A_533 = vector.shape_cast %get3A_532 : vector<1x1x16xf32> to vector<16xf32>
        %get3A_534 = arith.index_cast %add3A_509 : i32 to index
        %get3A_535 = arith.constant 16 : index
        %get3A_536 = tpu.vector_load %arg7[%get3A_534, %get3A_535] {strides = array<i32>} : memref<200x32xf32, #tpu.memory_space<vmem>>, vector<1x16xf32>,
        %get3A_537 = vector.shape_cast %get3A_536 : vector<1x16xf32> to vector<16xf32>
        %add3A_538 = arith.addf %get3A_533, %get3A_537 : vector<16xf32>
        %swap3A_539 = arith.constant 3 : i32
        %swap3A_540 = arith.index_cast %swap3A_539 : i32 to index
        %swap3A_541 = arith.index_cast %add3A_509 : i32 to index
        %swap3A_542 = arith.constant 16 : index
        %swap3A_543 = tpu.vector_load %arg9[%swap3A_540, %swap3A_541, %swap3A_542] {strides = array<i32>} : memref<4x200x32xf32, #tpu.memory_space<vmem>>, vector<1x1x16xf32>,
        %swap3A_544 = vector.shape_cast %swap3A_543 : vector<1x1x16xf32> to vector<16xf32>
        %swap3A_545 = vector.shape_cast %add3A_538 : vector<16xf32> to vector<1x1x16xf32>
        tpu.vector_store %arg9[%swap3A_540, %swap3A_541, %swap3A_542], %swap3A_545 {strides = array<i32>} : memref<4x200x32xf32, #tpu.memory_space<vmem>>, vector<1x1x16xf32>,
        %add3A_546 = arith.constant 3 : i32
        %add3A_547 = arith.addi %mul3A_433, %add3A_546 : i32
        %get3A_548 = arith.constant 3 : i32
        %get3A_549 = arith.index_cast %get3A_548 : i32 to index
        %get3A_550 = arith.index_cast %add3A_547 : i32 to index
        %get3A_551 = arith.constant 0 : index
        %get3A_552 = tpu.vector_load %arg8[%get3A_549, %get3A_550, %get3A_551] {strides = array<i32>} : memref<4x200x32xf32, #tpu.memory_space<vmem>>, vector<1x1x16xf32>,
        %get3A_553 = vector.shape_cast %get3A_552 : vector<1x1x16xf32> to vector<16xf32>
        %get3A_554 = arith.index_cast %add3A_547 : i32 to index
        %get3A_555 = arith.constant 0 : index
        %get3A_556 = tpu.vector_load %arg7[%get3A_554, %get3A_555] {strides = array<i32>} : memref<200x32xf32, #tpu.memory_space<vmem>>, vector<1x16xf32>,
        %get3A_557 = vector.shape_cast %get3A_556 : vector<1x16xf32> to vector<16xf32>
        %add3A_558 = arith.addf %get3A_553, %get3A_557 : vector<16xf32>
        %swap3A_559 = arith.constant 3 : i32
        %swap3A_560 = arith.index_cast %swap3A_559 : i32 to index
        %swap3A_561 = arith.index_cast %add3A_547 : i32 to index
        %swap3A_562 = arith.constant 0 : index
        %swap3A_563 = tpu.vector_load %arg9[%swap3A_560, %swap3A_561, %swap3A_562] {strides = array<i32>} : memref<4x200x32xf32, #tpu.memory_space<vmem>>, vector<1x1x16xf32>,
        %swap3A_564 = vector.shape_cast %swap3A_563 : vector<1x1x16xf32> to vector<16xf32>
        %swap3A_565 = vector.shape_cast %add3A_558 : vector<16xf32> to vector<1x1x16xf32>
        tpu.vector_store %arg9[%swap3A_560, %swap3A_561, %swap3A_562], %swap3A_565 {strides = array<i32>} : memref<4x200x32xf32, #tpu.memory_space<vmem>>, vector<1x1x16xf32>,
        %get3A_566 = arith.constant 3 : i32
        %get3A_567 = arith.index_cast %get3A_566 : i32 to index
        %get3A_568 = arith.index_cast %add3A_547 : i32 to index
        %get3A_569 = arith.constant 16 : index
        %get3A_570 = tpu.vector_load %arg8[%get3A_567, %get3A_568, %get3A_569] {strides = array<i32>} : memref<4x200x32xf32, #tpu.memory_space<vmem>>, vector<1x1x16xf32>,
        %get3A_571 = vector.shape_cast %get3A_570 : vector<1x1x16xf32> to vector<16xf32>
        %get3A_572 = arith.index_cast %add3A_547 : i32 to index
        %get3A_573 = arith.constant 16 : index
        %get3A_574 = tpu.vector_load %arg7[%get3A_572, %get3A_573] {strides = array<i32>} : memref<200x32xf32, #tpu.memory_space<vmem>>, vector<1x16xf32>,
        %get3A_575 = vector.shape_cast %get3A_574 : vector<1x16xf32> to vector<16xf32>
        %add3A_576 = arith.addf %get3A_571, %get3A_575 : vector<16xf32>
        %swap3A_577 = arith.constant 3 : i32
        %swap3A_578 = arith.index_cast %swap3A_577 : i32 to index
        %swap3A_579 = arith.index_cast %add3A_547 : i32 to index
        %swap3A_580 = arith.constant 16 : index
        %swap3A_581 = tpu.vector_load %arg9[%swap3A_578, %swap3A_579, %swap3A_580] {strides = array<i32>} : memref<4x200x32xf32, #tpu.memory_space<vmem>>, vector<1x1x16xf32>,
        %swap3A_582 = vector.shape_cast %swap3A_581 : vector<1x1x16xf32> to vector<16xf32>
        %swap3A_583 = vector.shape_cast %add3A_576 : vector<16xf32> to vector<1x1x16xf32>
        tpu.vector_store %arg9[%swap3A_578, %swap3A_579, %swap3A_580], %swap3A_583 {strides = array<i32>} : memref<4x200x32xf32, #tpu.memory_space<vmem>>, vector<1x1x16xf32>,
        %add3A_584 = arith.constant 4 : i32
        %add3A_585 = arith.addi %mul3A_433, %add3A_584 : i32
        %get3A_586 = arith.constant 3 : i32
        %get3A_587 = arith.index_cast %get3A_586 : i32 to index
        %get3A_588 = arith.index_cast %add3A_585 : i32 to index
        %get3A_589 = arith.constant 0 : index
        %get3A_590 = tpu.vector_load %arg8[%get3A_587, %get3A_588, %get3A_589] {strides = array<i32>} : memref<4x200x32xf32, #tpu.memory_space<vmem>>, vector<1x1x16xf32>,
        %get3A_591 = vector.shape_cast %get3A_590 : vector<1x1x16xf32> to vector<16xf32>
        %get3A_592 = arith.index_cast %add3A_585 : i32 to index
        %get3A_593 = arith.constant 0 : index
        %get3A_594 = tpu.vector_load %arg7[%get3A_592, %get3A_593] {strides = array<i32>} : memref<200x32xf32, #tpu.memory_space<vmem>>, vector<1x16xf32>,
        %get3A_595 = vector.shape_cast %get3A_594 : vector<1x16xf32> to vector<16xf32>
        %add3A_596 = arith.addf %get3A_591, %get3A_595 : vector<16xf32>
        %swap3A_597 = arith.constant 3 : i32
        %swap3A_598 = arith.index_cast %swap3A_597 : i32 to index
        %swap3A_599 = arith.index_cast %add3A_585 : i32 to index
        %swap3A_600 = arith.constant 0 : index
        %swap3A_601 = tpu.vector_load %arg9[%swap3A_598, %swap3A_599, %swap3A_600] {strides = array<i32>} : memref<4x200x32xf32, #tpu.memory_space<vmem>>, vector<1x1x16xf32>,
        %swap3A_602 = vector.shape_cast %swap3A_601 : vector<1x1x16xf32> to vector<16xf32>
        %swap3A_603 = vector.shape_cast %add3A_596 : vector<16xf32> to vector<1x1x16xf32>
        tpu.vector_store %arg9[%swap3A_598, %swap3A_599, %swap3A_600], %swap3A_603 {strides = array<i32>} : memref<4x200x32xf32, #tpu.memory_space<vmem>>, vector<1x1x16xf32>,
        %get3A_604 = arith.constant 3 : i32
        %get3A_605 = arith.index_cast %get3A_604 : i32 to index
        %get3A_606 = arith.index_cast %add3A_585 : i32 to index
        %get3A_607 = arith.constant 16 : index
        %get3A_608 = tpu.vector_load %arg8[%get3A_605, %get3A_606, %get3A_607] {strides = array<i32>} : memref<4x200x32xf32, #tpu.memory_space<vmem>>, vector<1x1x16xf32>,
        %get3A_609 = vector.shape_cast %get3A_608 : vector<1x1x16xf32> to vector<16xf32>
        %get3A_610 = arith.index_cast %add3A_585 : i32 to index
        %get3A_611 = arith.constant 16 : index
        %get3A_612 = tpu.vector_load %arg7[%get3A_610, %get3A_611] {strides = array<i32>} : memref<200x32xf32, #tpu.memory_space<vmem>>, vector<1x16xf32>,
        %get3A_613 = vector.shape_cast %get3A_612 : vector<1x16xf32> to vector<16xf32>
        %add3A_614 = arith.addf %get3A_609, %get3A_613 : vector<16xf32>
        %swap3A_615 = arith.constant 3 : i32
        %swap3A_616 = arith.index_cast %swap3A_615 : i32 to index
        %swap3A_617 = arith.index_cast %add3A_585 : i32 to index
        %swap3A_618 = arith.constant 16 : index
        %swap3A_619 = tpu.vector_load %arg9[%swap3A_616, %swap3A_617, %swap3A_618] {strides = array<i32>} : memref<4x200x32xf32, #tpu.memory_space<vmem>>, vector<1x1x16xf32>,
        %swap3A_620 = vector.shape_cast %swap3A_619 : vector<1x1x16xf32> to vector<16xf32>
        %swap3A_621 = vector.shape_cast %add3A_614 : vector<16xf32> to vector<1x1x16xf32>
        tpu.vector_store %arg9[%swap3A_616, %swap3A_617, %swap3A_618], %swap3A_621 {strides = array<i32>} : memref<4x200x32xf32, #tpu.memory_space<vmem>>, vector<1x1x16xf32>,
        %add3A_622 = arith.constant 5 : i32
        %add3A_623 = arith.addi %mul3A_433, %add3A_622 : i32
        %get3A_624 = arith.constant 3 : i32
        %get3A_625 = arith.index_cast %get3A_624 : i32 to index
        %get3A_626 = arith.index_cast %add3A_623 : i32 to index
        %get3A_627 = arith.constant 0 : index
        %get3A_628 = tpu.vector_load %arg8[%get3A_625, %get3A_626, %get3A_627] {strides = array<i32>} : memref<4x200x32xf32, #tpu.memory_space<vmem>>, vector<1x1x16xf32>,
        %get3A_629 = vector.shape_cast %get3A_628 : vector<1x1x16xf32> to vector<16xf32>
        %get3A_630 = arith.index_cast %add3A_623 : i32 to index
        %get3A_631 = arith.constant 0 : index
        %get3A_632 = tpu.vector_load %arg7[%get3A_630, %get3A_631] {strides = array<i32>} : memref<200x32xf32, #tpu.memory_space<vmem>>, vector<1x16xf32>,
        %get3A_633 = vector.shape_cast %get3A_632 : vector<1x16xf32> to vector<16xf32>
        %add3A_634 = arith.addf %get3A_629, %get3A_633 : vector<16xf32>
        %swap3A_635 = arith.constant 3 : i32
        %swap3A_636 = arith.index_cast %swap3A_635 : i32 to index
        %swap3A_637 = arith.index_cast %add3A_623 : i32 to index
        %swap3A_638 = arith.constant 0 : index
        %swap3A_639 = tpu.vector_load %arg9[%swap3A_636, %swap3A_637, %swap3A_638] {strides = array<i32>} : memref<4x200x32xf32, #tpu.memory_space<vmem>>, vector<1x1x16xf32>,
        %swap3A_640 = vector.shape_cast %swap3A_639 : vector<1x1x16xf32> to vector<16xf32>
        %swap3A_641 = vector.shape_cast %add3A_634 : vector<16xf32> to vector<1x1x16xf32>
        tpu.vector_store %arg9[%swap3A_636, %swap3A_637, %swap3A_638], %swap3A_641 {strides = array<i32>} : memref<4x200x32xf32, #tpu.memory_space<vmem>>, vector<1x1x16xf32>,
        %get3A_642 = arith.constant 3 : i32
        %get3A_643 = arith.index_cast %get3A_642 : i32 to index
        %get3A_644 = arith.index_cast %add3A_623 : i32 to index
        %get3A_645 = arith.constant 16 : index
        %get3A_646 = tpu.vector_load %arg8[%get3A_643, %get3A_644, %get3A_645] {strides = array<i32>} : memref<4x200x32xf32, #tpu.memory_space<vmem>>, vector<1x1x16xf32>,
        %get3A_647 = vector.shape_cast %get3A_646 : vector<1x1x16xf32> to vector<16xf32>
        %get3A_648 = arith.index_cast %add3A_623 : i32 to index
        %get3A_649 = arith.constant 16 : index
        %get3A_650 = tpu.vector_load %arg7[%get3A_648, %get3A_649] {strides = array<i32>} : memref<200x32xf32, #tpu.memory_space<vmem>>, vector<1x16xf32>,
        %get3A_651 = vector.shape_cast %get3A_650 : vector<1x16xf32> to vector<16xf32>
        %add3A_652 = arith.addf %get3A_647, %get3A_651 : vector<16xf32>
        %swap3A_653 = arith.constant 3 : i32
        %swap3A_654 = arith.index_cast %swap3A_653 : i32 to index
        %swap3A_655 = arith.index_cast %add3A_623 : i32 to index
        %swap3A_656 = arith.constant 16 : index
        %swap3A_657 = tpu.vector_load %arg9[%swap3A_654, %swap3A_655, %swap3A_656] {strides = array<i32>} : memref<4x200x32xf32, #tpu.memory_space<vmem>>, vector<1x1x16xf32>,
        %swap3A_658 = vector.shape_cast %swap3A_657 : vector<1x1x16xf32> to vector<16xf32>
        %swap3A_659 = vector.shape_cast %add3A_652 : vector<16xf32> to vector<1x1x16xf32>
        tpu.vector_store %arg9[%swap3A_654, %swap3A_655, %swap3A_656], %swap3A_659 {strides = array<i32>} : memref<4x200x32xf32, #tpu.memory_space<vmem>>, vector<1x1x16xf32>,
        %add3A_660 = arith.constant 6 : i32
        %add3A_661 = arith.addi %mul3A_433, %add3A_660 : i32
        %get3A_662 = arith.constant 3 : i32
        %get3A_663 = arith.index_cast %get3A_662 : i32 to index
        %get3A_664 = arith.index_cast %add3A_661 : i32 to index
        %get3A_665 = arith.constant 0 : index
        %get3A_666 = tpu.vector_load %arg8[%get3A_663, %get3A_664, %get3A_665] {strides = array<i32>} : memref<4x200x32xf32, #tpu.memory_space<vmem>>, vector<1x1x16xf32>,
        %get3A_667 = vector.shape_cast %get3A_666 : vector<1x1x16xf32> to vector<16xf32>
        %get3A_668 = arith.index_cast %add3A_661 : i32 to index
        %get3A_669 = arith.constant 0 : index
        %get3A_670 = tpu.vector_load %arg7[%get3A_668, %get3A_669] {strides = array<i32>} : memref<200x32xf32, #tpu.memory_space<vmem>>, vector<1x16xf32>,
        %get3A_671 = vector.shape_cast %get3A_670 : vector<1x16xf32> to vector<16xf32>
        %add3A_672 = arith.addf %get3A_667, %get3A_671 : vector<16xf32>
        %swap3A_673 = arith.constant 3 : i32
        %swap3A_674 = arith.index_cast %swap3A_673 : i32 to index
        %swap3A_675 = arith.index_cast %add3A_661 : i32 to index
        %swap3A_676 = arith.constant 0 : index
        %swap3A_677 = tpu.vector_load %arg9[%swap3A_674, %swap3A_675, %swap3A_676] {strides = array<i32>} : memref<4x200x32xf32, #tpu.memory_space<vmem>>, vector<1x1x16xf32>,
        %swap3A_678 = vector.shape_cast %swap3A_677 : vector<1x1x16xf32> to vector<16xf32>
        %swap3A_679 = vector.shape_cast %add3A_672 : vector<16xf32> to vector<1x1x16xf32>
        tpu.vector_store %arg9[%swap3A_674, %swap3A_675, %swap3A_676], %swap3A_679 {strides = array<i32>} : memref<4x200x32xf32, #tpu.memory_space<vmem>>, vector<1x1x16xf32>,
        %get3A_680 = arith.constant 3 : i32
        %get3A_681 = arith.index_cast %get3A_680 : i32 to index
        %get3A_682 = arith.index_cast %add3A_661 : i32 to index
        %get3A_683 = arith.constant 16 : index
        %get3A_684 = tpu.vector_load %arg8[%get3A_681, %get3A_682, %get3A_683] {strides = array<i32>} : memref<4x200x32xf32, #tpu.memory_space<vmem>>, vector<1x1x16xf32>,
        %get3A_685 = vector.shape_cast %get3A_684 : vector<1x1x16xf32> to vector<16xf32>
        %get3A_686 = arith.index_cast %add3A_661 : i32 to index
        %get3A_687 = arith.constant 16 : index
        %get3A_688 = tpu.vector_load %arg7[%get3A_686, %get3A_687] {strides = array<i32>} : memref<200x32xf32, #tpu.memory_space<vmem>>, vector<1x16xf32>,
        %get3A_689 = vector.shape_cast %get3A_688 : vector<1x16xf32> to vector<16xf32>
        %add3A_690 = arith.addf %get3A_685, %get3A_689 : vector<16xf32>
        %swap3A_691 = arith.constant 3 : i32
        %swap3A_692 = arith.index_cast %swap3A_691 : i32 to index
        %swap3A_693 = arith.index_cast %add3A_661 : i32 to index
        %swap3A_694 = arith.constant 16 : index
        %swap3A_695 = tpu.vector_load %arg9[%swap3A_692, %swap3A_693, %swap3A_694] {strides = array<i32>} : memref<4x200x32xf32, #tpu.memory_space<vmem>>, vector<1x1x16xf32>,
        %swap3A_696 = vector.shape_cast %swap3A_695 : vector<1x1x16xf32> to vector<16xf32>
        %swap3A_697 = vector.shape_cast %add3A_690 : vector<16xf32> to vector<1x1x16xf32>
        tpu.vector_store %arg9[%swap3A_692, %swap3A_693, %swap3A_694], %swap3A_697 {strides = array<i32>} : memref<4x200x32xf32, #tpu.memory_space<vmem>>, vector<1x1x16xf32>,
        %add3A_698 = arith.constant 7 : i32
        %add3A_699 = arith.addi %mul3A_433, %add3A_698 : i32
        %get3A_700 = arith.constant 3 : i32
        %get3A_701 = arith.index_cast %get3A_700 : i32 to index
        %get3A_702 = arith.index_cast %add3A_699 : i32 to index
        %get3A_703 = arith.constant 0 : index
        %get3A_704 = tpu.vector_load %arg8[%get3A_701, %get3A_702, %get3A_703] {strides = array<i32>} : memref<4x200x32xf32, #tpu.memory_space<vmem>>, vector<1x1x16xf32>,
        %get3A_705 = vector.shape_cast %get3A_704 : vector<1x1x16xf32> to vector<16xf32>
        %get3A_706 = arith.index_cast %add3A_699 : i32 to index
        %get3A_707 = arith.constant 0 : index
        %get3A_708 = tpu.vector_load %arg7[%get3A_706, %get3A_707] {strides = array<i32>} : memref<200x32xf32, #tpu.memory_space<vmem>>, vector<1x16xf32>,
        %get3A_709 = vector.shape_cast %get3A_708 : vector<1x16xf32> to vector<16xf32>
        %add3A_710 = arith.addf %get3A_705, %get3A_709 : vector<16xf32>
        %swap3A_711 = arith.constant 3 : i32
        %swap3A_712 = arith.index_cast %swap3A_711 : i32 to index
        %swap3A_713 = arith.index_cast %add3A_699 : i32 to index
        %swap3A_714 = arith.constant 0 : index
        %swap3A_715 = tpu.vector_load %arg9[%swap3A_712, %swap3A_713, %swap3A_714] {strides = array<i32>} : memref<4x200x32xf32, #tpu.memory_space<vmem>>, vector<1x1x16xf32>,
        %swap3A_716 = vector.shape_cast %swap3A_715 : vector<1x1x16xf32> to vector<16xf32>
        %swap3A_717 = vector.shape_cast %add3A_710 : vector<16xf32> to vector<1x1x16xf32>
        tpu.vector_store %arg9[%swap3A_712, %swap3A_713, %swap3A_714], %swap3A_717 {strides = array<i32>} : memref<4x200x32xf32, #tpu.memory_space<vmem>>, vector<1x1x16xf32>,
        %get3A_718 = arith.constant 3 : i32
        %get3A_719 = arith.index_cast %get3A_718 : i32 to index
        %get3A_720 = arith.index_cast %add3A_699 : i32 to index
        %get3A_721 = arith.constant 16 : index
        %get3A_722 = tpu.vector_load %arg8[%get3A_719, %get3A_720, %get3A_721] {strides = array<i32>} : memref<4x200x32xf32, #tpu.memory_space<vmem>>, vector<1x1x16xf32>,
        %get3A_723 = vector.shape_cast %get3A_722 : vector<1x1x16xf32> to vector<16xf32>
        %get3A_724 = arith.index_cast %add3A_699 : i32 to index
        %get3A_725 = arith.constant 16 : index
        %get3A_726 = tpu.vector_load %arg7[%get3A_724, %get3A_725] {strides = array<i32>} : memref<200x32xf32, #tpu.memory_space<vmem>>, vector<1x16xf32>,
        %get3A_727 = vector.shape_cast %get3A_726 : vector<1x16xf32> to vector<16xf32>
        %add3A_728 = arith.addf %get3A_723, %get3A_727 : vector<16xf32>
        %swap3A_729 = arith.constant 3 : i32
        %swap3A_730 = arith.index_cast %swap3A_729 : i32 to index
        %swap3A_731 = arith.index_cast %add3A_699 : i32 to index
        %swap3A_732 = arith.constant 16 : index
        %swap3A_733 = tpu.vector_load %arg9[%swap3A_730, %swap3A_731, %swap3A_732] {strides = array<i32>} : memref<4x200x32xf32, #tpu.memory_space<vmem>>, vector<1x1x16xf32>,
        %swap3A_734 = vector.shape_cast %swap3A_733 : vector<1x1x16xf32> to vector<16xf32>
        %swap3A_735 = vector.shape_cast %add3A_728 : vector<16xf32> to vector<1x1x16xf32>
        tpu.vector_store %arg9[%swap3A_730, %swap3A_731, %swap3A_732], %swap3A_735 {strides = array<i32>} : memref<4x200x32xf32, #tpu.memory_space<vmem>>, vector<1x1x16xf32>,
        %scan3A_736 = arith.constant 0 : i32
        scf.yield %scan3A_736 : i32
      }
      %scan3A_403 = arith.constant 25 : i32
      %add3A_404 = arith.addi %mul3A_2, %add3A_367 : i32
      %dma_start3A_405 = arith.constant 3 : i32
      %dma_start3A_406 = arith.constant 0 : i32
      %dma_start3A_407 = arith.constant 0 : i32
      %dma_start3A_408 = tpu.memref_slice %arg9[%dma_start3A_405, %dma_start3A_406, %dma_start3A_407] : memref<4x200x32xf32, #tpu.memory_space<vmem>> -> memref<1x200x32xf32, #tpu.memory_space<vmem>>
      %dma_start3A_409 = tpu.memref_squeeze %dma_start3A_408 : memref<1x200x32xf32, #tpu.memory_space<vmem>> -> memref<200x32xf32, #tpu.memory_space<vmem>>
      %dma_start3A_410 = arith.constant 0 : i32
      %dma_start3A_411 = arith.constant 0 : i32
      %dma_start3A_412 = tpu.memref_slice %arg5[%add3A_404, %dma_start3A_410, %dma_start3A_411] : memref<4096x200x128xf32, #tpu.memory_space<hbm>> -> memref<1x200x32xf32, #tpu.memory_space<hbm>>
      %dma_start3A_413 = tpu.memref_squeeze %dma_start3A_412 : memref<1x200x32xf32, #tpu.memory_space<hbm>> -> memref<200x32xf32, #tpu.memory_space<hbm>>
      %dma_start3A_414 = arith.constant 0 : i32
      %dma_start3A_415 = arith.constant 0 : i32
      %dma_start3A_416 = tpu.memref_slice %arg5[%add3A_404, %dma_start3A_414, %dma_start3A_415] : memref<4096x200x128xf32, #tpu.memory_space<hbm>> -> memref<1x200x32xf32, #tpu.memory_space<hbm>>
      %dma_start3A_417 = tpu.memref_squeeze %dma_start3A_416 : memref<1x200x32xf32, #tpu.memory_space<hbm>> -> memref<200x32xf32, #tpu.memory_space<hbm>>
      %dma_start3A_418 = arith.constant 0 : i32
      %dma_start3A_419 = arith.constant 0 : i32
      %dma_start3A_420 = tpu.memref_slice %arg9[%dma_start3A_405, %dma_start3A_418, %dma_start3A_419] : memref<4x200x32xf32, #tpu.memory_space<vmem>> -> memref<1x200x32xf32, #tpu.memory_space<vmem>>
      %dma_start3A_421 = tpu.memref_squeeze %dma_start3A_420 : memref<1x200x32xf32, #tpu.memory_space<vmem>> -> memref<200x32xf32, #tpu.memory_space<vmem>>
      tpu.enqueue_dma source(%dma_start3A_421 : memref<200x32xf32, #tpu.memory_space<vmem>>) target(%dma_start3A_417 : memref<200x32xf32, #tpu.memory_space<hbm>>) target_semaphore(%arg17 : memref<!tpu.dma_semaphore, #tpu.memory_space<semaphore_mem>>)
      %add3A_422 = arith.constant 4 : i32
      %add3A_423 = arith.addi %add3A_367, %add3A_422 : i32
      %lt3A_424 = arith.constant 128 : i32
      %lt3A_425 = arith.cmpi slt, %add3A_423, %lt3A_424 : i32
      %convert_element_type3A_426 = arith.extui %lt3A_425 : i1 to i32
      %cond3A_427 = arith.constant 0 : i32
      %cond3A_428 = arith.cmpi ne, %convert_element_type3A_426, %cond3A_427 : i32
      scf.if %cond3A_428 {
        %add3A_430 = arith.constant 4 : i32
        %add3A_431 = arith.addi %add3A_367, %add3A_430 : i32
        %dma_start3A_432 = arith.constant 3 : i32
        %dma_start3A_433 = arith.constant 0 : i32
        %dma_start3A_434 = arith.constant 0 : i32
        %dma_start3A_435 = tpu.memref_slice %arg8[%dma_start3A_432, %dma_start3A_433, %dma_start3A_434] : memref<4x200x32xf32, #tpu.memory_space<vmem>> -> memref<1x104x32xf32, #tpu.memory_space<vmem>>
        %dma_start3A_436 = tpu.memref_squeeze %dma_start3A_435 : memref<1x104x32xf32, #tpu.memory_space<vmem>> -> memref<104x32xf32, #tpu.memory_space<vmem>>
        %dma_start3A_437 = arith.constant 0 : i32
        %dma_start3A_438 = tpu.memref_slice %arg6[%add3A_431, %dma_start3A_437] : memref<128x200xi32, #tpu.memory_space<vmem>> -> memref<1x104xi32, #tpu.memory_space<vmem>>
        %dma_start3A_439 = tpu.memref_squeeze %dma_start3A_438 : memref<1x104xi32, #tpu.memory_space<vmem>> -> memref<104xi32, #tpu.memory_space<vmem>>
        %dma_start3A_440 = arith.constant 0 : i32
        %dma_start3A_441 = arith.constant 0 : i32
        %dma_start3A_442 = tpu.memref_slice %arg3[%dma_start3A_440, %dma_start3A_441] : memref<1000000x32xf32, #tpu.memory_space<hbm>> -> memref<1000000x32xf32, #tpu.memory_space<hbm>>
        tpu.enqueue_indirect_dma source(%dma_start3A_442 : memref<1000000x32xf32, #tpu.memory_space<hbm>>) target(%dma_start3A_436 : memref<104x32xf32, #tpu.memory_space<vmem>>) offsets(%dma_start3A_439 : memref<104xi32, #tpu.memory_space<vmem>>) semaphore(%arg13 : memref<!tpu.dma_semaphore, #tpu.memory_space<semaphore_mem>>)
        %dma_start3A_443 = arith.constant 3 : i32
        %dma_start3A_444 = arith.constant 104 : i32
        %dma_start3A_445 = arith.constant 0 : i32
        %dma_start3A_446 = tpu.memref_slice %arg8[%dma_start3A_443, %dma_start3A_444, %dma_start3A_445] : memref<4x200x32xf32, #tpu.memory_space<vmem>> -> memref<1x96x32xf32, #tpu.memory_space<vmem>>
        %dma_start3A_447 = tpu.memref_squeeze %dma_start3A_446 : memref<1x96x32xf32, #tpu.memory_space<vmem>> -> memref<96x32xf32, #tpu.memory_space<vmem>>
        %dma_start3A_448 = arith.constant 104 : i32
        %dma_start3A_449 = tpu.memref_slice %arg6[%add3A_431, %dma_start3A_448] : memref<128x200xi32, #tpu.memory_space<vmem>> -> memref<1x96xi32, #tpu.memory_space<vmem>>
        %dma_start3A_450 = tpu.memref_squeeze %dma_start3A_449 : memref<1x96xi32, #tpu.memory_space<vmem>> -> memref<96xi32, #tpu.memory_space<vmem>>
        %dma_start3A_451 = arith.constant 0 : i32
        %dma_start3A_452 = arith.constant 0 : i32
        %dma_start3A_453 = tpu.memref_slice %arg3[%dma_start3A_451, %dma_start3A_452] : memref<1000000x32xf32, #tpu.memory_space<hbm>> -> memref<1000000x32xf32, #tpu.memory_space<hbm>>
        tpu.enqueue_indirect_dma source(%dma_start3A_453 : memref<1000000x32xf32, #tpu.memory_space<hbm>>) target(%dma_start3A_447 : memref<96x32xf32, #tpu.memory_space<vmem>>) offsets(%dma_start3A_450 : memref<96xi32, #tpu.memory_space<vmem>>) semaphore(%arg13 : memref<!tpu.dma_semaphore, #tpu.memory_space<semaphore_mem>>)
      } else {
      }
      %scan3A_429 = arith.constant 0 : i32
      scf.yield %scan3A_429 : i32
    }
    %scan3A_103 = arith.constant 32 : i32
    %dma_wait3A = arith.constant 0 : i32
    %dma_wait3A_104 = arith.constant 0 : i32
    %dma_wait3A_105 = arith.constant 0 : i32
    %dma_wait3A_106 = tpu.memref_slice %arg9[%dma_wait3A, %dma_wait3A_104, %dma_wait3A_105] : memref<4x200x32xf32, #tpu.memory_space<vmem>> -> memref<1x200x32xf32, #tpu.memory_space<vmem>>
    %dma_wait3A_107 = tpu.memref_squeeze %dma_wait3A_106 : memref<1x200x32xf32, #tpu.memory_space<vmem>> -> memref<200x32xf32, #tpu.memory_space<vmem>>
    %dma_wait3A_108 = arith.constant 0 : i32
    %dma_wait3A_109 = arith.constant 0 : i32
    %dma_wait3A_110 = tpu.memref_slice %arg5[%mul3A_2, %dma_wait3A_108, %dma_wait3A_109] : memref<4096x200x128xf32, #tpu.memory_space<hbm>> -> memref<1x200x32xf32, #tpu.memory_space<hbm>>
    %dma_wait3A_111 = tpu.memref_squeeze %dma_wait3A_110 : memref<1x200x32xf32, #tpu.memory_space<hbm>> -> memref<200x32xf32, #tpu.memory_space<hbm>>
    %dma_wait3A_112 = arith.constant 0 : i32
    %dma_wait3A_113 = arith.constant 0 : i32
    %dma_wait3A_114 = tpu.memref_slice %arg5[%mul3A_2, %dma_wait3A_112, %dma_wait3A_113] : memref<4096x200x128xf32, #tpu.memory_space<hbm>> -> memref<1x200x32xf32, #tpu.memory_space<hbm>>
    %dma_wait3A_115 = tpu.memref_squeeze %dma_wait3A_114 : memref<1x200x32xf32, #tpu.memory_space<hbm>> -> memref<200x32xf32, #tpu.memory_space<hbm>>
    %dma_wait3A_116 = arith.constant 0 : i32
    %dma_wait3A_117 = arith.constant 0 : i32
    %dma_wait3A_118 = tpu.memref_slice %arg9[%dma_wait3A, %dma_wait3A_116, %dma_wait3A_117] : memref<4x200x32xf32, #tpu.memory_space<vmem>> -> memref<1x200x32xf32, #tpu.memory_space<vmem>>
    %dma_wait3A_119 = tpu.memref_squeeze %dma_wait3A_118 : memref<1x200x32xf32, #tpu.memory_space<vmem>> -> memref<200x32xf32, #tpu.memory_space<vmem>>
    tpu.wait_dma2 semaphore(%arg14 : memref<!tpu.dma_semaphore, #tpu.memory_space<semaphore_mem>>) src(%dma_wait3A_119 : memref<200x32xf32, #tpu.memory_space<vmem>>) dst(%dma_wait3A_115 : memref<200x32xf32, #tpu.memory_space<hbm>>)
    %dma_wait3A_120 = arith.constant 1 : i32
    %dma_wait3A_121 = arith.constant 0 : i32
    %dma_wait3A_122 = arith.constant 0 : i32
    %dma_wait3A_123 = tpu.memref_slice %arg9[%dma_wait3A_120, %dma_wait3A_121, %dma_wait3A_122] : memref<4x200x32xf32, #tpu.memory_space<vmem>> -> memref<1x200x32xf32, #tpu.memory_space<vmem>>
    %dma_wait3A_124 = tpu.memref_squeeze %dma_wait3A_123 : memref<1x200x32xf32, #tpu.memory_space<vmem>> -> memref<200x32xf32, #tpu.memory_space<vmem>>
    %dma_wait3A_125 = arith.constant 0 : i32
    %dma_wait3A_126 = arith.constant 0 : i32
    %dma_wait3A_127 = tpu.memref_slice %arg5[%mul3A_2, %dma_wait3A_125, %dma_wait3A_126] : memref<4096x200x128xf32, #tpu.memory_space<hbm>> -> memref<1x200x32xf32, #tpu.memory_space<hbm>>
    %dma_wait3A_128 = tpu.memref_squeeze %dma_wait3A_127 : memref<1x200x32xf32, #tpu.memory_space<hbm>> -> memref<200x32xf32, #tpu.memory_space<hbm>>
    %dma_wait3A_129 = arith.constant 0 : i32
    %dma_wait3A_130 = arith.constant 0 : i32
    %dma_wait3A_131 = tpu.memref_slice %arg5[%mul3A_2, %dma_wait3A_129, %dma_wait3A_130] : memref<4096x200x128xf32, #tpu.memory_space<hbm>> -> memref<1x200x32xf32, #tpu.memory_space<hbm>>
    %dma_wait3A_132 = tpu.memref_squeeze %dma_wait3A_131 : memref<1x200x32xf32, #tpu.memory_space<hbm>> -> memref<200x32xf32, #tpu.memory_space<hbm>>
    %dma_wait3A_133 = arith.constant 0 : i32
    %dma_wait3A_134 = arith.constant 0 : i32
    %dma_wait3A_135 = tpu.memref_slice %arg9[%dma_wait3A_120, %dma_wait3A_133, %dma_wait3A_134] : memref<4x200x32xf32, #tpu.memory_space<vmem>> -> memref<1x200x32xf32, #tpu.memory_space<vmem>>
    %dma_wait3A_136 = tpu.memref_squeeze %dma_wait3A_135 : memref<1x200x32xf32, #tpu.memory_space<vmem>> -> memref<200x32xf32, #tpu.memory_space<vmem>>
    tpu.wait_dma2 semaphore(%arg15 : memref<!tpu.dma_semaphore, #tpu.memory_space<semaphore_mem>>) src(%dma_wait3A_136 : memref<200x32xf32, #tpu.memory_space<vmem>>) dst(%dma_wait3A_132 : memref<200x32xf32, #tpu.memory_space<hbm>>)
    %dma_wait3A_137 = arith.constant 2 : i32
    %dma_wait3A_138 = arith.constant 0 : i32
    %dma_wait3A_139 = arith.constant 0 : i32
    %dma_wait3A_140 = tpu.memref_slice %arg9[%dma_wait3A_137, %dma_wait3A_138, %dma_wait3A_139] : memref<4x200x32xf32, #tpu.memory_space<vmem>> -> memref<1x200x32xf32, #tpu.memory_space<vmem>>
    %dma_wait3A_141 = tpu.memref_squeeze %dma_wait3A_140 : memref<1x200x32xf32, #tpu.memory_space<vmem>> -> memref<200x32xf32, #tpu.memory_space<vmem>>
    %dma_wait3A_142 = arith.constant 0 : i32
    %dma_wait3A_143 = arith.constant 0 : i32
    %dma_wait3A_144 = tpu.memref_slice %arg5[%mul3A_2, %dma_wait3A_142, %dma_wait3A_143] : memref<4096x200x128xf32, #tpu.memory_space<hbm>> -> memref<1x200x32xf32, #tpu.memory_space<hbm>>
    %dma_wait3A_145 = tpu.memref_squeeze %dma_wait3A_144 : memref<1x200x32xf32, #tpu.memory_space<hbm>> -> memref<200x32xf32, #tpu.memory_space<hbm>>
    %dma_wait3A_146 = arith.constant 0 : i32
    %dma_wait3A_147 = arith.constant 0 : i32
    %dma_wait3A_148 = tpu.memref_slice %arg5[%mul3A_2, %dma_wait3A_146, %dma_wait3A_147] : memref<4096x200x128xf32, #tpu.memory_space<hbm>> -> memref<1x200x32xf32, #tpu.memory_space<hbm>>
    %dma_wait3A_149 = tpu.memref_squeeze %dma_wait3A_148 : memref<1x200x32xf32, #tpu.memory_space<hbm>> -> memref<200x32xf32, #tpu.memory_space<hbm>>
    %dma_wait3A_150 = arith.constant 0 : i32
    %dma_wait3A_151 = arith.constant 0 : i32
    %dma_wait3A_152 = tpu.memref_slice %arg9[%dma_wait3A_137, %dma_wait3A_150, %dma_wait3A_151] : memref<4x200x32xf32, #tpu.memory_space<vmem>> -> memref<1x200x32xf32, #tpu.memory_space<vmem>>
    %dma_wait3A_153 = tpu.memref_squeeze %dma_wait3A_152 : memref<1x200x32xf32, #tpu.memory_space<vmem>> -> memref<200x32xf32, #tpu.memory_space<vmem>>
    tpu.wait_dma2 semaphore(%arg16 : memref<!tpu.dma_semaphore, #tpu.memory_space<semaphore_mem>>) src(%dma_wait3A_153 : memref<200x32xf32, #tpu.memory_space<vmem>>) dst(%dma_wait3A_149 : memref<200x32xf32, #tpu.memory_space<hbm>>)
    %dma_wait3A_154 = arith.constant 3 : i32
    %dma_wait3A_155 = arith.constant 0 : i32
    %dma_wait3A_156 = arith.constant 0 : i32
    %dma_wait3A_157 = tpu.memref_slice %arg9[%dma_wait3A_154, %dma_wait3A_155, %dma_wait3A_156] : memref<4x200x32xf32, #tpu.memory_space<vmem>> -> memref<1x200x32xf32, #tpu.memory_space<vmem>>
    %dma_wait3A_158 = tpu.memref_squeeze %dma_wait3A_157 : memref<1x200x32xf32, #tpu.memory_space<vmem>> -> memref<200x32xf32, #tpu.memory_space<vmem>>
    %dma_wait3A_159 = arith.constant 0 : i32
    %dma_wait3A_160 = arith.constant 0 : i32
    %dma_wait3A_161 = tpu.memref_slice %arg5[%mul3A_2, %dma_wait3A_159, %dma_wait3A_160] : memref<4096x200x128xf32, #tpu.memory_space<hbm>> -> memref<1x200x32xf32, #tpu.memory_space<hbm>>
    %dma_wait3A_162 = tpu.memref_squeeze %dma_wait3A_161 : memref<1x200x32xf32, #tpu.memory_space<hbm>> -> memref<200x32xf32, #tpu.memory_space<hbm>>
    %dma_wait3A_163 = arith.constant 0 : i32
    %dma_wait3A_164 = arith.constant 0 : i32
    %dma_wait3A_165 = tpu.memref_slice %arg5[%mul3A_2, %dma_wait3A_163, %dma_wait3A_164] : memref<4096x200x128xf32, #tpu.memory_space<hbm>> -> memref<1x200x32xf32, #tpu.memory_space<hbm>>
    %dma_wait3A_166 = tpu.memref_squeeze %dma_wait3A_165 : memref<1x200x32xf32, #tpu.memory_space<hbm>> -> memref<200x32xf32, #tpu.memory_space<hbm>>
    %dma_wait3A_167 = arith.constant 0 : i32
    %dma_wait3A_168 = arith.constant 0 : i32
    %dma_wait3A_169 = tpu.memref_slice %arg9[%dma_wait3A_154, %dma_wait3A_167, %dma_wait3A_168] : memref<4x200x32xf32, #tpu.memory_space<vmem>> -> memref<1x200x32xf32, #tpu.memory_space<vmem>>
    %dma_wait3A_170 = tpu.memref_squeeze %dma_wait3A_169 : memref<1x200x32xf32, #tpu.memory_space<vmem>> -> memref<200x32xf32, #tpu.memory_space<vmem>>
    tpu.wait_dma2 semaphore(%arg17 : memref<!tpu.dma_semaphore, #tpu.memory_space<semaphore_mem>>) src(%dma_wait3A_170 : memref<200x32xf32, #tpu.memory_space<vmem>>) dst(%dma_wait3A_166 : memref<200x32xf32, #tpu.memory_space<hbm>>)
    return
  }
}

</mosaic_0001>

<sc_bundles>
// kernel: kernel.3.cloned.1.call-start
scs
__scs_entry_jumppad:
0x0: {  	(pc) =	sbr.rel $0x88, $3  }
0x1: {  	(tag) =	ssettag $0x0;
	lr =	simm.s32 $0x1  }
0x2: {  	[smem:$0x3F9E] =	sst lr;
	_ =	strace $0xD0000000  }
0x3: {  	_ = 	snop  }
0x4: {  	_ = 	snop  }
0x5: {  	_ = 	snop  }
0x6: {  	_ = 	snop  }
0x7: {  	_ = 	snop  }
__scs_overlays_trampoline_lowered:
0x8: {  	[smem:$0x3FAD] =	sst s0  }
0x9: {  	[smem:$0x3FAE] =	sst s1  }
0xa: {  	[smem:$0x3FAF] =	sst s2  }
0xb: {  	[smem:$0x3FB0] =	sst s3  }
0xc: {  	[smem:$0x3FB1] =	sst s4  }
0xd: {  	[smem:$0x3FB2] =	sst s5  }
0xe: {  	[smem:$0x3FB3] =	sst s6  }
0xf: {  	[smem:$0x3FB4] =	sst s7  }
0x10: {  	[smem:$0x3FB5] =	sst s8  }
0x11: {  	[smem:$0x3FB6] =	sst s9;
	s0 =	simm.s32 @!p0 $0x0  }
0x12: {  	s1 =	sld [smem:$0x3F9C];
	s0 =	simm.s32 @p0 $0x1  }
0x13: {  	[smem:$0x3FB7] =	sst s0;
	s0 =	simm.s32 @!p1 $0x0  }
0x14: {  	s2 =	sld [smem:$0x3F9B];
	s0 =	simm.s32 @p1 $0x1  }
0x15: {  	[smem:$0x3FB8] =	sst s0;
	s0 =	simm.s32 @!p2 $0x0  }
0x16: {  	s3 =	sld [smem:$0x3FDB];
	s0 =	simm.s32 @p2 $0x1  }
0x17: {  	s4 =	simm.s32 $0x1BF5;
	[smem:$0x3FBA] =	sst s0  }
0x18: {  	s0 =	sld [smem:$0x3F9D];
	_ =	swait.ge [sflag:s4], $0x0  }
0x19: {  	s7 =	sld [smem:$0x3F9E]  }
0x1a: {  	s8 =	sadd.s32 $0xFFFFE003, lr  }
0x1b: {  	s9 =	sadd.s32 $0xFFFFFEF7, lr;
	s5 =	simm.s32 $0xFFFFFFFF;
	p2 =	slt.u32 s8, $0xFFFFF086  }
0x1c: {  	p1 =	slt.u32 s9, $0xF7A;
	s5 =	simm.s32 @!p2 $0x0  }
0x1d: {  	s5 =	simm.s32 @p1 $0x1;
	p0 =	seq.s32 s7, s2  }
0x1e: {  	s7 =	smul.u32 @!p0 $0xF7A, s2;
	p2 =	seq.s32 @!p0 s5, $0x0  }
0x1f: {  	s9 =	smul.u32 $0xF7A, s1;
	s8 =	simm.s32 @!p0 $0x1BF5;
	p2 =	por !p2, p0  }
0x20: {  	[sflag:s8] =	ssyncset.s32 @!p0 $0xFFFFF086;
	s6 =	sadd.s32 @!p0 s3, s7;
	s7 =	simm.s32 @!p0 $0x108  }
0x21: {  	s3 =	sadd.s32 s3, s9;
	s6 =	sadd.s32 @!p0 $0x88, s6;
	s7 =	simm.s32 @p2 $0x1082  }
0x22: {  	[simem:s7], [sflag:s8] =	dma.local @!p0 [hbm:s6], $0xF7A  }
0x23: {  	s9 =	sor.u32 $0xD0000000, s2;
	s6 =	simm.s32 $0x108;
	_ =	swait.ge @!p0 [sflag:s8], $0x0  }
0x24: {  	s3 =	sadd.s32 $0x88, s3;
	s6 =	simm.s32 @!p1 $0x1082;
	[sflag:s4] =	ssyncset.s32 $0xFFFFF086  }
0x25: {  	[simem:s6], [sflag:s4] =	dma.local [hbm:s3], $0xF7A  }
0x26: {  	[smem:$0x3F9E] =	sst s1;
	(tag) =	ssettag s2;
	_ =	strace s9  }
0x27: {  	s1 =	sld [smem:$0x3FAE]  }
0x28: {  	s2 =	sld [smem:$0x3FAF]  }
0x29: {  	s4 =	sld [smem:$0x3FB1]  }
0x2a: {  	p0 =	seq.s32 s5, $0x0;
	s5 =	sld [smem:$0x3FB2]  }
0x2b: {  	s6 =	sld [smem:$0x3FB3]  }
0x2c: {  	s7 =	sld [smem:$0x3FB4]  }
0x2d: {  	s3 =	simm.s32 $0x108;
	s8 =	sld [smem:$0x3FB5]  }
0x2e: {  	s3 =	simm.s32 @!p0 $0x1082;
	s9 =	sld [smem:$0x3FB6]  }
0x2f: {  	lr =	sadd.s32 s0, s3;
	s0 =	sld [smem:$0x3FAD]  }
0x30: {  	s3 =	sld [smem:$0x3FB0]  }
0x31: {  	[smem:$0x3FB9] =	sst s10  }
0x32: {  	s10 =	sld [smem:$0x3FB7];
	_ =	sdelay $0x3  }
0x33: {  	p0 =	seq.s32 s10, $0x1;
	s10 =	sld [smem:$0x3FB9];
	_ =	sdelay $0x3  }
0x34: {  	[smem:$0x3FB9] =	sst s10  }
0x35: {  	s10 =	sld [smem:$0x3FB8];
	_ =	sdelay $0x3  }
0x36: {  	p1 =	seq.s32 s10, $0x1;
	s10 =	sld [smem:$0x3FB9];
	_ =	sdelay $0x3  }
0x37: {  	[smem:$0x3FB9] =	sst s10  }
0x38: {  	s10 =	sld [smem:$0x3FBA]  }
0x39: {  	_ = 	snop;
	(pc) =	sbr.ind lr, $3  }
0x3a: {  	_ = 	snop  }
0x3b: {  	_ = 	snop  }
0x3c: {  	p2 =	seq.s32 s10, $0x1;
	s10 =	sld [smem:$0x3FB9]  }
0x3d: {  	_ =	shalt  }
0x3e: {  	_ =	shalt  }
0x3f: {  	_ =	shalt  }
0x40: {  	_ =	shalt  }
0x41: {  	_ =	shalt  }
0x42: {  	_ =	shalt  }
0x43: {  	_ =	shalt  }
0x44: {  	_ =	shalt  }
0x45: {  	_ =	shalt  }
0x46: {  	_ =	shalt  }
0x47: {  	_ =	shalt  }
0x48: {  	_ =	shalt  }
0x49: {  	_ =	shalt  }
0x4a: {  	_ =	shalt  }
0x4b: {  	_ =	shalt  }
0x4c: {  	_ =	shalt  }
0x4d: {  	_ =	shalt  }
0x4e: {  	_ =	shalt  }
0x4f: {  	_ =	shalt  }
0x50: {  	_ =	shalt  }
0x51: {  	_ =	shalt  }
0x52: {  	_ =	shalt  }
0x53: {  	_ =	shalt  }
0x54: {  	_ =	shalt  }
0x55: {  	_ =	shalt  }
0x56: {  	_ =	shalt  }
0x57: {  	_ =	shalt  }
0x58: {  	_ =	shalt  }
0x59: {  	_ =	shalt  }
0x5a: {  	_ =	shalt  }
0x5b: {  	_ =	shalt  }
0x5c: {  	_ =	shalt  }
0x5d: {  	_ =	shalt  }
0x5e: {  	_ =	shalt  }
0x5f: {  	_ =	shalt  }
0x60: {  	_ =	shalt  }
0x61: {  	_ =	shalt  }
0x62: {  	_ =	shalt  }
0x63: {  	_ =	shalt  }
0x64: {  	_ =	shalt  }
0x65: {  	_ =	shalt  }
0x66: {  	_ =	shalt  }
0x67: {  	_ =	shalt  }
0x68: {  	_ =	shalt  }
0x69: {  	_ =	shalt  }
0x6a: {  	_ =	shalt  }
0x6b: {  	_ =	shalt  }
0x6c: {  	_ =	shalt  }
0x6d: {  	_ =	shalt  }
0x6e: {  	_ =	shalt  }
0x6f: {  	_ =	shalt  }
0x70: {  	_ =	shalt  }
0x71: {  	_ =	shalt  }
0x72: {  	_ =	shalt  }
0x73: {  	_ =	shalt  }
0x74: {  	_ =	shalt  }
0x75: {  	_ =	shalt  }
0x76: {  	_ =	shalt  }
0x77: {  	_ =	shalt  }
0x78: {  	_ =	shalt  }
0x79: {  	_ =	shalt  }
0x7a: {  	_ =	shalt  }
0x7b: {  	_ =	shalt  }
0x7c: {  	_ =	shalt  }
0x7d: {  	_ =	shalt  }
0x7e: {  	_ =	shalt  }
0x7f: {  	_ =	shalt  }
0x80: {  	_ =	shalt  }
0x81: {  	_ =	shalt  }
0x82: {  	_ =	shalt  }
0x83: {  	_ =	shalt  }
0x84: {  	_ =	shalt  }
0x85: {  	_ =	shalt  }
0x86: {  	_ =	shalt  }
0x87: {  	_ =	shalt  }
.Lfunc_end0:
.L_simem_size_0:
called_computation.1_lowered:
.L_overlay_start_0:
0x88: {  	s2 =	sld [smem:$0x3FD9]  }
0x89: {  	s3 =	sld [smem:$0x3FFE];
	_ =	sdelay $0x1  }
0x8a: {  	s1 =	srdreg.scid  }
0x8b: {  	s0 =	sand.u32 $0x1, s1  }
0x8c: {  	s17 =	sshll.u32 s0, $0xA;
	s2 =	sadd.s32 s3, s2  }
0x8d: {  	s2 =	sadd.s32 s2, s17  }
0x8e: {  	[smem:$0x3FC5] =	sst s2  }
0x8f: {  	_ = 	snop  }
0x90: {  	s2 =	sld [smem:$0x3FD0];
	(tm) =	ssettm $0x1  }
0x91: {  	s18 =	sld [smem:$0x3FFB];
	_ =	sdelay $0x3  }
0x92: {  	_ =	strace s18  }
0x93: {  	s3 =	sld [smem:$0x3FFC];
	_ =	sdelay $0x3  }
0x94: {  	_ =	strace s3  }
0x95: {  	s3 =	sld [smem:$0x3FFD];
	_ =	sdelay $0x3  }
0x96: {  	_ =	strace s3  }
0x97: {  	_ =	strace $0x8FFFFFFF  }
0x98: {  	s19 =	sld [smem:$0x3FDB];
	_ =	sdelay $0x1  }
0x99: {  	s4 =	simm.s32 $_scs_section_size  }
0x9a: {  	s5 =	simm.s32 $_size__tile_overlayer_lowered;
	s6 =	simm.s32 $_tile_overlayer_lowered  }
0x9b: {  	s22 =	simm.s32 $0x1BFF;
	s21 =	sshll.u32 s6, $0x1;
	s3 =	sadd.s32 s4, s19  }
0x9c: {  	s7 =	simm.s32 $0x0;
	s20 =	sshll.u32 s5, $0x1;
	s5 =	sadd.s32 s21, s3  }
0x9d: {  	[timem:s7], [sflag:s22] =	dma.local [hbm:s5], s20  }
0x9e: {  	_ =	swait.ge [sflag:s22], s20  }
0x9f: {  	s4 =	ssub.s32 $0x0, s20;
	[sflag:s22] =	ssyncset.done $0x0  }
0xa0: {  	[sflag:s22] =	ssyncadd.s32 s4;
	_ =	sdelay $0x1  }
0xa1: {  	s23 =	simm.s32 $0x1B8B  }
0xa2: {  	_ =	swait.ge [sflag:s23], $0x1  }
0xa3: {  	[sflag:s23] =	ssyncset.done $0x0  }
0xa4: {  	s25 =	simm.s32 $0x1B8E;
	s24 =	sld [smem:$0x3FFE];
	[sflag:s23] =	ssyncadd.s32 $0xFFFFFFFF  }
0xa5: {  	s26 =	simm.s32 $execute0_lowered;
	[smem:$0x3FD2] =	sst s25  }
0xa6: {  	s5 =	sshll.u32 s26, $0x1;
	_ =	strace $0x80000046;
	[dreg:$0x1] =	wrdreg $0xFFFFFFFF  }
0xa7: {  	s28 =	simm.s32 $_size_execute0_lowered;
	s3 =	sadd.s32 s3, s5;
	[dreg:$0x0] =	wrdreg $0x0  }
0xa8: {  	s5 =	sshll.u32 s28, $0x1;
	[dreg:$0x2] =	wrdreg s3  }
0xa9: {  	[dreg:$0x3] =	wrdreg s5  }
0xaa: {  	[dreg:$0x4] =	wrdreg $0xC0  }
0xab: {  	_ =	task [dreg:s7], $0x5FFFF  }
0xac: {  	[dreg:$0x1] =	wrdreg $0xFFFFFFFF  }
0xad: {  	[dreg:$0x0] =	wrdreg $0x60  }
0xae: {  	[dreg:$0x2] =	wrdreg s2  }
0xaf: {  	[dreg:$0x3] =	wrdreg s24  }
0xb0: {  	[dreg:$0x4] =	wrdreg $0x9  }
0xb1: {  	_ =	task.clear_ibuf [dreg:s7], $0x5FFFF;
	_ =	strace $0x90000046  }
0xb2: {  	s29 =	simm.s32 $0x9;
	_ =	strace $0x80000048  }
0xb3: {  	_ =	swait.ge [sflag:s29], $0x1  }
0xb4: {  	[sflag:s29] =	ssyncadd.s32 $0xFFFFFFFF  }
0xb5: {  	_ =	strace $0x90000048  }
0xb6: {  	_ =	sfence  }
0xb7: {  	s30 =	sld [smem:$0x0];
	_ =	sdelay $0x2  }
0xb8: {  	s31 =	sshll.u32 s1, $0xD;
	s1 =	sshrl.u32 s1, $0x2  }
0xb9: {  	s3 =	sand.u32 $0x4000, s31;
	s1 =	sadd.s32 s1, s30  }
0xba: {  	s0 =	sor.u32 s3, s0;
	s1 =	sshll.u32 s1, $0x11  }
0xbb: {  	s0 =	sor.u32 s1, s0  }
0xbc: {  	s0 =	sadd.s32 $0x8F2B, s0  }
0xbd: {  	[sflag:s0] =	ssyncadd.remote.s32 $0x1  }
0xbe: {  	_ =	sfence.sel $0xFFFF  }
0xbf: {  	[dreg:$0x0] =	wrdreg $0xFFFFFFFF;
	(pc) =	sbr.abs _section_cstart, $3  }
0xc0: {  	[dreg:$0x1] =	wrdreg $0xFFFFFFFF  }
0xc1: {  	_ =	task.clear_ibuf [dreg:s7], $0x2FFFF;
	_ =	strace $0x9FFFFFFF  }
0xc2: {  	(tm) =	ssettm $0x7FFFFFFF  }
0xc3: {  	_ =	shalt  }
tec
execute0_lowered:
.L_overlay_start_1:
0x0: {  	(tag) =	ssettag $0x1  }
0x1: {  	s0 =	rddreg [dreg:$0x0]  }
0x2: {  	s1 =	rddreg [dreg:$0x1]  }
0x3: {  	s2 =	srdreg.scid;
	s4 =	stileid.u32;
	s9 =	simm.s32 $0x9  }
0x4: {  	s11 =	simm.s32 $0x68;
	s13 =	simm.s32 $0x60;
	s24 =	simm.s32 $0xC800  }
0x5: {  	s28 =	simm.s32 $0x1;
	s29 =	simm.s32 $0x20;
	s30 =	simm.s32 $0x80  }
0x6: {  	s31 =	simm.s32 $0xE100;
	s10 =	simm.s32 $0x3;
	s12 =	simm.s32 $0x11300  }
0x7: {  	s14 =	simm.s32 $0x4;
	s15 =	simm.s32 $0x12C00;
	s16 =	simm.s32 $0x5  }
0x8: {  	s17 =	simm.s32 $0x6;
	s18 =	simm.s32 $0x7;
	s19 =	simm.s32 $0x8  }
0x9: {  	s20 =	simm.s32 $0x0;
	s3 =	sand.u32 $0x1, s2;
	s2 =	simm.s32 $0x0  }
0xa: {  	s4 =	sshll.u32 s4, $0x8;
	s8 =	sadd.s32 $0xC00, s1;
	s5 =	sshll.u32 s3, $0x7  }
0xb: {  	[smem:$0x7FF] =	sst s2;
	s6 =	ssub.s32 $0x2, s3;
	s3 =	sor.u32 s5, s4  }
.Ltmp0:
0xc: {  	_ =	strace $0x80000047;
	s25 =	sshrl.u32 s6, $0x1;
	(pc) =	sbr.rel .LBB2_1-.Ltmp0, $4  }
0xd: {  	s4 =	sadd.s32 $0xF43000, s1;
	s7 =	smul.u32 $0x19, s3;
	s5 =	ssub.s32 s6, s25  }
0xe: {  	[dreg:$0x3] =	wrdreg s8;
	s6 =	sadd.s32 $0x1000, s1;
	s26 =	smax.u32 s5, $0x1  }
0xf: {  	s1 =	simm.s32 $0xFA00;
	s0 =	sadd.s32 s0, s7;
	[dreg:$0x5] =	wrdreg s26  }
0x10: {  	s26 =	simm.s32 $0xD500;
	[dreg:$0x4] =	wrdreg s0;
	s0 =	simm.s32 $0x2  }
.LBB2_12:
0x11: {  	_ =	swait.ge [sflag:s16], $0x1900  }
0x12: {  	[sflag:s16] =	ssyncset.done $0x0  }
0x13: {  	[sflag:s16] =	ssyncadd.s32 $0xFFFFE700  }
0x14: {  	_ =	swait.ge [sflag:s17], $0x1900  }
0x15: {  	[sflag:s17] =	ssyncset.done $0x0  }
0x16: {  	[sflag:s17] =	ssyncadd.s32 $0xFFFFE700  }
0x17: {  	_ =	swait.ge [sflag:s18], $0x1900  }
0x18: {  	[sflag:s18] =	ssyncset.done $0x0  }
0x19: {  	[sflag:s18] =	ssyncadd.s32 $0xFFFFE700  }
0x1a: {  	_ =	swait.ge [sflag:s19], $0x1900  }
0x1b: {  	s20 =	sadd.s32 $0x1, s20;
	s5 =	rddreg [dreg:$0x5]  }
0x1c: {  	p0 =	sne.s32 s20, s5  }
.Ltmp1:
0x1d: {  	_ = 	snop;
	(pc) =	sbr.rel @!p0 .LBB2_13-.Ltmp1, $3  }
0x1e: {  	_ =	sdelay $0x1  }
0x1f: {  	[sflag:s19] =	ssyncset.done $0x0  }
0x20: {  	[sflag:s19] =	ssyncadd.s32 $0xFFFFE700  }
.LBB2_1:
0x21: {  	s5 =	rddreg [dreg:$0x4]  }
0x22: {  	[tilespmem:s2], [sflag:$0x9] =	stream.linear.gather [hbm4b:s5+s2], $0x6400, $0x38;
	[tilespmem:$0x14500] =	vst v63  }
0x23: {  	_ =	swait.ge [sflag:s9], $0x6400  }
0x24: {  	[sflag:s9] =	ssyncset.done $0x0  }
0x25: {  	s7 =	simm.s32 $0x6400;
	s25 =	rddreg [dreg:$0x3];
	[sflag:s9] =	ssyncadd.s32 $0xFFFF9C00  }
0x26: {  	[tilespmem:s7], [sflag:$0x9] =	stream.linear.gather [hbm4b:s25+s2], $0x1900, $0x38;
	[tilespmem:$0x14500] =	vst v63  }
0x27: {  	_ =	swait.ge [sflag:s9], $0x1900  }
0x28: {  	[sflag:s9] =	ssyncset.done $0x0  }
0x29: {  	s7 =	simm.s32 $0x7D00;
	[sflag:s9] =	ssyncadd.s32 $0xFFFFE700  }
0x2a: {  	[tilespmem:s7], [sflag:$0x1] =	stream.indirect.gather [hbm4b:s4+s11], $0x20, s2, s11, $0xb8;
	[tilespmem:$0x14500] =	vst v63  }
0x2b: {  	s8 =	simm.s32 $0x8A00  }
0x2c: {  	[tilespmem:s8], [sflag:$0x1] =	stream.indirect.gather [hbm4b:s4+s13], $0x20, s11, s13, $0xb8;
	[tilespmem:$0x14500] =	vst v63  }
0x2d: {  	s21 =	simm.s32 $0xC8;
	s22 =	simm.s32 $0x9600  }
0x2e: {  	[tilespmem:s22], [sflag:$0x2] =	stream.indirect.gather [hbm4b:s4+s11], $0x20, s21, s11, $0xb8;
	[tilespmem:$0x14500] =	vst v63  }
0x2f: {  	s23 =	simm.s32 $0x130;
	s25 =	simm.s32 $0xA300  }
0x30: {  	[tilespmem:s25], [sflag:$0x2] =	stream.indirect.gather [hbm4b:s4+s13], $0x20, s23, s13, $0xb8;
	[tilespmem:$0x14500] =	vst v63  }
0x31: {  	s7 =	simm.s32 $0x190;
	s8 =	simm.s32 $0xAF00  }
0x32: {  	[tilespmem:s8], [sflag:$0x3] =	stream.indirect.gather [hbm4b:s4+s11], $0x20, s7, s11, $0xb8;
	[tilespmem:$0x14500] =	vst v63  }
0x33: {  	s21 =	simm.s32 $0x1F8;
	s22 =	simm.s32 $0xBC00  }
0x34: {  	[tilespmem:s22], [sflag:$0x3] =	stream.indirect.gather [hbm4b:s4+s13], $0x20, s21, s13, $0xb8;
	[tilespmem:$0x14500] =	vst v63  }
0x35: {  	s23 =	simm.s32 $0x258  }
0x36: {  	[tilespmem:s24], [sflag:$0x4] =	stream.indirect.gather [hbm4b:s4+s11], $0x20, s23, s11, $0xb8;
	[tilespmem:$0x14500] =	vst v63  }
0x37: {  	s25 =	simm.s32 $0x2C0;
	s21 =	simm.s32 $0x0  }
0x38: {  	[tilespmem:s26], [sflag:$0x4] =	stream.indirect.gather [hbm4b:s4+s13], $0x20, s25, s13, $0xb8;
	[tilespmem:$0x14500] =	vst v63  }
.LBB2_2:
0x39: {  	_ =	swait.ge [sflag:s28], $0xD00  }
0x3a: {  	[sflag:s28] =	ssyncset.done $0x0  }
0x3b: {  	[sflag:s28] =	ssyncadd.s32 $0xFFFFF300  }
0x3c: {  	_ =	swait.ge [sflag:s28], $0xC00  }
0x3d: {  	p0 =	seq.s32 s21, $0x0;
	[sflag:s28] =	ssyncset.done $0x0  }
0x3e: {  	s5 =	simm.s32 @!p0 $0x5;
	[sflag:s28] =	ssyncadd.s32 $0xFFFFF400  }
0x3f: {  	_ =	swait.ge @!p0 [sflag:s5], $0x1900  }
0x40: {  	[sflag:s5] =	ssyncset.done @!p0 $0x0  }
0x41: {  	s23 =	simm.s32 $0x0;
	[sflag:s5] =	ssyncadd.s32 @!p0 $0xFFFFE700  }
0x42: {  	v0 =	vld [tilespmem:s23+$0x7DF0]  }
0x43: {  	v1 =	vld [tilespmem:s23+$0x64F0]  }
0x44: {  	v2 =	vld [tilespmem:s23+$0x7D00]  }
0x45: {  	v3 =	vld [tilespmem:s23+$0x6400]  }
0x46: {  	v4 =	vld [tilespmem:s23+$0x7D10]  }
0x47: {  	v5 =	vld [tilespmem:s23+$0x6410]  }
0x48: {  	v6 =	vld [tilespmem:s23+$0x7D20]  }
0x49: {  	v7 =	vld [tilespmem:s23+$0x7D30]  }
0x4a: {  	v0 =	vadd.f32 v1, v0;
	v1 =	vld [tilespmem:s23+$0x6420]  }
0x4b: {  	v2 =	vadd.f32 v3, v2;
	v3 =	vld [tilespmem:s23+$0x7D40]  }
0x4c: {  	[tilespmem:s23+$0xE1F0] =	vst v0;
	v0 =	vld [tilespmem:s23+$0x6430]  }
0x4d: {  	[tilespmem:s23+$0xE100] =	vst v2;
	v2 =	vadd.f32 v5, v4;
	v4 =	vld [tilespmem:s23+$0x6440]  }
0x4e: {  	v5 =	vld [tilespmem:s23+$0x6450]  }
0x4f: {  	[tilespmem:s23+$0xE110] =	vst v2;
	v2 =	vld [tilespmem:s23+$0x7D50];
	v1 =	vadd.f32 v1, v6  }
0x50: {  	v6 =	vld [tilespmem:s23+$0x6460]  }
0x51: {  	[tilespmem:s23+$0xE120] =	vst v1;
	v0 =	vadd.f32 v0, v7;
	v1 =	vld [tilespmem:s23+$0x7D60]  }
0x52: {  	v7 =	vld [tilespmem:s23+$0x64B0]  }
0x53: {  	[tilespmem:s23+$0xE130] =	vst v0;
	v0 =	vadd.f32 v4, v3;
	v3 =	vld [tilespmem:s23+$0x7D70]  }
0x54: {  	v4 =	vld [tilespmem:s23+$0x6470]  }
0x55: {  	[tilespmem:s23+$0xE140] =	vst v0;
	v0 =	vadd.f32 v5, v2;
	v2 =	vld [tilespmem:s23+$0x7D80]  }
0x56: {  	v5 =	vld [tilespmem:s23+$0x6480]  }
0x57: {  	[tilespmem:s23+$0xE150] =	vst v0;
	v0 =	vadd.f32 v6, v1;
	v1 =	vld [tilespmem:s23+$0x7D90]  }
0x58: {  	v6 =	vld [tilespmem:s23+$0x6490]  }
0x59: {  	[tilespmem:s23+$0xE160] =	vst v0;
	v0 =	vadd.f32 v4, v3;
	v3 =	vld [tilespmem:s23+$0x7DA0]  }
0x5a: {  	v4 =	vld [tilespmem:s23+$0x64A0]  }
0x5b: {  	[tilespmem:s23+$0xE170] =	vst v0;
	v0 =	vadd.f32 v5, v2;
	v5 =	vld [tilespmem:s23+$0x7DB0]  }
0x5c: {  	v8 =	vld [tilespmem:s23+$0x64C0]  }
0x5d: {  	[tilespmem:s23+$0xE180] =	vst v0;
	v0 =	vadd.f32 v6, v1;
	v6 =	vld [tilespmem:s23+$0x7DC0]  }
0x5e: {  	v2 =	vld [tilespmem:s23+$0x7DD0]  }
0x5f: {  	[tilespmem:s23+$0xE190] =	vst v0;
	v0 =	vadd.f32 v4, v3;
	v3 =	vld [tilespmem:s23+$0x64D0]  }
0x60: {  	v4 =	vld [tilespmem:s23+$0x64E0];
	v5 =	vadd.f32 v7, v5  }
0x61: {  	s5 =	simm.s32 $0x100;
	[tilespmem:s23+$0xE1A0] =	vst v0;
	v0 =	vld [tilespmem:s23+$0x7DE0]  }
0x62: {  	s22 =	sshll.u32 s21, $0x2;
	s7 =	simm.s32 $0x800;
	v1 =	vld [tilespmem:s5+$0x7DF0];
	[tilespmem:s23+$0xE1B0] =	vst v5;
	v5 =	vadd.f32 v8, v6  }
.LBB2_3:
0x63: {  	p1 =	sne.s32 s7, $0x6000;
	v6 =	vld [tilespmem:s5+$0x64F0]  }
0x64: {  	v7 =	vld [tilespmem:s5+$0x7D00];
	[tilespmem:s23+$0xE1C0] =	vst v5;
	v2 =	vadd.f32 v3, v2  }
0x65: {  	v3 =	vld [tilespmem:s5+$0x6400]  }
0x66: {  	v5 =	vld [tilespmem:s5+$0x7D10];
	[tilespmem:s23+$0xE1D0] =	vst v2;
	v0 =	vadd.f32 v4, v0  }
0x67: {  	v2 =	vld [tilespmem:s5+$0x6410]  }
0x68: {  	v4 =	vld [tilespmem:s5+$0x7D20];
	v1 =	vadd.f32 v6, v1;
	[tilespmem:s23+$0xE1E0] =	vst v0;
	s23 =	smov.u32 s5  }
0x69: {  	v0 =	vld [tilespmem:s23+$0x6420]  }
0x6a: {  	v3 =	vadd.f32 v3, v7;
	v6 =	vld [tilespmem:s23+$0x7D30];
	[tilespmem:s23+$0xE1F0] =	vst v1  }
0x6b: {  	v1 =	vld [tilespmem:s23+$0x6430]  }
0x6c: {  	[tilespmem:s23+$0xE100] =	vst v3;
	v2 =	vadd.f32 v2, v5;
	v3 =	vld [tilespmem:s23+$0x7D40]  }
0x6d: {  	v5 =	vld [tilespmem:s23+$0x6440]  }
0x6e: {  	[tilespmem:s23+$0xE110] =	vst v2;
	v0 =	vadd.f32 v0, v4;
	v2 =	vld [tilespmem:s23+$0x7D50]  }
0x6f: {  	v4 =	vld [tilespmem:s23+$0x6450]  }
0x70: {  	[tilespmem:s23+$0xE120] =	vst v0;
	v0 =	vadd.f32 v1, v6;
	v1 =	vld [tilespmem:s23+$0x7D60]  }
0x71: {  	v6 =	vld [tilespmem:s23+$0x6460]  }
0x72: {  	[tilespmem:s23+$0xE130] =	vst v0;
	v0 =	vadd.f32 v5, v3;
	v3 =	vld [tilespmem:s23+$0x7D70]  }
0x73: {  	v5 =	vld [tilespmem:s23+$0x6470]  }
0x74: {  	[tilespmem:s23+$0xE140] =	vst v0;
	v0 =	vadd.f32 v4, v2;
	v2 =	vld [tilespmem:s23+$0x7D80]  }
0x75: {  	v4 =	vld [tilespmem:s23+$0x6480]  }
0x76: {  	[tilespmem:s23+$0xE150] =	vst v0;
	v0 =	vadd.f32 v6, v1;
	v1 =	vld [tilespmem:s23+$0x7D90]  }
0x77: {  	v6 =	vld [tilespmem:s23+$0x6490]  }
0x78: {  	[tilespmem:s23+$0xE160] =	vst v0;
	v0 =	vadd.f32 v5, v3;
	v3 =	vld [tilespmem:s23+$0x7DA0]  }
0x79: {  	v5 =	vld [tilespmem:s23+$0x64A0]  }
0x7a: {  	[tilespmem:s23+$0xE170] =	vst v0;
	v0 =	vadd.f32 v4, v2;
	v4 =	vld [tilespmem:s23+$0x7DB0]  }
0x7b: {  	v7 =	vld [tilespmem:s23+$0x64B0]  }
0x7c: {  	[tilespmem:s23+$0xE180] =	vst v0;
	v0 =	vadd.f32 v6, v1;
	v6 =	vld [tilespmem:s23+$0x7DC0]  }
0x7d: {  	v8 =	vld [tilespmem:s23+$0x64C0]  }
.Ltmp2:
0x7e: {  	[tilespmem:s23+$0xE190] =	vst v0;
	v0 =	vadd.f32 v5, v3;
	v2 =	vld [tilespmem:s23+$0x7DD0];
	(pc) =	sbr.rel @p1 .LBB2_3-.Ltmp2, $4  }
0x7f: {  	v3 =	vld [tilespmem:s23+$0x64D0]  }
0x80: {  	[tilespmem:s23+$0xE1A0] =	vst v0;
	v5 =	vadd.f32 v7, v4;
	v0 =	vld [tilespmem:s23+$0x7DE0]  }
0x81: {  	s5 =	sshra.s32 s7, $0x2;
	v4 =	vld [tilespmem:s23+$0x64E0]  }
0x82: {  	s7 =	sadd.s32 $0x400, s7;
	v1 =	vld [tilespmem:s5+$0x7DF0];
	[tilespmem:s23+$0xE1B0] =	vst v5;
	v5 =	vadd.f32 v8, v6  }
0x83: {  	v6 =	vld [tilespmem:s5+$0x64F0]  }
0x84: {  	v7 =	vld [tilespmem:s5+$0x7D00];
	[tilespmem:s23+$0xE1C0] =	vst v5;
	v2 =	vadd.f32 v3, v2  }
0x85: {  	v3 =	vld [tilespmem:s5+$0x6400]  }
0x86: {  	v5 =	vld [tilespmem:s5+$0x7D10];
	[tilespmem:s23+$0xE1D0] =	vst v2;
	v0 =	vadd.f32 v4, v0  }
0x87: {  	v2 =	vld [tilespmem:s5+$0x6410]  }
0x88: {  	v4 =	vld [tilespmem:s5+$0x7D20];
	[tilespmem:s23+$0xE1E0] =	vst v0  }
0x89: {  	v0 =	vadd.f32 v6, v1;
	v1 =	vld [tilespmem:s5+$0x6420]  }
0x8a: {  	v6 =	vld [tilespmem:s5+$0x7D30]  }
0x8b: {  	v3 =	vadd.f32 v3, v7;
	[tilespmem:s5+$0xE1F0] =	vst v0;
	v0 =	vld [tilespmem:s5+$0x6430]  }
0x8c: {  	v7 =	vld [tilespmem:s5+$0x64E0]  }
0x8d: {  	[tilespmem:s5+$0xE100] =	vst v3;
	v2 =	vadd.f32 v2, v5;
	v3 =	vld [tilespmem:s5+$0x7D40]  }
0x8e: {  	v5 =	vld [tilespmem:s5+$0x6440]  }
0x8f: {  	[tilespmem:s5+$0xE110] =	vst v2;
	v2 =	vld [tilespmem:s5+$0x7D50]  }
0x90: {  	v1 =	vadd.f32 v1, v4;
	v4 =	vld [tilespmem:s5+$0x6450]  }
0x91: {  	v0 =	vadd.f32 v0, v6;
	v6 =	vld [tilespmem:s5+$0x6460]  }
0x92: {  	[tilespmem:s5+$0xE120] =	vst v1;
	v1 =	vld [tilespmem:s5+$0x7D60]  }
0x93: {  	[tilespmem:s5+$0xE130] =	vst v0;
	v0 =	vadd.f32 v5, v3;
	v3 =	vld [tilespmem:s5+$0x7D70]  }
0x94: {  	v5 =	vld [tilespmem:s5+$0x6470]  }
0x95: {  	[tilespmem:s5+$0xE140] =	vst v0;
	v0 =	vadd.f32 v4, v2;
	v2 =	vld [tilespmem:s5+$0x7D80]  }
0x96: {  	v4 =	vld [tilespmem:s5+$0x6480]  }
0x97: {  	[tilespmem:s5+$0xE150] =	vst v0;
	v0 =	vadd.f32 v6, v1;
	v1 =	vld [tilespmem:s5+$0x7D90]  }
0x98: {  	v6 =	vld [tilespmem:s5+$0x6490]  }
0x99: {  	[tilespmem:s5+$0xE160] =	vst v0;
	v0 =	vadd.f32 v5, v3;
	v3 =	vld [tilespmem:s5+$0x7DA0]  }
0x9a: {  	v5 =	vld [tilespmem:s5+$0x64A0]  }
0x9b: {  	[tilespmem:s5+$0xE170] =	vst v0;
	v0 =	vadd.f32 v4, v2;
	v2 =	vld [tilespmem:s5+$0x7DB0]  }
0x9c: {  	v4 =	vld [tilespmem:s5+$0x64B0]  }
0x9d: {  	[tilespmem:s5+$0xE180] =	vst v0;
	v0 =	vadd.f32 v6, v1;
	v1 =	vld [tilespmem:s5+$0x7DC0]  }
0x9e: {  	v6 =	vld [tilespmem:s5+$0x64C0]  }
0x9f: {  	[tilespmem:s5+$0xE190] =	vst v0;
	v0 =	vadd.f32 v5, v3;
	v3 =	vld [tilespmem:s5+$0x7DD0]  }
0xa0: {  	v5 =	vld [tilespmem:s5+$0x64D0]  }
0xa1: {  	[tilespmem:s5+$0xE1A0] =	vst v0;
	v0 =	vld [tilespmem:s5+$0x7DE0];
	_ =	sdelay $0x1  }
0xa2: {  	s7 =	sadd.s32 s3, s22;
	v2 =	vadd.f32 v4, v2  }
0xa3: {  	s7 =	smul.u32 $0xC80, s7;
	v1 =	vadd.f32 v6, v1  }
0xa4: {  	p1 =	seq.s32 s21, $0x1F;
	[tilespmem:s5+$0xE1B0] =	vst v2;
	v2 =	vadd.f32 v5, v3  }
0xa5: {  	s25 =	sadd.s32 s6, s7;
	s7 =	smul.u32 @!p1 $0xC80, s21;
	[tilespmem:s5+$0xE1C0] =	vst v1;
	v0 =	vadd.f32 v7, v0  }
0xa6: {  	[tilespmem:s5+$0xE1D0] =	vst v2  }
0xa7: {  	s23 =	sshra.s32 @!p1 s7, $0x2;
	[tilespmem:s5+$0xE1E0] =	vst v0  }
0xa8: {  	[hbm4b:s25+s29] =	stream.strided.scatter [tilespmem:s31], [sflag:$0x5], $0x1900, s30, s29, $0x38;
	[tilespmem:$0x14500] =	vst v63  }
0xa9: {  	s8 =	simm.s32 @!p1 $0x7D00;
	s7 =	simm.s32 @!p1 $0x68;
	s5 =	sadd.s32 @!p1 $0x320, s23  }
0xaa: {  	[tilespmem:s8], [sflag:$0x1] =	stream.indirect.gather @!p1 [hbm4b:s4+s7], $0x20, s5, s7, $0xb8;
	[tilespmem:$0x14500] =	vst v63  }
0xab: {  	s5 =	sadd.s32 @!p1 $0x388, s23;
	s7 =	simm.s32 @!p1 $0x60;
	s8 =	simm.s32 @!p1 $0x8A00  }
0xac: {  	[tilespmem:s8], [sflag:$0x1] =	stream.indirect.gather @!p1 [hbm4b:s4+s7], $0x20, s5, s7, $0xb8;
	[tilespmem:$0x14500] =	vst v63  }
0xad: {  	_ =	swait.ge [sflag:s0], $0xD00  }
0xae: {  	[sflag:s0] =	ssyncset.done $0x0  }
0xaf: {  	[sflag:s0] =	ssyncadd.s32 $0xFFFFF300  }
0xb0: {  	_ =	swait.ge [sflag:s0], $0xC00  }
0xb1: {  	[sflag:s0] =	ssyncset.done $0x0  }
0xb2: {  	s5 =	simm.s32 @!p0 $0x6;
	[sflag:s0] =	ssyncadd.s32 $0xFFFFF400  }
0xb3: {  	_ =	swait.ge @!p0 [sflag:s5], $0x1900  }
0xb4: {  	[sflag:s5] =	ssyncset.done @!p0 $0x0  }
0xb5: {  	s25 =	simm.s32 $0x0;
	[sflag:s5] =	ssyncadd.s32 @!p0 $0xFFFFE700  }
0xb6: {  	v0 =	vld [tilespmem:s25+$0x96F0]  }
0xb7: {  	v1 =	vld [tilespmem:s25+$0x64F0]  }
0xb8: {  	v2 =	vld [tilespmem:s25+$0x9600]  }
0xb9: {  	v3 =	vld [tilespmem:s25+$0x6400]  }
0xba: {  	v4 =	vld [tilespmem:s25+$0x9610]  }
0xbb: {  	v5 =	vld [tilespmem:s25+$0x6410]  }
0xbc: {  	v6 =	vld [tilespmem:s25+$0x9620]  }
0xbd: {  	v7 =	vld [tilespmem:s25+$0x9630]  }
0xbe: {  	v0 =	vadd.f32 v1, v0;
	v1 =	vld [tilespmem:s25+$0x6420]  }
0xbf: {  	v2 =	vadd.f32 v3, v2;
	v3 =	vld [tilespmem:s25+$0x9640]  }
0xc0: {  	[tilespmem:s25+$0xFAF0] =	vst v0;
	v0 =	vld [tilespmem:s25+$0x6430]  }
0xc1: {  	[tilespmem:s25+$0xFA00] =	vst v2;
	v2 =	vadd.f32 v5, v4;
	v4 =	vld [tilespmem:s25+$0x6440]  }
0xc2: {  	v5 =	vld [tilespmem:s25+$0x6450]  }
0xc3: {  	[tilespmem:s25+$0xFA10] =	vst v2;
	v2 =	vld [tilespmem:s25+$0x9650];
	v1 =	vadd.f32 v1, v6  }
0xc4: {  	v6 =	vld [tilespmem:s25+$0x6460]  }
0xc5: {  	[tilespmem:s25+$0xFA20] =	vst v1;
	v0 =	vadd.f32 v0, v7;
	v1 =	vld [tilespmem:s25+$0x9660]  }
0xc6: {  	v7 =	vld [tilespmem:s25+$0x64B0]  }
0xc7: {  	[tilespmem:s25+$0xFA30] =	vst v0;
	v0 =	vadd.f32 v4, v3;
	v3 =	vld [tilespmem:s25+$0x9670]  }
0xc8: {  	v4 =	vld [tilespmem:s25+$0x6470]  }
0xc9: {  	[tilespmem:s25+$0xFA40] =	vst v0;
	v0 =	vadd.f32 v5, v2;
	v2 =	vld [tilespmem:s25+$0x9680]  }
0xca: {  	v5 =	vld [tilespmem:s25+$0x6480]  }
0xcb: {  	[tilespmem:s25+$0xFA50] =	vst v0;
	v0 =	vadd.f32 v6, v1;
	v1 =	vld [tilespmem:s25+$0x9690]  }
0xcc: {  	v6 =	vld [tilespmem:s25+$0x6490]  }
0xcd: {  	[tilespmem:s25+$0xFA60] =	vst v0;
	v0 =	vadd.f32 v4, v3;
	v3 =	vld [tilespmem:s25+$0x96A0]  }
0xce: {  	v4 =	vld [tilespmem:s25+$0x64A0]  }
0xcf: {  	[tilespmem:s25+$0xFA70] =	vst v0;
	v0 =	vadd.f32 v5, v2;
	v5 =	vld [tilespmem:s25+$0x96B0]  }
0xd0: {  	v8 =	vld [tilespmem:s25+$0x64C0]  }
0xd1: {  	[tilespmem:s25+$0xFA80] =	vst v0;
	v0 =	vadd.f32 v6, v1;
	v6 =	vld [tilespmem:s25+$0x96C0]  }
0xd2: {  	v2 =	vld [tilespmem:s25+$0x96D0]  }
0xd3: {  	[tilespmem:s25+$0xFA90] =	vst v0;
	v0 =	vadd.f32 v4, v3;
	v3 =	vld [tilespmem:s25+$0x64D0]  }
0xd4: {  	v4 =	vld [tilespmem:s25+$0x64E0];
	v5 =	vadd.f32 v7, v5  }
0xd5: {  	s7 =	simm.s32 $0x100;
	[tilespmem:s25+$0xFAA0] =	vst v0;
	v0 =	vld [tilespmem:s25+$0x96E0]  }
0xd6: {  	s8 =	simm.s32 $0x800;
	s5 =	sor.u32 $0x1, s22;
	v1 =	vld [tilespmem:s7+$0x96F0];
	[tilespmem:s25+$0xFAB0] =	vst v5;
	v5 =	vadd.f32 v8, v6  }
.LBB2_5:
0xd7: {  	p2 =	sne.s32 s8, $0x6000;
	v6 =	vld [tilespmem:s7+$0x64F0]  }
0xd8: {  	v7 =	vld [tilespmem:s7+$0x9600];
	[tilespmem:s25+$0xFAC0] =	vst v5;
	v2 =	vadd.f32 v3, v2  }
0xd9: {  	v3 =	vld [tilespmem:s7+$0x6400]  }
0xda: {  	v5 =	vld [tilespmem:s7+$0x9610];
	[tilespmem:s25+$0xFAD0] =	vst v2;
	v0 =	vadd.f32 v4, v0  }
0xdb: {  	v2 =	vld [tilespmem:s7+$0x6410]  }
0xdc: {  	v4 =	vld [tilespmem:s7+$0x9620];
	v1 =	vadd.f32 v6, v1;
	[tilespmem:s25+$0xFAE0] =	vst v0;
	s25 =	smov.u32 s7  }
0xdd: {  	v0 =	vld [tilespmem:s25+$0x6420]  }
0xde: {  	v3 =	vadd.f32 v3, v7;
	v6 =	vld [tilespmem:s25+$0x9630];
	[tilespmem:s25+$0xFAF0] =	vst v1  }
0xdf: {  	v1 =	vld [tilespmem:s25+$0x6430]  }
0xe0: {  	[tilespmem:s25+$0xFA00] =	vst v3;
	v2 =	vadd.f32 v2, v5;
	v3 =	vld [tilespmem:s25+$0x9640]  }
0xe1: {  	v5 =	vld [tilespmem:s25+$0x6440]  }
0xe2: {  	[tilespmem:s25+$0xFA10] =	vst v2;
	v0 =	vadd.f32 v0, v4;
	v2 =	vld [tilespmem:s25+$0x9650]  }
0xe3: {  	v4 =	vld [tilespmem:s25+$0x6450]  }
0xe4: {  	[tilespmem:s25+$0xFA20] =	vst v0;
	v0 =	vadd.f32 v1, v6;
	v1 =	vld [tilespmem:s25+$0x9660]  }
0xe5: {  	v6 =	vld [tilespmem:s25+$0x6460]  }
0xe6: {  	[tilespmem:s25+$0xFA30] =	vst v0;
	v0 =	vadd.f32 v5, v3;
	v3 =	vld [tilespmem:s25+$0x9670]  }
0xe7: {  	v5 =	vld [tilespmem:s25+$0x6470]  }
0xe8: {  	[tilespmem:s25+$0xFA40] =	vst v0;
	v0 =	vadd.f32 v4, v2;
	v2 =	vld [tilespmem:s25+$0x9680]  }
0xe9: {  	v4 =	vld [tilespmem:s25+$0x6480]  }
0xea: {  	[tilespmem:s25+$0xFA50] =	vst v0;
	v0 =	vadd.f32 v6, v1;
	v1 =	vld [tilespmem:s25+$0x9690]  }
0xeb: {  	v6 =	vld [tilespmem:s25+$0x6490]  }
0xec: {  	[tilespmem:s25+$0xFA60] =	vst v0;
	v0 =	vadd.f32 v5, v3;
	v3 =	vld [tilespmem:s25+$0x96A0]  }
0xed: {  	v5 =	vld [tilespmem:s25+$0x64A0]  }
0xee: {  	[tilespmem:s25+$0xFA70] =	vst v0;
	v0 =	vadd.f32 v4, v2;
	v4 =	vld [tilespmem:s25+$0x96B0]  }
0xef: {  	v7 =	vld [tilespmem:s25+$0x64B0]  }
0xf0: {  	[tilespmem:s25+$0xFA80] =	vst v0;
	v0 =	vadd.f32 v6, v1;
	v6 =	vld [tilespmem:s25+$0x96C0]  }
0xf1: {  	v8 =	vld [tilespmem:s25+$0x64C0]  }
.Ltmp3:
0xf2: {  	[tilespmem:s25+$0xFA90] =	vst v0;
	v0 =	vadd.f32 v5, v3;
	v2 =	vld [tilespmem:s25+$0x96D0];
	(pc) =	sbr.rel @p2 .LBB2_5-.Ltmp3, $4  }
0xf3: {  	v3 =	vld [tilespmem:s25+$0x64D0]  }
0xf4: {  	[tilespmem:s25+$0xFAA0] =	vst v0;
	v5 =	vadd.f32 v7, v4;
	v0 =	vld [tilespmem:s25+$0x96E0]  }
0xf5: {  	s7 =	sshra.s32 s8, $0x2;
	v4 =	vld [tilespmem:s25+$0x64E0]  }
0xf6: {  	s8 =	sadd.s32 $0x400, s8;
	v1 =	vld [tilespmem:s7+$0x96F0];
	[tilespmem:s25+$0xFAB0] =	vst v5;
	v5 =	vadd.f32 v8, v6  }
0xf7: {  	v6 =	vld [tilespmem:s7+$0x64F0]  }
0xf8: {  	v7 =	vld [tilespmem:s7+$0x9600];
	[tilespmem:s25+$0xFAC0] =	vst v5;
	v2 =	vadd.f32 v3, v2  }
0xf9: {  	v3 =	vld [tilespmem:s7+$0x6400]  }
0xfa: {  	v5 =	vld [tilespmem:s7+$0x9610];
	[tilespmem:s25+$0xFAD0] =	vst v2;
	v0 =	vadd.f32 v4, v0  }
0xfb: {  	v2 =	vld [tilespmem:s7+$0x6410]  }
0xfc: {  	v4 =	vld [tilespmem:s7+$0x9620];
	[tilespmem:s25+$0xFAE0] =	vst v0  }
0xfd: {  	v0 =	vadd.f32 v6, v1;
	v1 =	vld [tilespmem:s7+$0x6420]  }
0xfe: {  	v6 =	vld [tilespmem:s7+$0x9630]  }
0xff: {  	v3 =	vadd.f32 v3, v7;
	[tilespmem:s7+$0xFAF0] =	vst v0;
	v0 =	vld [tilespmem:s7+$0x6430]  }
0x100: {  	v7 =	vld [tilespmem:s7+$0x64E0]  }
0x101: {  	[tilespmem:s7+$0xFA00] =	vst v3;
	v2 =	vadd.f32 v2, v5;
	v3 =	vld [tilespmem:s7+$0x9640]  }
0x102: {  	v5 =	vld [tilespmem:s7+$0x6440]  }
0x103: {  	[tilespmem:s7+$0xFA10] =	vst v2;
	v2 =	vld [tilespmem:s7+$0x9650]  }
0x104: {  	v1 =	vadd.f32 v1, v4;
	v4 =	vld [tilespmem:s7+$0x6450]  }
0x105: {  	v0 =	vadd.f32 v0, v6;
	v6 =	vld [tilespmem:s7+$0x6460]  }
0x106: {  	[tilespmem:s7+$0xFA20] =	vst v1;
	v1 =	vld [tilespmem:s7+$0x9660]  }
0x107: {  	[tilespmem:s7+$0xFA30] =	vst v0;
	v0 =	vadd.f32 v5, v3;
	v3 =	vld [tilespmem:s7+$0x9670]  }
0x108: {  	v5 =	vld [tilespmem:s7+$0x6470]  }
0x109: {  	[tilespmem:s7+$0xFA40] =	vst v0;
	v0 =	vadd.f32 v4, v2;
	v2 =	vld [tilespmem:s7+$0x9680]  }
0x10a: {  	v4 =	vld [tilespmem:s7+$0x6480]  }
0x10b: {  	[tilespmem:s7+$0xFA50] =	vst v0;
	v0 =	vadd.f32 v6, v1;
	v1 =	vld [tilespmem:s7+$0x9690]  }
0x10c: {  	v6 =	vld [tilespmem:s7+$0x6490]  }
0x10d: {  	[tilespmem:s7+$0xFA60] =	vst v0;
	v0 =	vadd.f32 v5, v3;
	v3 =	vld [tilespmem:s7+$0x96A0]  }
0x10e: {  	v5 =	vld [tilespmem:s7+$0x64A0]  }
0x10f: {  	[tilespmem:s7+$0xFA70] =	vst v0;
	v0 =	vadd.f32 v4, v2;
	v2 =	vld [tilespmem:s7+$0x96B0]  }
0x110: {  	v4 =	vld [tilespmem:s7+$0x64B0]  }
0x111: {  	[tilespmem:s7+$0xFA80] =	vst v0;
	v0 =	vadd.f32 v6, v1;
	v1 =	vld [tilespmem:s7+$0x96C0]  }
0x112: {  	v6 =	vld [tilespmem:s7+$0x64C0]  }
0x113: {  	[tilespmem:s7+$0xFA90] =	vst v0;
	v0 =	vadd.f32 v5, v3;
	v3 =	vld [tilespmem:s7+$0x96D0]  }
0x114: {  	v5 =	vld [tilespmem:s7+$0x64D0]  }
0x115: {  	[tilespmem:s7+$0xFAA0] =	vst v0;
	v0 =	vld [tilespmem:s7+$0x96E0];
	_ =	sdelay $0x1  }
0x116: {  	v2 =	vadd.f32 v4, v2  }
0x117: {  	v1 =	vadd.f32 v6, v1  }
0x118: {  	s5 =	sadd.s32 s3, s5;
	[tilespmem:s7+$0xFAB0] =	vst v2;
	v2 =	vadd.f32 v5, v3  }
0x119: {  	s5 =	smul.u32 $0xC80, s5;
	[tilespmem:s7+$0xFAC0] =	vst v1;
	v0 =	vadd.f32 v7, v0  }
0x11a: {  	[tilespmem:s7+$0xFAD0] =	vst v2  }
0x11b: {  	s5 =	sadd.s32 s6, s5;
	[tilespmem:s7+$0xFAE0] =	vst v0  }
0x11c: {  	[hbm4b:s5+s29] =	stream.strided.scatter [tilespmem:s1], [sflag:$0x6], $0x1900, s30, s29, $0x38;
	[tilespmem:$0x14500] =	vst v63  }
0x11d: {  	s8 =	simm.s32 @!p1 $0x9600;
	s7 =	simm.s32 @!p1 $0x68;
	s5 =	sadd.s32 @!p1 $0x3E8, s23  }
0x11e: {  	[tilespmem:s8], [sflag:$0x2] =	stream.indirect.gather @!p1 [hbm4b:s4+s7], $0x20, s5, s7, $0xb8;
	[tilespmem:$0x14500] =	vst v63  }
0x11f: {  	s5 =	sadd.s32 @!p1 $0x450, s23;
	s7 =	simm.s32 @!p1 $0x60;
	s8 =	simm.s32 @!p1 $0xA300  }
0x120: {  	[tilespmem:s8], [sflag:$0x2] =	stream.indirect.gather @!p1 [hbm4b:s4+s7], $0x20, s5, s7, $0xb8;
	[tilespmem:$0x14500] =	vst v63  }
0x121: {  	_ =	swait.ge [sflag:s10], $0xD00  }
0x122: {  	[sflag:s10] =	ssyncset.done $0x0  }
0x123: {  	[sflag:s10] =	ssyncadd.s32 $0xFFFFF300  }
0x124: {  	_ =	swait.ge [sflag:s10], $0xC00  }
0x125: {  	[sflag:s10] =	ssyncset.done $0x0  }
0x126: {  	s5 =	simm.s32 @!p0 $0x7;
	[sflag:s10] =	ssyncadd.s32 $0xFFFFF400  }
0x127: {  	_ =	swait.ge @!p0 [sflag:s5], $0x1900  }
0x128: {  	[sflag:s5] =	ssyncset.done @!p0 $0x0  }
0x129: {  	s25 =	simm.s32 $0x0;
	[sflag:s5] =	ssyncadd.s32 @!p0 $0xFFFFE700  }
0x12a: {  	v0 =	vld [tilespmem:s25+$0xAFF0]  }
0x12b: {  	v1 =	vld [tilespmem:s25+$0x64F0]  }
0x12c: {  	v2 =	vld [tilespmem:s25+$0xAF00]  }
0x12d: {  	v3 =	vld [tilespmem:s25+$0x6400]  }
0x12e: {  	v4 =	vld [tilespmem:s25+$0xAF10]  }
0x12f: {  	v5 =	vld [tilespmem:s25+$0x6410]  }
0x130: {  	v6 =	vld [tilespmem:s25+$0xAF20]  }
0x131: {  	v7 =	vld [tilespmem:s25+$0xAF30]  }
0x132: {  	v0 =	vadd.f32 v1, v0;
	v1 =	vld [tilespmem:s25+$0x6420]  }
0x133: {  	v2 =	vadd.f32 v3, v2;
	v3 =	vld [tilespmem:s25+$0xAF40]  }
0x134: {  	[tilespmem:s25+$0x113F0] =	vst v0;
	v0 =	vld [tilespmem:s25+$0x6430]  }
0x135: {  	[tilespmem:s25+$0x11300] =	vst v2;
	v2 =	vadd.f32 v5, v4;
	v4 =	vld [tilespmem:s25+$0x6440]  }
0x136: {  	v5 =	vld [tilespmem:s25+$0x6450]  }
0x137: {  	[tilespmem:s25+$0x11310] =	vst v2;
	v2 =	vld [tilespmem:s25+$0xAF50];
	v1 =	vadd.f32 v1, v6  }
0x138: {  	v6 =	vld [tilespmem:s25+$0x6460]  }
0x139: {  	[tilespmem:s25+$0x11320] =	vst v1;
	v0 =	vadd.f32 v0, v7;
	v1 =	vld [tilespmem:s25+$0xAF60]  }
0x13a: {  	v7 =	vld [tilespmem:s25+$0x64B0]  }
0x13b: {  	[tilespmem:s25+$0x11330] =	vst v0;
	v0 =	vadd.f32 v4, v3;
	v3 =	vld [tilespmem:s25+$0xAF70]  }
0x13c: {  	v4 =	vld [tilespmem:s25+$0x6470]  }
0x13d: {  	[tilespmem:s25+$0x11340] =	vst v0;
	v0 =	vadd.f32 v5, v2;
	v2 =	vld [tilespmem:s25+$0xAF80]  }
0x13e: {  	v5 =	vld [tilespmem:s25+$0x6480]  }
0x13f: {  	[tilespmem:s25+$0x11350] =	vst v0;
	v0 =	vadd.f32 v6, v1;
	v1 =	vld [tilespmem:s25+$0xAF90]  }
0x140: {  	v6 =	vld [tilespmem:s25+$0x6490]  }
0x141: {  	[tilespmem:s25+$0x11360] =	vst v0;
	v0 =	vadd.f32 v4, v3;
	v3 =	vld [tilespmem:s25+$0xAFA0]  }
0x142: {  	v4 =	vld [tilespmem:s25+$0x64A0]  }
0x143: {  	[tilespmem:s25+$0x11370] =	vst v0;
	v0 =	vadd.f32 v5, v2;
	v5 =	vld [tilespmem:s25+$0xAFB0]  }
0x144: {  	v8 =	vld [tilespmem:s25+$0x64C0]  }
0x145: {  	[tilespmem:s25+$0x11380] =	vst v0;
	v0 =	vadd.f32 v6, v1;
	v6 =	vld [tilespmem:s25+$0xAFC0]  }
0x146: {  	v2 =	vld [tilespmem:s25+$0xAFD0]  }
0x147: {  	[tilespmem:s25+$0x11390] =	vst v0;
	v0 =	vadd.f32 v4, v3;
	v3 =	vld [tilespmem:s25+$0x64D0]  }
0x148: {  	v4 =	vld [tilespmem:s25+$0x64E0];
	v5 =	vadd.f32 v7, v5  }
0x149: {  	s7 =	simm.s32 $0x100;
	[tilespmem:s25+$0x113A0] =	vst v0;
	v0 =	vld [tilespmem:s25+$0xAFE0]  }
0x14a: {  	s8 =	simm.s32 $0x800;
	s5 =	sor.u32 $0x2, s22;
	v1 =	vld [tilespmem:s7+$0xAFF0];
	[tilespmem:s25+$0x113B0] =	vst v5;
	v5 =	vadd.f32 v8, v6  }
.LBB2_7:
0x14b: {  	p2 =	sne.s32 s8, $0x6000;
	v6 =	vld [tilespmem:s7+$0x64F0]  }
0x14c: {  	v7 =	vld [tilespmem:s7+$0xAF00];
	[tilespmem:s25+$0x113C0] =	vst v5;
	v2 =	vadd.f32 v3, v2  }
0x14d: {  	v3 =	vld [tilespmem:s7+$0x6400]  }
0x14e: {  	v5 =	vld [tilespmem:s7+$0xAF10];
	[tilespmem:s25+$0x113D0] =	vst v2;
	v0 =	vadd.f32 v4, v0  }
0x14f: {  	v2 =	vld [tilespmem:s7+$0x6410]  }
0x150: {  	v4 =	vld [tilespmem:s7+$0xAF20];
	v1 =	vadd.f32 v6, v1;
	[tilespmem:s25+$0x113E0] =	vst v0;
	s25 =	smov.u32 s7  }
0x151: {  	v0 =	vld [tilespmem:s25+$0x6420]  }
0x152: {  	v3 =	vadd.f32 v3, v7;
	v6 =	vld [tilespmem:s25+$0xAF30];
	[tilespmem:s25+$0x113F0] =	vst v1  }
0x153: {  	v1 =	vld [tilespmem:s25+$0x6430]  }
0x154: {  	[tilespmem:s25+$0x11300] =	vst v3;
	v2 =	vadd.f32 v2, v5;
	v3 =	vld [tilespmem:s25+$0xAF40]  }
0x155: {  	v5 =	vld [tilespmem:s25+$0x6440]  }
0x156: {  	[tilespmem:s25+$0x11310] =	vst v2;
	v0 =	vadd.f32 v0, v4;
	v2 =	vld [tilespmem:s25+$0xAF50]  }
0x157: {  	v4 =	vld [tilespmem:s25+$0x6450]  }
0x158: {  	[tilespmem:s25+$0x11320] =	vst v0;
	v0 =	vadd.f32 v1, v6;
	v1 =	vld [tilespmem:s25+$0xAF60]  }
0x159: {  	v6 =	vld [tilespmem:s25+$0x6460]  }
0x15a: {  	[tilespmem:s25+$0x11330] =	vst v0;
	v0 =	vadd.f32 v5, v3;
	v3 =	vld [tilespmem:s25+$0xAF70]  }
0x15b: {  	v5 =	vld [tilespmem:s25+$0x6470]  }
0x15c: {  	[tilespmem:s25+$0x11340] =	vst v0;
	v0 =	vadd.f32 v4, v2;
	v2 =	vld [tilespmem:s25+$0xAF80]  }
0x15d: {  	v4 =	vld [tilespmem:s25+$0x6480]  }
0x15e: {  	[tilespmem:s25+$0x11350] =	vst v0;
	v0 =	vadd.f32 v6, v1;
	v1 =	vld [tilespmem:s25+$0xAF90]  }
0x15f: {  	v6 =	vld [tilespmem:s25+$0x6490]  }
0x160: {  	[tilespmem:s25+$0x11360] =	vst v0;
	v0 =	vadd.f32 v5, v3;
	v3 =	vld [tilespmem:s25+$0xAFA0]  }
0x161: {  	v5 =	vld [tilespmem:s25+$0x64A0]  }
0x162: {  	[tilespmem:s25+$0x11370] =	vst v0;
	v0 =	vadd.f32 v4, v2;
	v4 =	vld [tilespmem:s25+$0xAFB0]  }
0x163: {  	v7 =	vld [tilespmem:s25+$0x64B0]  }
0x164: {  	[tilespmem:s25+$0x11380] =	vst v0;
	v0 =	vadd.f32 v6, v1;
	v6 =	vld [tilespmem:s25+$0xAFC0]  }
0x165: {  	v8 =	vld [tilespmem:s25+$0x64C0]  }
.Ltmp4:
0x166: {  	[tilespmem:s25+$0x11390] =	vst v0;
	v0 =	vadd.f32 v5, v3;
	v2 =	vld [tilespmem:s25+$0xAFD0];
	(pc) =	sbr.rel @p2 .LBB2_7-.Ltmp4, $4  }
0x167: {  	v3 =	vld [tilespmem:s25+$0x64D0]  }
0x168: {  	[tilespmem:s25+$0x113A0] =	vst v0;
	v5 =	vadd.f32 v7, v4;
	v0 =	vld [tilespmem:s25+$0xAFE0]  }
0x169: {  	s7 =	sshra.s32 s8, $0x2;
	v4 =	vld [tilespmem:s25+$0x64E0]  }
0x16a: {  	s8 =	sadd.s32 $0x400, s8;
	v1 =	vld [tilespmem:s7+$0xAFF0];
	[tilespmem:s25+$0x113B0] =	vst v5;
	v5 =	vadd.f32 v8, v6  }
0x16b: {  	v6 =	vld [tilespmem:s7+$0x64F0]  }
0x16c: {  	v7 =	vld [tilespmem:s7+$0xAF00];
	[tilespmem:s25+$0x113C0] =	vst v5;
	v2 =	vadd.f32 v3, v2  }
0x16d: {  	v3 =	vld [tilespmem:s7+$0x6400]  }
0x16e: {  	v5 =	vld [tilespmem:s7+$0xAF10];
	[tilespmem:s25+$0x113D0] =	vst v2;
	v0 =	vadd.f32 v4, v0  }
0x16f: {  	v2 =	vld [tilespmem:s7+$0x6410]  }
0x170: {  	v4 =	vld [tilespmem:s7+$0xAF20];
	[tilespmem:s25+$0x113E0] =	vst v0  }
0x171: {  	v0 =	vadd.f32 v6, v1;
	v1 =	vld [tilespmem:s7+$0x6420]  }
0x172: {  	v6 =	vld [tilespmem:s7+$0xAF30]  }
0x173: {  	v3 =	vadd.f32 v3, v7;
	[tilespmem:s7+$0x113F0] =	vst v0;
	v0 =	vld [tilespmem:s7+$0x6430]  }
0x174: {  	v7 =	vld [tilespmem:s7+$0x64E0]  }
0x175: {  	[tilespmem:s7+$0x11300] =	vst v3;
	v2 =	vadd.f32 v2, v5;
	v3 =	vld [tilespmem:s7+$0xAF40]  }
0x176: {  	v5 =	vld [tilespmem:s7+$0x6440]  }
0x177: {  	[tilespmem:s7+$0x11310] =	vst v2;
	v2 =	vld [tilespmem:s7+$0xAF50]  }
0x178: {  	v1 =	vadd.f32 v1, v4;
	v4 =	vld [tilespmem:s7+$0x6450]  }
0x179: {  	v0 =	vadd.f32 v0, v6;
	v6 =	vld [tilespmem:s7+$0x6460]  }
0x17a: {  	[tilespmem:s7+$0x11320] =	vst v1;
	v1 =	vld [tilespmem:s7+$0xAF60]  }
0x17b: {  	[tilespmem:s7+$0x11330] =	vst v0;
	v0 =	vadd.f32 v5, v3;
	v3 =	vld [tilespmem:s7+$0xAF70]  }
0x17c: {  	v5 =	vld [tilespmem:s7+$0x6470]  }
0x17d: {  	[tilespmem:s7+$0x11340] =	vst v0;
	v0 =	vadd.f32 v4, v2;
	v2 =	vld [tilespmem:s7+$0xAF80]  }
0x17e: {  	v4 =	vld [tilespmem:s7+$0x6480]  }
0x17f: {  	[tilespmem:s7+$0x11350] =	vst v0;
	v0 =	vadd.f32 v6, v1;
	v1 =	vld [tilespmem:s7+$0xAF90]  }
0x180: {  	v6 =	vld [tilespmem:s7+$0x6490]  }
0x181: {  	[tilespmem:s7+$0x11360] =	vst v0;
	v0 =	vadd.f32 v5, v3;
	v3 =	vld [tilespmem:s7+$0xAFA0]  }
0x182: {  	v5 =	vld [tilespmem:s7+$0x64A0]  }
0x183: {  	[tilespmem:s7+$0x11370] =	vst v0;
	v0 =	vadd.f32 v4, v2;
	v2 =	vld [tilespmem:s7+$0xAFB0]  }
0x184: {  	v4 =	vld [tilespmem:s7+$0x64B0]  }
0x185: {  	[tilespmem:s7+$0x11380] =	vst v0;
	v0 =	vadd.f32 v6, v1;
	v1 =	vld [tilespmem:s7+$0xAFC0]  }
0x186: {  	v6 =	vld [tilespmem:s7+$0x64C0]  }
0x187: {  	[tilespmem:s7+$0x11390] =	vst v0;
	v0 =	vadd.f32 v5, v3;
	v3 =	vld [tilespmem:s7+$0xAFD0]  }
0x188: {  	v5 =	vld [tilespmem:s7+$0x64D0]  }
0x189: {  	[tilespmem:s7+$0x113A0] =	vst v0;
	v0 =	vld [tilespmem:s7+$0xAFE0];
	_ =	sdelay $0x1  }
0x18a: {  	v2 =	vadd.f32 v4, v2  }
0x18b: {  	v1 =	vadd.f32 v6, v1  }
0x18c: {  	s5 =	sadd.s32 s3, s5;
	[tilespmem:s7+$0x113B0] =	vst v2;
	v2 =	vadd.f32 v5, v3  }
0x18d: {  	s5 =	smul.u32 $0xC80, s5;
	[tilespmem:s7+$0x113C0] =	vst v1;
	v0 =	vadd.f32 v7, v0  }
0x18e: {  	[tilespmem:s7+$0x113D0] =	vst v2  }
0x18f: {  	s5 =	sadd.s32 s6, s5;
	[tilespmem:s7+$0x113E0] =	vst v0  }
0x190: {  	[hbm4b:s5+s29] =	stream.strided.scatter [tilespmem:s12], [sflag:$0x7], $0x1900, s30, s29, $0x38;
	[tilespmem:$0x14500] =	vst v63  }
0x191: {  	s8 =	simm.s32 @!p1 $0xAF00;
	s7 =	simm.s32 @!p1 $0x68;
	s5 =	sadd.s32 @!p1 $0x4B0, s23  }
0x192: {  	[tilespmem:s8], [sflag:$0x3] =	stream.indirect.gather @!p1 [hbm4b:s4+s7], $0x20, s5, s7, $0xb8;
	[tilespmem:$0x14500] =	vst v63  }
0x193: {  	s5 =	sadd.s32 @!p1 $0x518, s23;
	s7 =	simm.s32 @!p1 $0x60;
	s8 =	simm.s32 @!p1 $0xBC00  }
0x194: {  	[tilespmem:s8], [sflag:$0x3] =	stream.indirect.gather @!p1 [hbm4b:s4+s7], $0x20, s5, s7, $0xb8;
	[tilespmem:$0x14500] =	vst v63  }
0x195: {  	_ =	swait.ge [sflag:s14], $0xD00  }
0x196: {  	[sflag:s14] =	ssyncset.done $0x0  }
0x197: {  	[sflag:s14] =	ssyncadd.s32 $0xFFFFF300  }
0x198: {  	_ =	swait.ge [sflag:s14], $0xC00  }
0x199: {  	[sflag:s14] =	ssyncset.done $0x0  }
0x19a: {  	s5 =	simm.s32 @!p0 $0x8;
	[sflag:s14] =	ssyncadd.s32 $0xFFFFF400  }
0x19b: {  	_ =	swait.ge @!p0 [sflag:s5], $0x1900  }
0x19c: {  	[sflag:s5] =	ssyncset.done @!p0 $0x0  }
0x19d: {  	s23 =	simm.s32 $0x0;
	[sflag:s5] =	ssyncadd.s32 @!p0 $0xFFFFE700  }
0x19e: {  	v0 =	vld [tilespmem:s23+$0xC8F0]  }
0x19f: {  	v1 =	vld [tilespmem:s23+$0x64F0]  }
0x1a0: {  	v2 =	vld [tilespmem:s23+$0xC800]  }
0x1a1: {  	v3 =	vld [tilespmem:s23+$0x6400]  }
0x1a2: {  	v4 =	vld [tilespmem:s23+$0xC810]  }
0x1a3: {  	v5 =	vld [tilespmem:s23+$0x6410]  }
0x1a4: {  	v6 =	vld [tilespmem:s23+$0xC820]  }
0x1a5: {  	v7 =	vld [tilespmem:s23+$0xC830]  }
0x1a6: {  	v0 =	vadd.f32 v1, v0;
	v1 =	vld [tilespmem:s23+$0x6420]  }
0x1a7: {  	v2 =	vadd.f32 v3, v2;
	v3 =	vld [tilespmem:s23+$0xC840]  }
0x1a8: {  	[tilespmem:s23+$0x12CF0] =	vst v0;
	v0 =	vld [tilespmem:s23+$0x6430]  }
0x1a9: {  	[tilespmem:s23+$0x12C00] =	vst v2;
	v2 =	vadd.f32 v5, v4;
	v4 =	vld [tilespmem:s23+$0x6440]  }
0x1aa: {  	v5 =	vld [tilespmem:s23+$0x6450]  }
0x1ab: {  	[tilespmem:s23+$0x12C10] =	vst v2;
	v2 =	vld [tilespmem:s23+$0xC850];
	v1 =	vadd.f32 v1, v6  }
0x1ac: {  	v6 =	vld [tilespmem:s23+$0x6460]  }
0x1ad: {  	[tilespmem:s23+$0x12C20] =	vst v1;
	v0 =	vadd.f32 v0, v7;
	v1 =	vld [tilespmem:s23+$0xC860]  }
0x1ae: {  	v7 =	vld [tilespmem:s23+$0x64B0]  }
0x1af: {  	[tilespmem:s23+$0x12C30] =	vst v0;
	v0 =	vadd.f32 v4, v3;
	v3 =	vld [tilespmem:s23+$0xC870]  }
0x1b0: {  	v4 =	vld [tilespmem:s23+$0x6470]  }
0x1b1: {  	[tilespmem:s23+$0x12C40] =	vst v0;
	v0 =	vadd.f32 v5, v2;
	v2 =	vld [tilespmem:s23+$0xC880]  }
0x1b2: {  	v5 =	vld [tilespmem:s23+$0x6480]  }
0x1b3: {  	[tilespmem:s23+$0x12C50] =	vst v0;
	v0 =	vadd.f32 v6, v1;
	v1 =	vld [tilespmem:s23+$0xC890]  }
0x1b4: {  	v6 =	vld [tilespmem:s23+$0x6490]  }
0x1b5: {  	[tilespmem:s23+$0x12C60] =	vst v0;
	v0 =	vadd.f32 v4, v3;
	v3 =	vld [tilespmem:s23+$0xC8A0]  }
0x1b6: {  	v4 =	vld [tilespmem:s23+$0x64A0]  }
0x1b7: {  	[tilespmem:s23+$0x12C70] =	vst v0;
	v0 =	vadd.f32 v5, v2;
	v5 =	vld [tilespmem:s23+$0xC8B0]  }
0x1b8: {  	v8 =	vld [tilespmem:s23+$0x64C0]  }
0x1b9: {  	[tilespmem:s23+$0x12C80] =	vst v0;
	v0 =	vadd.f32 v6, v1;
	v6 =	vld [tilespmem:s23+$0xC8C0]  }
0x1ba: {  	v2 =	vld [tilespmem:s23+$0xC8D0]  }
0x1bb: {  	[tilespmem:s23+$0x12C90] =	vst v0;
	v0 =	vadd.f32 v4, v3;
	v3 =	vld [tilespmem:s23+$0x64D0]  }
0x1bc: {  	v4 =	vld [tilespmem:s23+$0x64E0];
	v5 =	vadd.f32 v7, v5  }
0x1bd: {  	s7 =	simm.s32 $0x100;
	[tilespmem:s23+$0x12CA0] =	vst v0;
	v0 =	vld [tilespmem:s23+$0xC8E0]  }
0x1be: {  	s8 =	simm.s32 $0x800;
	s5 =	sor.u32 $0x3, s22;
	v1 =	vld [tilespmem:s7+$0xC8F0];
	[tilespmem:s23+$0x12CB0] =	vst v5;
	v5 =	vadd.f32 v8, v6  }
.LBB2_9:
0x1bf: {  	p0 =	sne.s32 s8, $0x6000;
	v6 =	vld [tilespmem:s7+$0x64F0]  }
0x1c0: {  	v7 =	vld [tilespmem:s7+$0xC800];
	[tilespmem:s23+$0x12CC0] =	vst v5;
	v2 =	vadd.f32 v3, v2  }
0x1c1: {  	v3 =	vld [tilespmem:s7+$0x6400]  }
0x1c2: {  	v5 =	vld [tilespmem:s7+$0xC810];
	[tilespmem:s23+$0x12CD0] =	vst v2;
	v0 =	vadd.f32 v4, v0  }
0x1c3: {  	v2 =	vld [tilespmem:s7+$0x6410]  }
0x1c4: {  	v4 =	vld [tilespmem:s7+$0xC820];
	v1 =	vadd.f32 v6, v1;
	[tilespmem:s23+$0x12CE0] =	vst v0;
	s23 =	smov.u32 s7  }
0x1c5: {  	v0 =	vld [tilespmem:s23+$0x6420]  }
0x1c6: {  	v3 =	vadd.f32 v3, v7;
	v6 =	vld [tilespmem:s23+$0xC830];
	[tilespmem:s23+$0x12CF0] =	vst v1  }
0x1c7: {  	v1 =	vld [tilespmem:s23+$0x6430]  }
0x1c8: {  	[tilespmem:s23+$0x12C00] =	vst v3;
	v2 =	vadd.f32 v2, v5;
	v3 =	vld [tilespmem:s23+$0xC840]  }
0x1c9: {  	v5 =	vld [tilespmem:s23+$0x6440]  }
0x1ca: {  	[tilespmem:s23+$0x12C10] =	vst v2;
	v0 =	vadd.f32 v0, v4;
	v2 =	vld [tilespmem:s23+$0xC850]  }
0x1cb: {  	v4 =	vld [tilespmem:s23+$0x6450]  }
0x1cc: {  	[tilespmem:s23+$0x12C20] =	vst v0;
	v0 =	vadd.f32 v1, v6;
	v1 =	vld [tilespmem:s23+$0xC860]  }
0x1cd: {  	v6 =	vld [tilespmem:s23+$0x6460]  }
0x1ce: {  	[tilespmem:s23+$0x12C30] =	vst v0;
	v0 =	vadd.f32 v5, v3;
	v3 =	vld [tilespmem:s23+$0xC870]  }
0x1cf: {  	v5 =	vld [tilespmem:s23+$0x6470]  }
0x1d0: {  	[tilespmem:s23+$0x12C40] =	vst v0;
	v0 =	vadd.f32 v4, v2;
	v2 =	vld [tilespmem:s23+$0xC880]  }
0x1d1: {  	v4 =	vld [tilespmem:s23+$0x6480]  }
0x1d2: {  	[tilespmem:s23+$0x12C50] =	vst v0;
	v0 =	vadd.f32 v6, v1;
	v1 =	vld [tilespmem:s23+$0xC890]  }
0x1d3: {  	v6 =	vld [tilespmem:s23+$0x6490]  }
0x1d4: {  	[tilespmem:s23+$0x12C60] =	vst v0;
	v0 =	vadd.f32 v5, v3;
	v3 =	vld [tilespmem:s23+$0xC8A0]  }
0x1d5: {  	v5 =	vld [tilespmem:s23+$0x64A0]  }
0x1d6: {  	[tilespmem:s23+$0x12C70] =	vst v0;
	v0 =	vadd.f32 v4, v2;
	v4 =	vld [tilespmem:s23+$0xC8B0]  }
0x1d7: {  	v7 =	vld [tilespmem:s23+$0x64B0]  }
0x1d8: {  	[tilespmem:s23+$0x12C80] =	vst v0;
	v0 =	vadd.f32 v6, v1;
	v6 =	vld [tilespmem:s23+$0xC8C0]  }
0x1d9: {  	v8 =	vld [tilespmem:s23+$0x64C0]  }
.Ltmp5:
0x1da: {  	[tilespmem:s23+$0x12C90] =	vst v0;
	v0 =	vadd.f32 v5, v3;
	v2 =	vld [tilespmem:s23+$0xC8D0];
	(pc) =	sbr.rel @p0 .LBB2_9-.Ltmp5, $4  }
0x1db: {  	v3 =	vld [tilespmem:s23+$0x64D0]  }
0x1dc: {  	[tilespmem:s23+$0x12CA0] =	vst v0;
	v5 =	vadd.f32 v7, v4;
	v0 =	vld [tilespmem:s23+$0xC8E0]  }
0x1dd: {  	s7 =	sshra.s32 s8, $0x2;
	v4 =	vld [tilespmem:s23+$0x64E0]  }
0x1de: {  	s8 =	sadd.s32 $0x400, s8;
	v1 =	vld [tilespmem:s7+$0xC8F0];
	[tilespmem:s23+$0x12CB0] =	vst v5;
	v5 =	vadd.f32 v8, v6  }
0x1df: {  	v6 =	vld [tilespmem:s7+$0x64F0]  }
0x1e0: {  	v7 =	vld [tilespmem:s7+$0xC800];
	[tilespmem:s23+$0x12CC0] =	vst v5;
	v2 =	vadd.f32 v3, v2  }
0x1e1: {  	v28 =	vld [tilespmem:s7+$0x6400]  }
0x1e2: {  	v5 =	vld [tilespmem:s7+$0xC810];
	[tilespmem:s23+$0x12CD0] =	vst v2;
	v0 =	vadd.f32 v4, v0  }
0x1e3: {  	v2 =	vld [tilespmem:s7+$0x6410]  }
0x1e4: {  	v29 =	vld [tilespmem:s7+$0xC820];
	[tilespmem:s23+$0x12CE0] =	vst v0  }
0x1e5: {  	v31 =	vld [tilespmem:s7+$0x6420]  }
0x1e6: {  	v32 =	vld [tilespmem:s7+$0xC830]  }
0x1e7: {  	v33 =	vld [tilespmem:s7+$0x6430]  }
0x1e8: {  	v34 =	vld [tilespmem:s7+$0xC840]  }
0x1e9: {  	v35 =	vld [tilespmem:s7+$0x6440]  }
0x1ea: {  	v36 =	vld [tilespmem:s7+$0xC850]  }
0x1eb: {  	v37 =	vld [tilespmem:s7+$0x6450]  }
0x1ec: {  	v38 =	vld [tilespmem:s7+$0xC860]  }
0x1ed: {  	v39 =	vld [tilespmem:s7+$0x6460]  }
0x1ee: {  	v41 =	vld [tilespmem:s7+$0xC870]  }
0x1ef: {  	v42 =	vld [tilespmem:s7+$0x6470]  }
0x1f0: {  	v44 =	vld [tilespmem:s7+$0xC880]  }
0x1f1: {  	v45 =	vld [tilespmem:s7+$0x6480]  }
0x1f2: {  	v47 =	vld [tilespmem:s7+$0xC890]  }
0x1f3: {  	v30 =	vadd.f32 v6, v1;
	v48 =	vld [tilespmem:s7+$0x6490]  }
0x1f4: {  	v50 =	vld [tilespmem:s7+$0xC8A0];
	v3 =	vadd.f32 v28, v7  }
0x1f5: {  	v51 =	vld [tilespmem:s7+$0x64A0];
	[tilespmem:s7+$0x12CF0] =	vst v30;
	v2 =	vadd.f32 v2, v5  }
0x1f6: {  	v53 =	vld [tilespmem:s7+$0xC8B0];
	[tilespmem:s7+$0x12C00] =	vst v3;
	v1 =	vadd.f32 v31, v29  }
0x1f7: {  	v54 =	vld [tilespmem:s7+$0x64B0];
	[tilespmem:s7+$0x12C10] =	vst v2;
	v0 =	vadd.f32 v33, v32  }
0x1f8: {  	v56 =	vld [tilespmem:s7+$0xC8C0];
	v40 =	vadd.f32 v35, v34;
	[tilespmem:s7+$0x12C20] =	vst v1  }
0x1f9: {  	v57 =	vld [tilespmem:s7+$0x64C0];
	v43 =	vadd.f32 v37, v36;
	[tilespmem:s7+$0x12C30] =	vst v0  }
0x1fa: {  	v59 =	vld [tilespmem:s7+$0xC8D0];
	v46 =	vadd.f32 v39, v38;
	[tilespmem:s7+$0x12C40] =	vst v40  }
0x1fb: {  	v60 =	vld [tilespmem:s7+$0x64D0];
	v49 =	vadd.f32 v42, v41;
	[tilespmem:s7+$0x12C50] =	vst v43  }
0x1fc: {  	v61 =	vld [tilespmem:s7+$0xC8E0];
	v52 =	vadd.f32 v45, v44;
	[tilespmem:s7+$0x12C60] =	vst v46  }
0x1fd: {  	v62 =	vld [tilespmem:s7+$0x64E0];
	v55 =	vadd.f32 v48, v47;
	[tilespmem:s7+$0x12C70] =	vst v49  }
0x1fe: {  	v58 =	vadd.f32 v51, v50;
	[tilespmem:s7+$0x12C80] =	vst v52  }
0x1ff: {  	v2 =	vadd.f32 v54, v53;
	[tilespmem:s7+$0x12C90] =	vst v55  }
0x200: {  	v63 =	vadd.f32 v60, v59;
	[tilespmem:s7+$0x12CA0] =	vst v58  }
.Ltmp6:
0x201: {  	s5 =	sadd.s32 s3, s5;
	v1 =	vadd.f32 v57, v56;
	[tilespmem:s7+$0x12CB0] =	vst v2;
	(pc) =	sbr.rel @p1 .LBB2_12-.Ltmp6, $4  }
0x202: {  	s5 =	smul.u32 $0xC80, s5;
	v0 =	vadd.f32 v62, v61;
	[tilespmem:s7+$0x12CD0] =	vst v63  }
0x203: {  	[tilespmem:s7+$0x12CC0] =	vst v1  }
0x204: {  	s5 =	sadd.s32 s6, s5;
	[tilespmem:s7+$0x12CE0] =	vst v0  }
0x205: {  	[hbm4b:s5+s29] =	stream.strided.scatter [tilespmem:s15], [sflag:$0x8], $0x1900, s30, s29, $0x38;
	[tilespmem:$0x14500] =	vst v63  }
0x206: {  	s5 =	smul.u32 $0xC80, s21;
	_ =	sdelay $0x1  }
.Ltmp7:
0x207: {  	s5 =	sshra.s32 s5, $0x2;
	(pc) =	sbr.rel .LBB2_2-.Ltmp7, $4  }
0x208: {  	s7 =	sadd.s32 $0x578, s5  }
0x209: {  	[tilespmem:s24], [sflag:$0x4] =	stream.indirect.gather [hbm4b:s4+s11], $0x20, s7, s11, $0xb8;
	[tilespmem:$0x14500] =	vst v63  }
0x20a: {  	s21 =	sadd.s32 $0x1, s21;
	s5 =	sadd.s32 $0x5E0, s5  }
0x20b: {  	[tilespmem:s26], [sflag:$0x4] =	stream.indirect.gather [hbm4b:s4+s13], $0x20, s5, s13, $0xb8;
	[tilespmem:$0x14500] =	vst v63  }
.LBB2_13:
0x20c: {  	_ =	sfence.sel $0x180000  }
0x20d: {  	[bflag:$0x0] =	sbarrier.arrive $0xFFFF  }
0x20e: {  	_ =	strace $0x90000047  }
0x20f: {  	s0 =	stileid.u32;
	[bflag:$0x2] =	sbarrier.arrive $0xFFFF  }
0x210: {  	p0 =	sne.s32 s0, $0x0;
	s0 =	rddreg [dreg:$0x2]  }
0x211: {  	s0 =	sadd.s32 @!p0 $0x100000, s0  }
0x212: {  	[sflag:s0] =	ssyncadd.tile.s32 @!p0 $0x1;
	_ =	shalt  }
.Lfunc_end2:
_tile_overlayer_lowered:
.L_overlay_start_2:
0x213: {  	(tag) =	ssettag $0x2  }
0x214: {  	s0 =	rddreg [dreg:$0x0];
	s2 =	stileid.u32  }
0x215: {  	s1 =	rddreg [dreg:$0x1];
	p0 =	sne.s32 s2, $0x0  }
0x216: {  	s3 =	rddreg [dreg:$0x2];
	[bflag:$0x3] =	sbarrier.arrive $0xFFFF;
	s2 =	simm.s32 @!p0 $0x1C09  }
0x217: {  	[timem:s3], [sflag:s2] =	dma.local @!p0 [hbm:s0], s1  }
0x218: {  	s0 =	simm.s32 @!p0 $0x9  }
0x219: {  	_ =	swait.ge @!p0 [sflag:s0], s1  }
0x21a: {  	s1 =	ssub.s32 @!p0 $0x0, s1;
	[sflag:s0] =	ssyncset.done @!p0 $0x0  }
0x21b: {  	[sflag:s0] =	ssyncadd.s32 @!p0 s1  }
0x21c: {  	[bflag:$0x3] =	sbarrier.arrive $0xFFFF  }
0x21d: {  	_ =	shalt  }

// kernel: sparse-core-data-format-call.cloned.1.call-start
scs
called_computation_lowered:
.L_overlay_start_0:
0x0: {  	s2 =	sld [smem:$0x3FD9]  }
0x1: {  	s3 =	sld [smem:$0x3FFE];
	_ =	sdelay $0x1  }
0x2: {  	s1 =	srdreg.scid  }
0x3: {  	s0 =	sand.u32 $0x1, s1  }
0x4: {  	s18 =	sshll.u32 s0, $0xA;
	s2 =	sadd.s32 s3, s2  }
0x5: {  	s2 =	sadd.s32 s2, s18  }
0x6: {  	[smem:$0x3FC5] =	sst s2  }
0x7: {  	_ = 	snop  }
0x8: {  	s2 =	sld [smem:$0x3FD0];
	(tm) =	ssettm $0x1  }
0x9: {  	s19 =	sld [smem:$0x3FFB];
	_ =	sdelay $0x3  }
0xa: {  	_ =	strace s19  }
0xb: {  	s3 =	sld [smem:$0x3FFC];
	_ =	sdelay $0x3  }
0xc: {  	_ =	strace s3  }
0xd: {  	s3 =	sld [smem:$0x3FFD];
	_ =	sdelay $0x3  }
0xe: {  	_ =	strace s3  }
0xf: {  	_ =	strace $0x8FFFFFFF  }
0x10: {  	s20 =	sld [smem:$0x3FDB];
	_ =	sdelay $0x1  }
0x11: {  	s4 =	simm.s32 $_scs_section_size  }
0x12: {  	s5 =	simm.s32 $_size__tile_overlayer_lowered;
	s6 =	simm.s32 $_tile_overlayer_lowered  }
0x13: {  	s23 =	simm.s32 $0x1BFF;
	s22 =	sshll.u32 s6, $0x1;
	s3 =	sadd.s32 s4, s20  }
0x14: {  	s7 =	simm.s32 $0x0;
	s21 =	sshll.u32 s5, $0x1;
	s5 =	sadd.s32 s22, s3  }
0x15: {  	[timem:s7], [sflag:s23] =	dma.local [hbm:s5], s21  }
0x16: {  	_ =	swait.ge [sflag:s23], s21  }
0x17: {  	s4 =	ssub.s32 $0x0, s21;
	[sflag:s23] =	ssyncset.done $0x0  }
0x18: {  	[sflag:s23] =	ssyncadd.s32 s4;
	_ =	sdelay $0x1  }
0x19: {  	s24 =	simm.s32 $0x1B8B  }
0x1a: {  	_ =	swait.ge [sflag:s24], $0x1  }
0x1b: {  	[sflag:s24] =	ssyncset.done $0x0  }
0x1c: {  	s26 =	simm.s32 $0x1B8E;
	s25 =	sld [smem:$0x3FFE];
	[sflag:s24] =	ssyncadd.s32 $0xFFFFFFFF  }
0x1d: {  	s27 =	simm.s32 $execute0_lowered;
	[smem:$0x3FD2] =	sst s26  }
0x1e: {  	s5 =	sshll.u32 s27, $0x1;
	_ =	strace $0x80000049;
	[dreg:$0x1] =	wrdreg $0xFFFFFFFF  }
0x1f: {  	s28 =	simm.s32 $_size_execute0_lowered;
	s3 =	sadd.s32 s3, s5;
	[dreg:$0x0] =	wrdreg $0x0  }
0x20: {  	s5 =	sshll.u32 s28, $0x1;
	[dreg:$0x2] =	wrdreg s3  }
0x21: {  	[dreg:$0x3] =	wrdreg s5  }
0x22: {  	[dreg:$0x4] =	wrdreg $0xC0  }
0x23: {  	_ =	task [dreg:s7], $0x5FFFF  }
0x24: {  	[dreg:$0x1] =	wrdreg $0xFFFFFFFF  }
0x25: {  	[dreg:$0x0] =	wrdreg $0x60  }
0x26: {  	[dreg:$0x2] =	wrdreg s25  }
0x27: {  	[dreg:$0x3] =	wrdreg s2  }
0x28: {  	[dreg:$0x4] =	wrdreg $0x9  }
0x29: {  	_ =	task.clear_ibuf [dreg:s7], $0x5FFFF;
	_ =	strace $0x90000049  }
0x2a: {  	s29 =	simm.s32 $0x9;
	_ =	strace $0x8000004B  }
0x2b: {  	_ =	swait.ge [sflag:s29], $0x1  }
0x2c: {  	[sflag:s29] =	ssyncadd.s32 $0xFFFFFFFF  }
0x2d: {  	_ =	strace $0x9000004B  }
0x2e: {  	_ =	sfence  }
0x2f: {  	s30 =	sld [smem:$0x0];
	_ =	sdelay $0x2  }
0x30: {  	s31 =	sshll.u32 s1, $0xD;
	s1 =	sshrl.u32 s1, $0x2  }
0x31: {  	s3 =	sand.u32 $0x4000, s31;
	s1 =	sadd.s32 s1, s30  }
0x32: {  	s0 =	sor.u32 s3, s0;
	s1 =	sshll.u32 s1, $0x11  }
0x33: {  	s0 =	sor.u32 s1, s0  }
0x34: {  	s0 =	sadd.s32 $0x8F2B, s0  }
0x35: {  	[sflag:s0] =	ssyncadd.remote.s32 $0x1  }
0x36: {  	_ =	sfence.sel $0xFFFF  }
0x37: {  	[dreg:$0x0] =	wrdreg $0xFFFFFFFF;
	(pc) =	sbr.abs _section_cstart, $3  }
0x38: {  	[dreg:$0x1] =	wrdreg $0xFFFFFFFF  }
0x39: {  	_ =	task.clear_ibuf [dreg:s7], $0x2FFFF;
	_ =	strace $0x9FFFFFFF  }
0x3a: {  	(tm) =	ssettm $0x7FFFFFFF  }
0x3b: {  	_ =	shalt  }
tec
execute0_lowered:
.L_overlay_start_1:
0x0: {  	(tag) =	ssettag $0x1  }
0x1: {  	s0 =	srdreg.scid  }
0x2: {  	s1 =	sshll.u32 s0, $0x4  }
0x3: {  	s0 =	stileid.u32;
	s1 =	sand.u32 $0x10, s1  }
0x4: {  	s1 =	sor.u32 s0, s1  }
0x5: {  	s6 =	rddreg [dreg:$0x0];
	s4 =	simm.s32 $0x1;
	s2 =	sshll.u32 s1, $0x7  }
0x6: {  	s7 =	simm.s32 $0x2;
	s12 =	simm.s32 $0x0;
	s1 =	ssub.s32 $0x1000, s2  }
0x7: {  	s8 =	simm.s32 $0x8000;
	s13 =	simm.s32 $0x0;
	s3 =	sand.u32 $0xF80, s1  }
0x8: {  	s9 =	simm.s32 $0x0;
	s5 =	sshrl.u32 s1, $0xC;
	p0 =	sne.s32 s3, $0x0  }
.Ltmp0:
0x9: {  	s1 =	rddreg [dreg:$0x2];
	s4 =	simm.s32 @!p0 $0x0;
	(pc) =	sbr.rel .LBB1_1-.Ltmp0, $4  }
0xa: {  	s11 =	simm.s32 $0x0;
	s3 =	rddreg [dreg:$0x1];
	s5 =	sadd.s32 s4, s5  }
0xb: {  	_ =	strace $0x8000004A;
	s4 =	simm.s32 $0x1;
	s5 =	smul.u32 $0xC8, s5  }
0xc: {  	s6 =	sadd.s32 $0x1000, s6;
	s10 =	smov.u32 s2;
	[sflag:s4] =	ssyncpa.u1 $0x0  }
0xd: {  	p0 =	por $0x0, $0x0;
	[sflag:s7] =	ssyncpa.u1 $0x0;
	s7 =	sor.u32 $0x1, s5  }
.LBB1_4:
0xe: {  	s16 =	sshll.u32 s13, $0x3;
	s17 =	sand.u32 $0x78, s13  }
0xf: {  	s30 =	sand.u32 $0x3E00, s13;
	s12 =	sshll.u32 s12, $0xE;
	s16 =	sand.u32 $0xC00, s16  }
0x10: {  	s31 =	sand.u32 $0x7, s13;
	s16 =	sor.u32 s17, s16;
	s17 =	sadd.s32 s3, s30  }
0x11: {  	s13 =	sshll.u32 s31, $0x12;
	s16 =	sshrl.u32 s16, $0x3;
	s12 =	sadd.s32 s12, s17  }
0x12: {  	[tilespmem:s15+$0x0 ss:$0x81] =	vst.msk $0xffff, v0;
	s13 =	sor.u32 $0x400, s13;
	s12 =	sadd.s32 s16, s12  }
0x13: {  	[hbm4b:s12+s13] =	stream.strided.scatter [tilespmem:s14], [sflag:$0x2], $0x1000, s8, s13, $0x20;
	[tilespmem:$0x4040] =	vst v63  }
.LBB1_5:
0x14: {  	s14 =	sadd.s32 $0x1, s9  }
0x15: {  	s12 =	sadd.s32 $0x1000, s10;
	s16 =	smov.u32 s10;
	p2 =	sgt.s32 s14, $0xC7  }
0x16: {  	s16 =	smov.u32 @p2 s12  }
0x17: {  	s14 =	simm.s32 @p2 $0x0;
	p2 =	sgt.s32 s16, $0xFFF  }
0x18: {  	s16 =	smov.u32 @p2 s2;
	p2 =	sne.s32 s11, s7  }
.Ltmp1:
0x19: {  	p1 =	slt.u32 s11, $0x2;
	(pc) =	sbr.rel @!p2 .LBB1_6-.Ltmp1, $4  }
0x1a: {  	s15 =	simm.s32 @!p1 $0x2  }
0x1b: {  	s13 =	smov.u32 s10;
	p0 =	por !p0, !p0;
	_ =	swait.ge @!p1 [sflag:s15], $0x1000  }
0x1c: {  	s12 =	smov.u32 s9;
	[sflag:s15] =	ssyncset.done @!p1 $0x0;
	s9 =	smov.u32 s14  }
0x1d: {  	s11 =	sadd.s32 $0x1, s11;
	[sflag:s15] =	ssyncadd.s32 @!p1 $0xFFFFF000;
	s10 =	smov.u32 s16  }
.LBB1_1:
0x1e: {  	p1 =	sge.u32 s11, s5  }
0x1f: {  	s14 =	sand.u32 @!p1 $0x1FFFFFF, s9  }
0x20: {  	s15 =	smulhi.u32 @!p1 $0x147AE15, s14;
	_ =	sdelay $0x1  }
0x21: {  	s15 =	smul.u32 @!p1 $0xC8, s15  }
0x22: {  	s16 =	sxor.u32 @!p1 $0xFFFFFFFF, s11;
	s17 =	smul.u32 @!p1 $0xC80, s10  }
0x23: {  	s31 =	sadd.s32 $0xFFFFFFFF, s11;
	s16 =	sshll.u32 @!p1 s16, $0xC;
	s14 =	ssub.s32 @!p1 s14, s15  }
0x24: {  	s15 =	sand.u32 @!p1 $0x1000, s16;
	s16 =	sadd.s32 @!p1 s6, s17;
	s14 =	sshll.u32 @!p1 s14, $0x4  }
0x25: {  	s17 =	simm.s32 @!p1 $0x6400;
	s14 =	sadd.s32 @!p1 s14, s16;
	s16 =	simm.s32 @!p1 $0x20  }
0x26: {  	[tilespmem:s15], [sflag:$0x1] =	stream.strided.gather @!p1 [hbm4b:s14+s16], $0x1000, s17, s16, $0x38;
	[tilespmem:$0x4040] =	vst v63  }
0x27: {  	p1 =	sge.u32 s31, s5  }
.Ltmp2:
0x28: {  	_ = 	snop;
	(pc) =	sbr.rel @p1 .LBB1_5-.Ltmp2, $1  }
0x29: {  	_ =	sdelay $0x3  }
0x2a: {  	s14 =	simm.s32 $0x1  }
0x2b: {  	_ =	swait.ge [sflag:s4], $0x1000;
	s14 =	simm.s32 @!p0 $0x0  }
0x2c: {  	[sflag:s4] =	ssyncset.done $0x0;
	s15 =	sshll.u32 s14, $0xC  }
0x2d: {  	[sflag:s4] =	ssyncadd.s32 $0xFFFFF000;
	s18 =	sor.u32 $0x10, s15  }
0x2e: {  	s14 =	smul.u32 $0x4080, s14;
	v1 =	vld [tilespmem:s18+$0x0]  }
0x2f: {  	s30 =	sand.u32 $0x1, s11;
	v0 =	vld [tilespmem:s18+$0xFFFFFFF0]  }
0x30: {  	s15 =	smul.u32 $0x4080, s30;
	s14 =	sshrl.u32 s14, $0x2  }
0x31: {  	s16 =	sor.u32 $0x2000, s14  }
0x32: {  	s31 =	sshrl.u32 s15, $0x2;
	s15 =	sadd.s32 $0x0, s16  }
0x33: {  	s17 =	simm.s32 $0x4;
	s18 =	sadd.s32 $0x20, s18;
	s14 =	sor.u32 $0x2000, s31;
	[tilespmem:s15+$0x810 ss:$0x81] =	vst.msk $0xffff, v1  }
.LBB1_3:
0x34: {  	v1 =	vld [tilespmem:s18+$0x0];
	p1 =	sne.s32 s17, $0x1FC;
	[tilespmem:s15+$0x0 ss:$0x81] =	vst.msk $0xffff, v0;
	s15 =	smov.u32 s17;
	s17 =	sadd.s32 $0x4, s17  }
.Ltmp3:
0x35: {  	v0 =	vld [tilespmem:s18+$0xFFFFFFF0];
	(pc) =	sbr.rel @p1 .LBB1_3-.Ltmp3, $4  }
0x36: {  	_ = 	snop  }
0x37: {  	s15 =	sshra.s32 s15, $0x2  }
0x38: {  	s15 =	sadd.s32 s15, s16  }
0x39: {  	s18 =	sadd.s32 $0x20, s18;
	[tilespmem:s15+$0x810 ss:$0x81] =	vst.msk $0xffff, v1  }
.Ltmp4:
0x3a: {  	_ = 	snop;
	(pc) =	sbr.rel .LBB1_4-.Ltmp4, $1  }
0x3b: {  	_ =	sdelay $0x3  }
.LBB1_6:
0x3c: {  	_ =	sfence.sel $0x180000  }
0x3d: {  	s2 =	simm.s32 $0x1;
	[bflag:$0x0] =	sbarrier.arrive $0xFFFF  }
0x3e: {  	s31 =	simm.s32 $0x2;
	[sflag:s2] =	ssyncpa.u1 $0x1  }
0x3f: {  	[sflag:s31] =	ssyncpa.u1 $0x1  }
0x40: {  	p0 =	sne.s32 s0, $0x0;
	_ =	strace $0x9000004A  }
0x41: {  	s0 =	sadd.s32 @!p0 $0x100000, s1;
	[bflag:$0x2] =	sbarrier.arrive $0xFFFF  }
0x42: {  	[sflag:s0] =	ssyncadd.tile.s32 @!p0 $0x1;
	_ =	shalt  }
.Lfunc_end1:
_tile_overlayer_lowered:
.L_overlay_start_2:
0x43: {  	(tag) =	ssettag $0x2  }
0x44: {  	s0 =	rddreg [dreg:$0x0];
	s2 =	stileid.u32  }
0x45: {  	s1 =	rddreg [dreg:$0x1];
	p0 =	sne.s32 s2, $0x0  }
0x46: {  	s3 =	rddreg [dreg:$0x2];
	[bflag:$0x3] =	sbarrier.arrive $0xFFFF;
	s2 =	simm.s32 @!p0 $0x1C01  }
0x47: {  	[timem:s3], [sflag:s2] =	dma.local @!p0 [hbm:s0], s1  }
0x48: {  	s0 =	simm.s32 @!p0 $0x1  }
0x49: {  	_ =	swait.ge @!p0 [sflag:s0], s1  }
0x4a: {  	s1 =	ssub.s32 @!p0 $0x0, s1;
	[sflag:s0] =	ssyncset.done @!p0 $0x0  }
0x4b: {  	[sflag:s0] =	ssyncadd.s32 @!p0 s1  }
0x4c: {  	[bflag:$0x3] =	sbarrier.arrive $0xFFFF  }
0x4d: {  	_ =	shalt  }

</sc_bundles>
